<compile_context>
chip_gen: v7x
topology: tpu7x:2x2x1
jax: 0.10.2.dev20260603
libtpu: 0.0.44.dev20260713+nightly
codegen_flags: <defaults>
</compile_context>

<pallas_src>
import functools
import math

import jax
import jax.numpy as jnp
from jax import lax
from jax.experimental import pallas as pl
from jax.experimental.pallas import tpu as pltpu
from jax.experimental.pallas import tpu_sc as plsc

F32 = jnp.float32
I32 = jnp.int32

NUM_WORKERS = 32
SC_CHUNK = 64


def _stage1_body(cond_ref, lat_ref, WkT_ref, bk_ref, WvT_ref, bv_ref,
                 WlatT_ref, be1_ref, K_ref, V_ref, LP_ref):
    cond = cond_ref[...]
    K_ref[...] = jnp.dot(cond, WkT_ref[...],
                         preferred_element_type=F32) + bk_ref[...]
    V_ref[...] = jnp.dot(cond, WvT_ref[...],
                         preferred_element_type=F32) + bv_ref[...]
    lat = lat_ref[...]
    cols = []
    for i in range(3):
        for j in range(3):
            c = (lat[:, 3 * i + 0] * lat[:, 3 * j + 0]
                 + lat[:, 3 * i + 1] * lat[:, 3 * j + 1]
                 + lat[:, 3 * i + 2] * lat[:, 3 * j + 2])
            cols.append(c[:, None])
    cols.append(jnp.zeros((lat.shape[0], 7), F32))
    ips = jnp.concatenate(cols, axis=1)
    LP_ref[...] = jnp.dot(ips, WlatT_ref[...],
                          preferred_element_type=F32) + be1_ref[...]


def _stage2_body(h0_ref, n2g_ref, Kr_ref, Vr_ref, WqT_ref, bq_ref,
                 WoT_ref, bo_ref, WhiT_ref, WhjT_ref,
                 h_ref, P1_ref, P2_ref, *, bn, B, T, D):
    h0 = h0_ref[...]
    Q = jnp.dot(h0, WqT_ref[...], preferred_element_type=F32) + bq_ref[...]
    g = n2g_ref[0, 0, :]
    iota = lax.broadcasted_iota(I32, (bn, B), 1)
    sel = (g[:, None] == iota).astype(F32)
    Kn = jnp.dot(sel, Kr_ref[...], preferred_element_type=F32)
    Vn = jnp.dot(sel, Vr_ref[...], preferred_element_type=F32)
    inv = 1.0 / math.sqrt(D)
    score_cols = []
    for t in range(T):
        kt = Kn[:, t * D:(t + 1) * D]
        score_cols.append(jnp.sum(Q * kt, axis=-1, keepdims=True) * inv)
    scores = jnp.concatenate(score_cols, axis=1)
    m = jnp.max(scores, axis=-1, keepdims=True)
    p = jnp.exp(scores - m)
    attn = p / jnp.sum(p, axis=-1, keepdims=True)
    ao = jnp.zeros((bn, D), F32)
    for t in range(T):
        ao = ao + attn[:, t:t + 1] * Vn[:, t * D:(t + 1) * D]
    h = h0 + jnp.dot(ao, WoT_ref[...], preferred_element_type=F32) + bo_ref[...]
    h_ref[...] = h
    P1_ref[...] = jnp.dot(h, WhiT_ref[...], preferred_element_type=F32)
    P2_ref[...] = jnp.dot(h, WhjT_ref[...], preferred_element_type=F32)


def _sc_gather_body(P1_hbm, P2_hbm, FR_hbm, e0_hbm, e1_hbm,
                    z1_hbm, z2_hbm, fd_hbm,
                    i0a, i1a, b1a, b2a, g1a, g2a,
                    i0b, i1b, b1b, b2b, g1b, g2b, fdbuf, sema, semb,
                    *, per_w, nch, ch):
    c = lax.axis_index("c")
    s = lax.axis_index("s")
    wid = s * 2 + c
    base_w = wid * per_w
    bufs = ((i0a, i1a, b1a, b2a, g1a, g2a, sema),
            (i0b, i1b, b1b, b2b, g1b, g2b, semb))

    def fire(k, slot):
        i0, i1, b1, b2, g1, g2, sem = bufs[slot]
        base = base_w + k * ch
        pltpu.sync_copy(e0_hbm.at[pl.ds(base, ch)], i0)
        pltpu.sync_copy(e1_hbm.at[pl.ds(base, ch)], i1)
        pltpu.async_copy(P1_hbm.at[i0], b1, sem)
        pltpu.async_copy(P2_hbm.at[i1], b2, sem)
        pltpu.async_copy(FR_hbm.at[i0], g1, sem)
        pltpu.async_copy(FR_hbm.at[i1], g2, sem)

    def drain(k, slot):
        i0, i1, b1, b2, g1, g2, sem = bufs[slot]
        base = base_w + k * ch
        pltpu.make_async_copy(P1_hbm.at[i0], b1, sem).wait()
        pltpu.make_async_copy(P2_hbm.at[i1], b2, sem).wait()
        pltpu.make_async_copy(FR_hbm.at[i0], g1, sem).wait()
        pltpu.make_async_copy(FR_hbm.at[i1], g2, sem).wait()
        pltpu.sync_copy(b1, z1_hbm.at[pl.ds(base, ch)])
        pltpu.sync_copy(b2, z2_hbm.at[pl.ds(base, ch)])

        def frac_diff(r, carry):
            fdbuf[r, pl.ds(0, 16)] = (g2[r, pl.ds(0, 16)]
                                      - g1[r, pl.ds(0, 16)])
            return carry

        lax.fori_loop(0, ch, frac_diff, 0)
        pltpu.sync_copy(fdbuf, fd_hbm.at[pl.ds(base, ch)])

    npairs = nch // 2
    fire(0, 0)
    fire(1, 1)

    def step(p, carry):
        k = 2 * p
        drain(k, 0)
        fire(k + 2, 0)
        drain(k + 1, 1)
        fire(k + 3, 1)
        return carry

    lax.fori_loop(0, npairs - 1, step, 0)
    drain(nch - 2, 0)
    drain(nch - 1, 1)


def _sc_count_body(e0_hbm, ones_hbm, zero_hbm, cnts_hbm,
                   ib, ob, zb, acc, *, per_w, nch, ch, npad):
    c = lax.axis_index("c")
    s = lax.axis_index("s")
    wid = s * 2 + c
    base_w = wid * per_w
    pltpu.sync_copy(ones_hbm, ob)
    pltpu.sync_copy(zero_hbm, zb)

    rows_per_tile = npad // 16
    nzc = rows_per_tile // ch

    def zero_spmem(q, carry):
        off = s * rows_per_tile + q * ch
        pltpu.sync_copy(zb, acc.at[pl.ds(off, ch)])
        return carry

    lax.fori_loop(0, nzc, zero_spmem, 0)
    plsc.subcore_barrier()

    def step(k, carry):
        base = base_w + k * ch
        pltpu.sync_copy(e0_hbm.at[pl.ds(base, ch)], ib)
        pltpu.sync_copy(ob, acc.at[ib], add=True)
        return carry

    lax.fori_loop(0, nch, step, 0)
    plsc.subcore_barrier()

    off = s * rows_per_tile
    pltpu.sync_copy(acc.at[pl.ds(off, rows_per_tile)],
                    cnts_hbm.at[c].at[pl.ds(off, rows_per_tile)])


def _stage4_body(z1_ref, z2_ref, fd_ref, eg_ref, LP_ref, WfdT_ref,
                 We2T_ref, be2_ref, y_ref, *, be, B, D):
    d = fd_ref[...]
    fd = d + jnp.where(d < 0, 1.0, 0.0)
    eg = eg_ref[0, 0, :]
    iota = lax.broadcasted_iota(I32, (be, B), 1)
    sel = (eg[:, None] == iota).astype(F32)
    z = (z1_ref[...] + z2_ref[...]
         + jnp.dot(fd, WfdT_ref[...], preferred_element_type=F32)
         + jnp.dot(sel, LP_ref[...], preferred_element_type=F32))
    u = z * jax.nn.sigmoid(z)
    v = jnp.dot(u, We2T_ref[...], preferred_element_type=F32) + be2_ref[...]
    y_ref[...] = v * jax.nn.sigmoid(v)


def _sc_sum_body(y_hbm, e0_hbm, zero_hbm, sums_hbm,
                 iba, yba, ibb, ybb, zb, acc, sema, semb,
                 *, per_w, nch, ch, npad):
    c = lax.axis_index("c")
    s = lax.axis_index("s")
    wid = s * 2 + c
    base_w = wid * per_w
    pltpu.sync_copy(zero_hbm, zb)

    rows_per_tile = npad // 16
    nzc = rows_per_tile // ch

    def zero_spmem(q, carry):
        off = s * rows_per_tile + q * ch
        pltpu.sync_copy(zb, acc.at[pl.ds(off, ch)])
        return carry

    lax.fori_loop(0, nzc, zero_spmem, 0)
    plsc.subcore_barrier()

    bufs = ((iba, yba, sema), (ibb, ybb, semb))

    def fire(k, slot):
        ib, yb, sem = bufs[slot]
        base = base_w + k * ch
        pltpu.sync_copy(e0_hbm.at[pl.ds(base, ch)], ib)
        pltpu.async_copy(y_hbm.at[pl.ds(base, ch)], yb, sem)

    def drain(k, slot):
        ib, yb, sem = bufs[slot]
        base = base_w + k * ch
        pltpu.make_async_copy(y_hbm.at[pl.ds(base, ch)], yb, sem).wait()
        pltpu.sync_copy(yb, acc.at[ib], add=True)

    npairs = nch // 2
    fire(0, 0)
    fire(1, 1)

    def step(p, carry):
        k = 2 * p
        drain(k, 0)
        fire(k + 2, 0)
        drain(k + 1, 1)
        fire(k + 3, 1)
        return carry

    lax.fori_loop(0, npairs - 1, step, 0)
    drain(nch - 2, 0)
    drain(nch - 1, 1)
    plsc.subcore_barrier()

    off = s * rows_per_tile
    pltpu.sync_copy(acc.at[pl.ds(off, rows_per_tile)],
                    sums_hbm.at[c].at[pl.ds(off, rows_per_tile)])


def _stage6_body(h_ref, h0_ref, s0_ref, s1_ref, c0_ref, c1_ref,
                 WnhT_ref, WnaT_ref, bn1_ref, Wn2T_ref, bn2_ref, out_ref):
    cnt = c0_ref[:, :1] + c1_ref[:, :1]
    agg = (s0_ref[...] + s1_ref[...]) / jnp.maximum(cnt, 1.0)
    a = (jnp.dot(h_ref[...], WnhT_ref[...], preferred_element_type=F32)
         + jnp.dot(agg, WnaT_ref[...], preferred_element_type=F32)
         + bn1_ref[...])
    a = a * jax.nn.sigmoid(a)
    b = jnp.dot(a, Wn2T_ref[...], preferred_element_type=F32) + bn2_ref[...]
    out_ref[...] = h0_ref[...] + b * jax.nn.sigmoid(b)


def _const_spec(shape):
    nd = len(shape)
    return pl.BlockSpec(shape, lambda *_: (0,) * nd)


def kernel(node_features, cond_tokens, node2graph, frac_coords, lattices,
           edges, edge2graph, Wq, bq, Wk, bk, Wv, bv, Wo, bo,
           We1, be1, We2, be2, Wn1, bn1, Wn2, bn2):
    N, D = node_features.shape
    B, T, _ = cond_tokens.shape
    E = edges.shape[1]

    BN = 256
    BE = 2048
    npad = ((N + BN - 1) // BN) * BN
    grain = NUM_WORKERS * SC_CHUNK * 2
    epad = ((E + grain - 1) // grain) * grain
    while epad % BE != 0:
        epad += grain
    n_nb = npad // BN
    n_eb = epad // BE
    per_w = epad // NUM_WORKERS
    nch = per_w // SC_CHUNK

    WqT = Wq.T
    WkT = Wk.T
    WvT = Wv.T
    WoT = Wo.T
    WhiT = We1[:, :D].T
    WhjT = We1[:, D:2 * D].T
    WlatT = jnp.pad(We1[:, 2 * D:2 * D + 9].T, ((0, 7), (0, 0)))
    WfdT = jnp.pad(We1[:, 2 * D + 9:2 * D + 12].T, ((0, 13), (0, 0)))
    We2T = We2.T
    WnhT = Wn1[:, :D].T
    WnaT = Wn1[:, D:].T
    Wn2T = Wn2.T
    b_row = lambda v: v.reshape(1, -1)

    h0p = jnp.pad(node_features, ((0, npad - N), (0, 0)))
    n2g3 = jnp.pad(node2graph, (0, npad - N)).reshape(n_nb, 1, BN)
    fr128 = jnp.pad(frac_coords, ((0, npad - N), (0, D - 3)))
    lat16 = jnp.pad(lattices.reshape(B, 9), ((0, 0), (0, 7)))
    zrows = jnp.zeros((SC_CHUNK, D), F32)
    orows = jnp.concatenate([jnp.ones((SC_CHUNK, 1), F32),
                             jnp.zeros((SC_CHUNK, D - 1), F32)], axis=1)
    condf = cond_tokens.reshape(B * T, D)

    e0p = jnp.pad(edges[0], (0, epad - E), constant_values=N)
    e1p = jnp.pad(edges[1], (0, epad - E), constant_values=0)
    eg3 = jnp.pad(edge2graph, (0, epad - E),
                  constant_values=0).reshape(n_eb, 1, BE)

    K, V, LP = pl.pallas_call(
        _stage1_body,
        out_shape=(jax.ShapeDtypeStruct((B * T, D), F32),
                   jax.ShapeDtypeStruct((B * T, D), F32),
                   jax.ShapeDtypeStruct((B, D), F32)),
    )(condf, lat16, WkT, b_row(bk), WvT, b_row(bv), WlatT, b_row(be1))
    Kr = K.reshape(B, T * D)
    Vr = V.reshape(B, T * D)

    body2 = functools.partial(_stage2_body, bn=BN, B=B, T=T, D=D)
    h, P1a, P2a = pl.pallas_call(
        body2,
        grid=(n_nb,),
        in_specs=[
            pl.BlockSpec((BN, D), lambda i: (i, 0)),
            pl.BlockSpec((1, 1, BN), lambda i: (i, 0, 0)),
            _const_spec((B, T * D)),
            _const_spec((B, T * D)),
            _const_spec((D, D)),
            _const_spec((1, D)),
            _const_spec((D, D)),
            _const_spec((1, D)),
            _const_spec((D, D)),
            _const_spec((D, D)),
        ],
        out_specs=[
            pl.BlockSpec((BN, D), lambda i: (i, 0)),
            pl.BlockSpec((BN, D), lambda i: (i, 0)),
            pl.BlockSpec((BN, D), lambda i: (i, 0)),
        ],
        out_shape=(jax.ShapeDtypeStruct((npad, D), F32),
                   jax.ShapeDtypeStruct((npad, D), F32),
                   jax.ShapeDtypeStruct((npad, D), F32)),
    )(h0p, n2g3, Kr, Vr, WqT, b_row(bq), WoT, b_row(bo), WhiT, WhjT)

    mesh = plsc.VectorSubcoreMesh(core_axis_name="c", subcore_axis_name="s",
                                  num_cores=2, num_subcores=16)
    count_body = functools.partial(_sc_count_body, per_w=per_w, nch=nch,
                                   ch=SC_CHUNK, npad=npad)
    cnts = pl.kernel(
        count_body,
        out_type=jax.ShapeDtypeStruct((2, npad, D), F32),
        mesh=mesh,
        scratch_types=[
            pltpu.VMEM((SC_CHUNK,), I32),
            pltpu.VMEM((SC_CHUNK, D), F32),
            pltpu.VMEM((SC_CHUNK, D), F32),
            pltpu.VMEM_SHARED((npad, D), F32),
        ],
    )(e0p, orows, zrows)

    gather_body = functools.partial(_sc_gather_body, per_w=per_w, nch=nch,
                                    ch=SC_CHUNK)
    z1, z2, fdh = pl.kernel(
        gather_body,
        out_type=(jax.ShapeDtypeStruct((epad, D), F32),
                  jax.ShapeDtypeStruct((epad, D), F32),
                  jax.ShapeDtypeStruct((epad, 16), F32)),
        mesh=mesh,
        scratch_types=[
            pltpu.VMEM((SC_CHUNK,), I32),
            pltpu.VMEM((SC_CHUNK,), I32),
            pltpu.VMEM((SC_CHUNK, D), F32),
            pltpu.VMEM((SC_CHUNK, D), F32),
            pltpu.VMEM((SC_CHUNK, D), F32),
            pltpu.VMEM((SC_CHUNK, D), F32),
            pltpu.VMEM((SC_CHUNK,), I32),
            pltpu.VMEM((SC_CHUNK,), I32),
            pltpu.VMEM((SC_CHUNK, D), F32),
            pltpu.VMEM((SC_CHUNK, D), F32),
            pltpu.VMEM((SC_CHUNK, D), F32),
            pltpu.VMEM((SC_CHUNK, D), F32),
            pltpu.VMEM((SC_CHUNK, 16), F32),
            pltpu.SemaphoreType.DMA,
            pltpu.SemaphoreType.DMA,
        ],
    )(P1a, P2a, fr128, e0p, e1p)

    body4 = functools.partial(_stage4_body, be=BE, B=B, D=D)
    y = pl.pallas_call(
        body4,
        grid=(n_eb,),
        in_specs=[
            pl.BlockSpec((BE, D), lambda i: (i, 0)),
            pl.BlockSpec((BE, D), lambda i: (i, 0)),
            pl.BlockSpec((BE, 16), lambda i: (i, 0)),
            pl.BlockSpec((1, 1, BE), lambda i: (i, 0, 0)),
            _const_spec((B, D)),
            _const_spec((16, D)),
            _const_spec((D, D)),
            _const_spec((1, D)),
        ],
        out_specs=pl.BlockSpec((BE, D), lambda i: (i, 0)),
        out_shape=jax.ShapeDtypeStruct((epad, D), F32),
    )(z1, z2, fdh, eg3, LP, WfdT, We2T, b_row(be2))

    sum_body = functools.partial(_sc_sum_body, per_w=per_w, nch=nch,
                                 ch=SC_CHUNK, npad=npad)
    sums = pl.kernel(
        sum_body,
        out_type=jax.ShapeDtypeStruct((2, npad, D), F32),
        mesh=mesh,
        scratch_types=[
            pltpu.VMEM((SC_CHUNK,), I32),
            pltpu.VMEM((SC_CHUNK, D), F32),
            pltpu.VMEM((SC_CHUNK,), I32),
            pltpu.VMEM((SC_CHUNK, D), F32),
            pltpu.VMEM((SC_CHUNK, D), F32),
            pltpu.VMEM_SHARED((npad, D), F32),
            pltpu.SemaphoreType.DMA,
            pltpu.SemaphoreType.DMA,
        ],
    )(y, e0p, zrows)

    out = pl.pallas_call(
        _stage6_body,
        grid=(n_nb,),
        in_specs=[
            pl.BlockSpec((BN, D), lambda i: (i, 0)),
            pl.BlockSpec((BN, D), lambda i: (i, 0)),
            pl.BlockSpec((BN, D), lambda i: (i, 0)),
            pl.BlockSpec((BN, D), lambda i: (i, 0)),
            pl.BlockSpec((BN, D), lambda i: (i, 0)),
            pl.BlockSpec((BN, D), lambda i: (i, 0)),
            _const_spec((D, D)),
            _const_spec((D, D)),
            _const_spec((1, D)),
            _const_spec((D, D)),
            _const_spec((1, D)),
        ],
        out_specs=pl.BlockSpec((BN, D), lambda i: (i, 0)),
        out_shape=jax.ShapeDtypeStruct((npad, D), F32),
    )(h, h0p, sums[0], sums[1], cnts[0], cnts[1],
      WnhT, WnaT, b_row(bn1), Wn2T, b_row(bn2))

    return out[:N]

# --- scband reference (transcript-rebuilt; emitter-appended) ---
"""Pipeline reference for scband-cross-attn-csplayer-86234353369159 (READ-ONLY COPY).

The authoritative reference and input builder live on the scoring server;
editing this copy changes nothing except your own understanding.
"""

import math
import jax, jax.numpy as jnp
import numpy as np


def _linear(x, W, b):
    return x @ W.T + b


def setup_inputs(seed: int = 0):
    key = jax.random.key(seed)
    ks = jax.random.split(key, 24)
    N, E, B, D, T = 10000, 320000, 256, 128, 8
    inp = {}
    inp['node_features'] = jax.random.normal(ks[0], (N, D), dtype=jnp.float32)
    inp['cond_tokens'] = jax.random.normal(ks[1], (B, T, D), dtype=jnp.float32)
    inp['node2graph'] = jnp.sort(jax.random.randint(ks[2], (N,), 0, B, dtype=jnp.int32))
    inp['frac_coords'] = jax.random.uniform(ks[3], (N, 3), dtype=jnp.float32)
    inp['lattices'] = jax.random.normal(ks[4], (B, 3, 3), dtype=jnp.float32)
    inp['edges'] = jax.random.randint(ks[5], (2, E), 0, N, dtype=jnp.int32)
    inp['edge2graph'] = jnp.sort(jax.random.randint(ks[6], (E,), 0, B, dtype=jnp.int32))

    def w(k, o, i):
        return jax.random.normal(k, (o, i), dtype=jnp.float32) * 0.05

    def bvec(k, o):
        return jax.random.normal(k, (o,), dtype=jnp.float32) * 0.01

    inp['Wq'] = w(ks[7], D, D); inp['bq'] = bvec(ks[8], D)
    inp['Wk'] = w(ks[9], D, D); inp['bk'] = bvec(ks[10], D)
    inp['Wv'] = w(ks[11], D, D); inp['bv'] = bvec(ks[12], D)
    inp['Wo'] = w(ks[13], D, D); inp['bo'] = bvec(ks[14], D)
    inp['We1'] = w(ks[15], D, 2 * D + 9 + 3); inp['be1'] = bvec(ks[16], D)
    inp['We2'] = w(ks[17], D, D); inp['be2'] = bvec(ks[18], D)
    inp['Wn1'] = w(ks[19], D, 2 * D); inp['bn1'] = bvec(ks[20], D)
    inp['Wn2'] = w(ks[21], D, D); inp['bn2'] = bvec(ks[22], D)
    return inp


def reference(node_features, cond_tokens, node2graph, frac_coords, lattices, edges, edge2graph,
              Wq, bq, Wk, bk, Wv, bv, Wo, bo, We1, be1, We2, be2, Wn1, bn1, Wn2, bn2):
    N, D = node_features.shape
    node_input = node_features
    h = node_features
    # cross attention: atoms attend to per-crystal condition tokens
    cond_per_atom = cond_tokens[node2graph]              # [N, T, D] gather
    Q = _linear(h, Wq, bq)                               # [N, D]
    K = _linear(cond_per_atom, Wk, bk)                   # [N, T, D]
    V = _linear(cond_per_atom, Wv, bv)                   # [N, T, D]
    scores = jnp.einsum('nd,ntd->nt', Q, K) / math.sqrt(D)
    attn = jax.nn.softmax(scores, axis=-1)
    attn_out = jnp.einsum('nt,ntd->nd', attn, V)
    h = h + _linear(attn_out, Wo, bo)
    # edge model
    hi = h[edges[0]]
    hj = h[edges[1]]
    xi = frac_coords[edges[0]]
    xj = frac_coords[edges[1]]
    frac_diff = (xj - xi) % 1.0
    lattice_ips = lattices @ jnp.swapaxes(lattices, -1, -2)   # ip=True
    lat_flat = lattice_ips.reshape(-1, 9)
    lat_edges = lat_flat[edge2graph]
    edges_input = jnp.concatenate([hi, hj, lat_edges, frac_diff], axis=1)
    e = jax.nn.silu(_linear(edges_input, We1, be1))
    e = jax.nn.silu(_linear(e, We2, be2))
    # node model: scatter-mean over dst index edges[0]
    sums = jax.ops.segment_sum(e, edges[0], num_segments=N)
    counts = jax.ops.segment_sum(jnp.ones((e.shape[0], 1), dtype=e.dtype), edges[0], num_segments=N)
    agg = sums / jnp.maximum(counts, 1.0)
    n_in = jnp.concatenate([h, agg], axis=1)
    n = jax.nn.silu(_linear(n_in, Wn1, bn1))
    n = jax.nn.silu(_linear(n, Wn2, bn2))
    return node_input + n

if __name__ == "__main__":
    import jax
    _d = setup_inputs()
    print(jax.jit(kernel)(*tuple(_d.values())))

</pallas_src>

<mosaic_0001>
#map = affine_map<(d0, d1) -> (0)>
#map1 = affine_map<(d0, d1) -> (0, 0)>
#map2 = affine_map<(d0, d1) -> (0, 0, 0)>
module attributes {stable_mosaic.version = 14 : i64} {
  func.func @_sc_count_body(%arg0: i32, %arg1: i32, %arg2: memref<323584xi32, #tpu.memory_space<hbm>>, %arg3: memref<64x128xf32, #tpu.memory_space<hbm>>, %arg4: memref<64x128xf32, #tpu.memory_space<hbm>>, %arg5: memref<2x10240x128xf32, #tpu.memory_space<hbm>>, %arg6: memref<64xi32, #tpu.memory_space<vmem>>, %arg7: memref<64x128xf32, #tpu.memory_space<vmem>>, %arg8: memref<64x128xf32, #tpu.memory_space<vmem>>, %arg9: memref<10240x128xf32, #tpu.memory_space<vmem_shared>>) attributes {dimension_semantics = [#tpu.dimension_semantics<core_parallel>, #tpu.dimension_semantics<subcore_parallel>], iteration_bounds = array<i64: 2, 16>, scalar_prefetch = 0 : i64, scratch_operands = 4 : i64, tpu.core_type = #tpu.core_type<sc_vector_subcore>, window_params = [{transform_indices = #map}, {transform_indices = #map1}, {transform_indices = #map1}, {transform_indices = #map2}]} {
    %mul3A = arith.constant 2 : i32
    %mul3A_0 = arith.muli %arg1, %mul3A : i32
    %add3A = arith.addi %mul3A_0, %arg0 : i32
    %mul3A_1 = arith.constant 10112 : i32
    %mul3A_2 = arith.muli %add3A, %mul3A_1 : i32
    "tpu.region"() ({
      %run_scoped3A = tpu.sem_alloc : memref<!tpu.dma_semaphore, #tpu.memory_space<semaphore_mem>>
      tpu.enqueue_dma source(%arg3 : memref<64x128xf32, #tpu.memory_space<hbm>>) target(%arg7 : memref<64x128xf32, #tpu.memory_space<vmem>>) target_semaphore(%run_scoped3A : memref<!tpu.dma_semaphore, #tpu.memory_space<semaphore_mem>>)
      tpu.wait_dma2 semaphore(%run_scoped3A : memref<!tpu.dma_semaphore, #tpu.memory_space<semaphore_mem>>) src(%arg3 : memref<64x128xf32, #tpu.memory_space<hbm>>) dst(%arg7 : memref<64x128xf32, #tpu.memory_space<vmem>>)
      tpu.yield
    }) : () -> ()
    "tpu.region"() ({
      %run_scoped3A = tpu.sem_alloc : memref<!tpu.dma_semaphore, #tpu.memory_space<semaphore_mem>>
      tpu.enqueue_dma source(%arg4 : memref<64x128xf32, #tpu.memory_space<hbm>>) target(%arg8 : memref<64x128xf32, #tpu.memory_space<vmem>>) target_semaphore(%run_scoped3A : memref<!tpu.dma_semaphore, #tpu.memory_space<semaphore_mem>>)
      tpu.wait_dma2 semaphore(%run_scoped3A : memref<!tpu.dma_semaphore, #tpu.memory_space<semaphore_mem>>) src(%arg4 : memref<64x128xf32, #tpu.memory_space<hbm>>) dst(%arg8 : memref<64x128xf32, #tpu.memory_space<vmem>>)
      tpu.yield
    }) : () -> ()
    %scan3A = arith.constant 0 : i32
    %scan3A_3 = arith.constant 0 : i32
    %scan3A_4 = arith.constant 10 : i32
    %scan3A_5 = arith.addi %scan3A_3, %scan3A_4 : i32
    %scan3A_6 = arith.constant 1 : i32
    scf.for %scan3A_17 = %scan3A_3 to %scan3A_5 step %scan3A_6  : i32 {
      %mul3A_18 = arith.constant 640 : i32
      %mul3A_19 = arith.muli %arg1, %mul3A_18 : i32
      %mul3A_20 = arith.constant 64 : i32
      %mul3A_21 = arith.muli %scan3A_17, %mul3A_20 : i32
      %add3A_22 = arith.addi %mul3A_19, %mul3A_21 : i32
      "tpu.region"() ({
        %run_scoped3A = tpu.sem_alloc : memref<!tpu.dma_semaphore, #tpu.memory_space<semaphore_mem>>
        %dma_start3A = arith.constant 0 : i32
        %dma_start3A_23 = tpu.memref_slice %arg9[%add3A_22, %dma_start3A] : memref<10240x128xf32, #tpu.memory_space<vmem_shared>> -> memref<64x128xf32, #tpu.memory_space<vmem_shared>>
        %dma_start3A_24 = arith.constant 0 : i32
        %dma_start3A_25 = tpu.memref_slice %arg9[%add3A_22, %dma_start3A_24] : memref<10240x128xf32, #tpu.memory_space<vmem_shared>> -> memref<64x128xf32, #tpu.memory_space<vmem_shared>>
        tpu.enqueue_dma source(%arg8 : memref<64x128xf32, #tpu.memory_space<vmem>>) target(%dma_start3A_25 : memref<64x128xf32, #tpu.memory_space<vmem_shared>>) target_semaphore(%run_scoped3A : memref<!tpu.dma_semaphore, #tpu.memory_space<semaphore_mem>>)
        %dma_wait3A = arith.constant 0 : i32
        %dma_wait3A_26 = tpu.memref_slice %arg9[%add3A_22, %dma_wait3A] : memref<10240x128xf32, #tpu.memory_space<vmem_shared>> -> memref<64x128xf32, #tpu.memory_space<vmem_shared>>
        %dma_wait3A_27 = arith.constant 0 : i32
        %dma_wait3A_28 = tpu.memref_slice %arg9[%add3A_22, %dma_wait3A_27] : memref<10240x128xf32, #tpu.memory_space<vmem_shared>> -> memref<64x128xf32, #tpu.memory_space<vmem_shared>>
        tpu.wait_dma2 semaphore(%run_scoped3A : memref<!tpu.dma_semaphore, #tpu.memory_space<semaphore_mem>>) src(%arg8 : memref<64x128xf32, #tpu.memory_space<vmem>>) dst(%dma_wait3A_28 : memref<64x128xf32, #tpu.memory_space<vmem_shared>>)
        tpu.yield
      }) : () -> ()
    }
    %scan3A_7 = arith.constant 10 : i32
    %barrier3A = arith.constant 0 : index
    tpu.barrier barrier_id(%barrier3A)
    %scan3A_8 = arith.constant 0 : i32
    %scan3A_9 = arith.constant 0 : i32
    %scan3A_10 = arith.constant 158 : i32
    %scan3A_11 = arith.addi %scan3A_9, %scan3A_10 : i32
    %scan3A_12 = arith.constant 1 : i32
    scf.for %scan3A_17 = %scan3A_9 to %scan3A_11 step %scan3A_12  : i32 {
      %mul3A_18 = arith.constant 64 : i32
      %mul3A_19 = arith.muli %scan3A_17, %mul3A_18 : i32
      %add3A_20 = arith.addi %mul3A_2, %mul3A_19 : i32
      "tpu.region"() ({
        %run_scoped3A = tpu.sem_alloc : memref<!tpu.dma_semaphore, #tpu.memory_space<semaphore_mem>>
        %dma_start3A = tpu.memref_slice %arg2[%add3A_20] : memref<323584xi32, #tpu.memory_space<hbm>> -> memref<64xi32, #tpu.memory_space<hbm>>
        %dma_start3A_21 = tpu.memref_slice %arg2[%add3A_20] : memref<323584xi32, #tpu.memory_space<hbm>> -> memref<64xi32, #tpu.memory_space<hbm>>
        tpu.enqueue_dma source(%dma_start3A_21 : memref<64xi32, #tpu.memory_space<hbm>>) target(%arg6 : memref<64xi32, #tpu.memory_space<vmem>>) target_semaphore(%run_scoped3A : memref<!tpu.dma_semaphore, #tpu.memory_space<semaphore_mem>>)
        %dma_wait3A = tpu.memref_slice %arg2[%add3A_20] : memref<323584xi32, #tpu.memory_space<hbm>> -> memref<64xi32, #tpu.memory_space<hbm>>
        %dma_wait3A_22 = tpu.memref_slice %arg2[%add3A_20] : memref<323584xi32, #tpu.memory_space<hbm>> -> memref<64xi32, #tpu.memory_space<hbm>>
        tpu.wait_dma2 semaphore(%run_scoped3A : memref<!tpu.dma_semaphore, #tpu.memory_space<semaphore_mem>>) src(%dma_wait3A_22 : memref<64xi32, #tpu.memory_space<hbm>>) dst(%arg6 : memref<64xi32, #tpu.memory_space<vmem>>)
        tpu.yield
      }) : () -> ()
      "tpu.region"() ({
        %run_scoped3A = tpu.sem_alloc : memref<!tpu.dma_semaphore, #tpu.memory_space<semaphore_mem>>
        %dma_start3A = arith.constant 0 : i32
        %dma_start3A_21 = arith.constant 0 : i32
        %dma_start3A_22 = tpu.memref_slice %arg9[%dma_start3A, %dma_start3A_21] : memref<10240x128xf32, #tpu.memory_space<vmem_shared>> -> memref<10240x128xf32, #tpu.memory_space<vmem_shared>>
        tpu.enqueue_indirect_dma source(%arg7 : memref<64x128xf32, #tpu.memory_space<vmem>>) target(%dma_start3A_22 : memref<10240x128xf32, #tpu.memory_space<vmem_shared>>) offsets(%arg6 : memref<64xi32, #tpu.memory_space<vmem>>) semaphore(%run_scoped3A : memref<!tpu.dma_semaphore, #tpu.memory_space<semaphore_mem>>) {add = true}
        %dma_wait3A = arith.constant 0 : i32
        %dma_wait3A_23 = arith.constant 0 : i32
        %dma_wait3A_24 = tpu.memref_slice %arg9[%dma_wait3A, %dma_wait3A_23] : memref<10240x128xf32, #tpu.memory_space<vmem_shared>> -> memref<10240x128xf32, #tpu.memory_space<vmem_shared>>
        tpu.wait_indirect_dma semaphore(%run_scoped3A : memref<!tpu.dma_semaphore, #tpu.memory_space<semaphore_mem>>) src(%arg7 : memref<64x128xf32, #tpu.memory_space<vmem>>) dst(%dma_wait3A_24 : memref<10240x128xf32, #tpu.memory_space<vmem_shared>>)
        tpu.yield
      }) : () -> ()
    }
    %scan3A_13 = arith.constant 158 : i32
    %barrier3A_14 = arith.constant 0 : index
    tpu.barrier barrier_id(%barrier3A_14)
    %mul3A_15 = arith.constant 640 : i32
    %mul3A_16 = arith.muli %arg1, %mul3A_15 : i32
    "tpu.region"() ({
      %run_scoped3A = tpu.sem_alloc : memref<!tpu.dma_semaphore, #tpu.memory_space<semaphore_mem>>
      %dma_start3A = arith.constant 0 : i32
      %dma_start3A_17 = arith.constant 0 : i32
      %dma_start3A_18 = tpu.memref_slice %arg5[%arg0, %dma_start3A, %dma_start3A_17] : memref<2x10240x128xf32, #tpu.memory_space<hbm>> -> memref<1x10240x128xf32, #tpu.memory_space<hbm>>
      %dma_start3A_19 = tpu.memref_squeeze %dma_start3A_18 : memref<1x10240x128xf32, #tpu.memory_space<hbm>> -> memref<10240x128xf32, #tpu.memory_space<hbm>>
      %dma_start3A_20 = arith.constant 0 : i32
      %dma_start3A_21 = tpu.memref_slice %dma_start3A_19[%mul3A_16, %dma_start3A_20] : memref<10240x128xf32, #tpu.memory_space<hbm>> -> memref<640x128xf32, #tpu.memory_space<hbm>>
      %dma_start3A_22 = arith.constant 0 : i32
      %dma_start3A_23 = tpu.memref_slice %arg9[%mul3A_16, %dma_start3A_22] : memref<10240x128xf32, #tpu.memory_space<vmem_shared>> -> memref<640x128xf32, #tpu.memory_space<vmem_shared>>
      tpu.enqueue_dma source(%dma_start3A_23 : memref<640x128xf32, #tpu.memory_space<vmem_shared>>) target(%dma_start3A_21 : memref<640x128xf32, #tpu.memory_space<hbm>>) target_semaphore(%run_scoped3A : memref<!tpu.dma_semaphore, #tpu.memory_space<semaphore_mem>>)
      %dma_wait3A = arith.constant 0 : i32
      %dma_wait3A_24 = arith.constant 0 : i32
      %dma_wait3A_25 = tpu.memref_slice %arg5[%arg0, %dma_wait3A, %dma_wait3A_24] : memref<2x10240x128xf32, #tpu.memory_space<hbm>> -> memref<1x10240x128xf32, #tpu.memory_space<hbm>>
      %dma_wait3A_26 = tpu.memref_squeeze %dma_wait3A_25 : memref<1x10240x128xf32, #tpu.memory_space<hbm>> -> memref<10240x128xf32, #tpu.memory_space<hbm>>
      %dma_wait3A_27 = arith.constant 0 : i32
      %dma_wait3A_28 = tpu.memref_slice %dma_wait3A_26[%mul3A_16, %dma_wait3A_27] : memref<10240x128xf32, #tpu.memory_space<hbm>> -> memref<640x128xf32, #tpu.memory_space<hbm>>
      %dma_wait3A_29 = arith.constant 0 : i32
      %dma_wait3A_30 = tpu.memref_slice %arg9[%mul3A_16, %dma_wait3A_29] : memref<10240x128xf32, #tpu.memory_space<vmem_shared>> -> memref<640x128xf32, #tpu.memory_space<vmem_shared>>
      tpu.wait_dma2 semaphore(%run_scoped3A : memref<!tpu.dma_semaphore, #tpu.memory_space<semaphore_mem>>) src(%dma_wait3A_30 : memref<640x128xf32, #tpu.memory_space<vmem_shared>>) dst(%dma_wait3A_28 : memref<640x128xf32, #tpu.memory_space<hbm>>)
      tpu.yield
    }) : () -> ()
    return
  }
}

#map = affine_map<(d0, d1) -> (0, 0)>
#map1 = affine_map<(d0, d1) -> (0)>
module attributes {stable_mosaic.version = 14 : i64} {
  func.func @_sc_gather_body(%arg0: i32, %arg1: i32, %arg2: memref<10240x128xf32, #tpu.memory_space<hbm>>, %arg3: memref<10240x128xf32, #tpu.memory_space<hbm>>, %arg4: memref<10240x128xf32, #tpu.memory_space<hbm>>, %arg5: memref<323584xi32, #tpu.memory_space<hbm>>, %arg6: memref<323584xi32, #tpu.memory_space<hbm>>, %arg7: memref<323584x128xf32, #tpu.memory_space<hbm>>, %arg8: memref<323584x128xf32, #tpu.memory_space<hbm>>, %arg9: memref<323584x16xf32, #tpu.memory_space<hbm>>, %arg10: memref<64xi32, #tpu.memory_space<vmem>>, %arg11: memref<64xi32, #tpu.memory_space<vmem>>, %arg12: memref<64x128xf32, #tpu.memory_space<vmem>>, %arg13: memref<64x128xf32, #tpu.memory_space<vmem>>, %arg14: memref<64x128xf32, #tpu.memory_space<vmem>>, %arg15: memref<64x128xf32, #tpu.memory_space<vmem>>, %arg16: memref<64xi32, #tpu.memory_space<vmem>>, %arg17: memref<64xi32, #tpu.memory_space<vmem>>, %arg18: memref<64x128xf32, #tpu.memory_space<vmem>>, %arg19: memref<64x128xf32, #tpu.memory_space<vmem>>, %arg20: memref<64x128xf32, #tpu.memory_space<vmem>>, %arg21: memref<64x128xf32, #tpu.memory_space<vmem>>, %arg22: memref<64x16xf32, #tpu.memory_space<vmem>>, %arg23: memref<!tpu.dma_semaphore, #tpu.memory_space<semaphore_mem>>, %arg24: memref<!tpu.dma_semaphore, #tpu.memory_space<semaphore_mem>>) attributes {dimension_semantics = [#tpu.dimension_semantics<core_parallel>, #tpu.dimension_semantics<subcore_parallel>], iteration_bounds = array<i64: 2, 16>, scalar_prefetch = 0 : i64, scratch_operands = 15 : i64, tpu.core_type = #tpu.core_type<sc_vector_subcore>, window_params = [{transform_indices = #map}, {transform_indices = #map}, {transform_indices = #map}, {transform_indices = #map1}, {transform_indices = #map1}, {transform_indices = #map}, {transform_indices = #map}, {transform_indices = #map}]} {
    %mul3A = arith.constant 2 : i32
    %mul3A_0 = arith.muli %arg1, %mul3A : i32
    %add3A = arith.addi %mul3A_0, %arg0 : i32
    %mul3A_1 = arith.constant 10112 : i32
    %mul3A_2 = arith.muli %add3A, %mul3A_1 : i32
    %add3A_3 = arith.constant 0 : i32
    %add3A_4 = arith.addi %mul3A_2, %add3A_3 : i32
    "tpu.region"() ({
      %run_scoped3A = tpu.sem_alloc : memref<!tpu.dma_semaphore, #tpu.memory_space<semaphore_mem>>
      %dma_start3A_74 = tpu.memref_slice %arg5[%add3A_4] : memref<323584xi32, #tpu.memory_space<hbm>> -> memref<64xi32, #tpu.memory_space<hbm>>
      %dma_start3A_75 = tpu.memref_slice %arg5[%add3A_4] : memref<323584xi32, #tpu.memory_space<hbm>> -> memref<64xi32, #tpu.memory_space<hbm>>
      tpu.enqueue_dma source(%dma_start3A_75 : memref<64xi32, #tpu.memory_space<hbm>>) target(%arg10 : memref<64xi32, #tpu.memory_space<vmem>>) target_semaphore(%run_scoped3A : memref<!tpu.dma_semaphore, #tpu.memory_space<semaphore_mem>>)
      %dma_wait3A_76 = tpu.memref_slice %arg5[%add3A_4] : memref<323584xi32, #tpu.memory_space<hbm>> -> memref<64xi32, #tpu.memory_space<hbm>>
      %dma_wait3A_77 = tpu.memref_slice %arg5[%add3A_4] : memref<323584xi32, #tpu.memory_space<hbm>> -> memref<64xi32, #tpu.memory_space<hbm>>
      tpu.wait_dma2 semaphore(%run_scoped3A : memref<!tpu.dma_semaphore, #tpu.memory_space<semaphore_mem>>) src(%dma_wait3A_77 : memref<64xi32, #tpu.memory_space<hbm>>) dst(%arg10 : memref<64xi32, #tpu.memory_space<vmem>>)
      tpu.yield
    }) : () -> ()
    "tpu.region"() ({
      %run_scoped3A = tpu.sem_alloc : memref<!tpu.dma_semaphore, #tpu.memory_space<semaphore_mem>>
      %dma_start3A_74 = tpu.memref_slice %arg6[%add3A_4] : memref<323584xi32, #tpu.memory_space<hbm>> -> memref<64xi32, #tpu.memory_space<hbm>>
      %dma_start3A_75 = tpu.memref_slice %arg6[%add3A_4] : memref<323584xi32, #tpu.memory_space<hbm>> -> memref<64xi32, #tpu.memory_space<hbm>>
      tpu.enqueue_dma source(%dma_start3A_75 : memref<64xi32, #tpu.memory_space<hbm>>) target(%arg11 : memref<64xi32, #tpu.memory_space<vmem>>) target_semaphore(%run_scoped3A : memref<!tpu.dma_semaphore, #tpu.memory_space<semaphore_mem>>)
      %dma_wait3A_76 = tpu.memref_slice %arg6[%add3A_4] : memref<323584xi32, #tpu.memory_space<hbm>> -> memref<64xi32, #tpu.memory_space<hbm>>
      %dma_wait3A_77 = tpu.memref_slice %arg6[%add3A_4] : memref<323584xi32, #tpu.memory_space<hbm>> -> memref<64xi32, #tpu.memory_space<hbm>>
      tpu.wait_dma2 semaphore(%run_scoped3A : memref<!tpu.dma_semaphore, #tpu.memory_space<semaphore_mem>>) src(%dma_wait3A_77 : memref<64xi32, #tpu.memory_space<hbm>>) dst(%arg11 : memref<64xi32, #tpu.memory_space<vmem>>)
      tpu.yield
    }) : () -> ()
    %dma_start3A = arith.constant 0 : i32
    %dma_start3A_5 = arith.constant 0 : i32
    %dma_start3A_6 = tpu.memref_slice %arg2[%dma_start3A, %dma_start3A_5] : memref<10240x128xf32, #tpu.memory_space<hbm>> -> memref<10240x128xf32, #tpu.memory_space<hbm>>
    tpu.enqueue_indirect_dma source(%dma_start3A_6 : memref<10240x128xf32, #tpu.memory_space<hbm>>) target(%arg12 : memref<64x128xf32, #tpu.memory_space<vmem>>) offsets(%arg10 : memref<64xi32, #tpu.memory_space<vmem>>) semaphore(%arg23 : memref<!tpu.dma_semaphore, #tpu.memory_space<semaphore_mem>>)
    %dma_start3A_7 = arith.constant 0 : i32
    %dma_start3A_8 = arith.constant 0 : i32
    %dma_start3A_9 = tpu.memref_slice %arg3[%dma_start3A_7, %dma_start3A_8] : memref<10240x128xf32, #tpu.memory_space<hbm>> -> memref<10240x128xf32, #tpu.memory_space<hbm>>
    tpu.enqueue_indirect_dma source(%dma_start3A_9 : memref<10240x128xf32, #tpu.memory_space<hbm>>) target(%arg13 : memref<64x128xf32, #tpu.memory_space<vmem>>) offsets(%arg11 : memref<64xi32, #tpu.memory_space<vmem>>) semaphore(%arg23 : memref<!tpu.dma_semaphore, #tpu.memory_space<semaphore_mem>>)
    %dma_start3A_10 = arith.constant 0 : i32
    %dma_start3A_11 = arith.constant 0 : i32
    %dma_start3A_12 = tpu.memref_slice %arg4[%dma_start3A_10, %dma_start3A_11] : memref<10240x128xf32, #tpu.memory_space<hbm>> -> memref<10240x128xf32, #tpu.memory_space<hbm>>
    tpu.enqueue_indirect_dma source(%dma_start3A_12 : memref<10240x128xf32, #tpu.memory_space<hbm>>) target(%arg14 : memref<64x128xf32, #tpu.memory_space<vmem>>) offsets(%arg10 : memref<64xi32, #tpu.memory_space<vmem>>) semaphore(%arg23 : memref<!tpu.dma_semaphore, #tpu.memory_space<semaphore_mem>>)
    %dma_start3A_13 = arith.constant 0 : i32
    %dma_start3A_14 = arith.constant 0 : i32
    %dma_start3A_15 = tpu.memref_slice %arg4[%dma_start3A_13, %dma_start3A_14] : memref<10240x128xf32, #tpu.memory_space<hbm>> -> memref<10240x128xf32, #tpu.memory_space<hbm>>
    tpu.enqueue_indirect_dma source(%dma_start3A_15 : memref<10240x128xf32, #tpu.memory_space<hbm>>) target(%arg15 : memref<64x128xf32, #tpu.memory_space<vmem>>) offsets(%arg11 : memref<64xi32, #tpu.memory_space<vmem>>) semaphore(%arg23 : memref<!tpu.dma_semaphore, #tpu.memory_space<semaphore_mem>>)
    %add3A_16 = arith.constant 64 : i32
    %add3A_17 = arith.addi %mul3A_2, %add3A_16 : i32
    "tpu.region"() ({
      %run_scoped3A = tpu.sem_alloc : memref<!tpu.dma_semaphore, #tpu.memory_space<semaphore_mem>>
      %dma_start3A_74 = tpu.memref_slice %arg5[%add3A_17] : memref<323584xi32, #tpu.memory_space<hbm>> -> memref<64xi32, #tpu.memory_space<hbm>>
      %dma_start3A_75 = tpu.memref_slice %arg5[%add3A_17] : memref<323584xi32, #tpu.memory_space<hbm>> -> memref<64xi32, #tpu.memory_space<hbm>>
      tpu.enqueue_dma source(%dma_start3A_75 : memref<64xi32, #tpu.memory_space<hbm>>) target(%arg16 : memref<64xi32, #tpu.memory_space<vmem>>) target_semaphore(%run_scoped3A : memref<!tpu.dma_semaphore, #tpu.memory_space<semaphore_mem>>)
      %dma_wait3A_76 = tpu.memref_slice %arg5[%add3A_17] : memref<323584xi32, #tpu.memory_space<hbm>> -> memref<64xi32, #tpu.memory_space<hbm>>
      %dma_wait3A_77 = tpu.memref_slice %arg5[%add3A_17] : memref<323584xi32, #tpu.memory_space<hbm>> -> memref<64xi32, #tpu.memory_space<hbm>>
      tpu.wait_dma2 semaphore(%run_scoped3A : memref<!tpu.dma_semaphore, #tpu.memory_space<semaphore_mem>>) src(%dma_wait3A_77 : memref<64xi32, #tpu.memory_space<hbm>>) dst(%arg16 : memref<64xi32, #tpu.memory_space<vmem>>)
      tpu.yield
    }) : () -> ()
    "tpu.region"() ({
      %run_scoped3A = tpu.sem_alloc : memref<!tpu.dma_semaphore, #tpu.memory_space<semaphore_mem>>
      %dma_start3A_74 = tpu.memref_slice %arg6[%add3A_17] : memref<323584xi32, #tpu.memory_space<hbm>> -> memref<64xi32, #tpu.memory_space<hbm>>
      %dma_start3A_75 = tpu.memref_slice %arg6[%add3A_17] : memref<323584xi32, #tpu.memory_space<hbm>> -> memref<64xi32, #tpu.memory_space<hbm>>
      tpu.enqueue_dma source(%dma_start3A_75 : memref<64xi32, #tpu.memory_space<hbm>>) target(%arg17 : memref<64xi32, #tpu.memory_space<vmem>>) target_semaphore(%run_scoped3A : memref<!tpu.dma_semaphore, #tpu.memory_space<semaphore_mem>>)
      %dma_wait3A_76 = tpu.memref_slice %arg6[%add3A_17] : memref<323584xi32, #tpu.memory_space<hbm>> -> memref<64xi32, #tpu.memory_space<hbm>>
      %dma_wait3A_77 = tpu.memref_slice %arg6[%add3A_17] : memref<323584xi32, #tpu.memory_space<hbm>> -> memref<64xi32, #tpu.memory_space<hbm>>
      tpu.wait_dma2 semaphore(%run_scoped3A : memref<!tpu.dma_semaphore, #tpu.memory_space<semaphore_mem>>) src(%dma_wait3A_77 : memref<64xi32, #tpu.memory_space<hbm>>) dst(%arg17 : memref<64xi32, #tpu.memory_space<vmem>>)
      tpu.yield
    }) : () -> ()
    %dma_start3A_18 = arith.constant 0 : i32
    %dma_start3A_19 = arith.constant 0 : i32
    %dma_start3A_20 = tpu.memref_slice %arg2[%dma_start3A_18, %dma_start3A_19] : memref<10240x128xf32, #tpu.memory_space<hbm>> -> memref<10240x128xf32, #tpu.memory_space<hbm>>
    tpu.enqueue_indirect_dma source(%dma_start3A_20 : memref<10240x128xf32, #tpu.memory_space<hbm>>) target(%arg18 : memref<64x128xf32, #tpu.memory_space<vmem>>) offsets(%arg16 : memref<64xi32, #tpu.memory_space<vmem>>) semaphore(%arg24 : memref<!tpu.dma_semaphore, #tpu.memory_space<semaphore_mem>>)
    %dma_start3A_21 = arith.constant 0 : i32
    %dma_start3A_22 = arith.constant 0 : i32
    %dma_start3A_23 = tpu.memref_slice %arg3[%dma_start3A_21, %dma_start3A_22] : memref<10240x128xf32, #tpu.memory_space<hbm>> -> memref<10240x128xf32, #tpu.memory_space<hbm>>
    tpu.enqueue_indirect_dma source(%dma_start3A_23 : memref<10240x128xf32, #tpu.memory_space<hbm>>) target(%arg19 : memref<64x128xf32, #tpu.memory_space<vmem>>) offsets(%arg17 : memref<64xi32, #tpu.memory_space<vmem>>) semaphore(%arg24 : memref<!tpu.dma_semaphore, #tpu.memory_space<semaphore_mem>>)
    %dma_start3A_24 = arith.constant 0 : i32
    %dma_start3A_25 = arith.constant 0 : i32
    %dma_start3A_26 = tpu.memref_slice %arg4[%dma_start3A_24, %dma_start3A_25] : memref<10240x128xf32, #tpu.memory_space<hbm>> -> memref<10240x128xf32, #tpu.memory_space<hbm>>
    tpu.enqueue_indirect_dma source(%dma_start3A_26 : memref<10240x128xf32, #tpu.memory_space<hbm>>) target(%arg20 : memref<64x128xf32, #tpu.memory_space<vmem>>) offsets(%arg16 : memref<64xi32, #tpu.memory_space<vmem>>) semaphore(%arg24 : memref<!tpu.dma_semaphore, #tpu.memory_space<semaphore_mem>>)
    %dma_start3A_27 = arith.constant 0 : i32
    %dma_start3A_28 = arith.constant 0 : i32
    %dma_start3A_29 = tpu.memref_slice %arg4[%dma_start3A_27, %dma_start3A_28] : memref<10240x128xf32, #tpu.memory_space<hbm>> -> memref<10240x128xf32, #tpu.memory_space<hbm>>
    tpu.enqueue_indirect_dma source(%dma_start3A_29 : memref<10240x128xf32, #tpu.memory_space<hbm>>) target(%arg21 : memref<64x128xf32, #tpu.memory_space<vmem>>) offsets(%arg17 : memref<64xi32, #tpu.memory_space<vmem>>) semaphore(%arg24 : memref<!tpu.dma_semaphore, #tpu.memory_space<semaphore_mem>>)
    %scan3A = arith.constant 0 : i32
    %scan3A_30 = arith.constant 0 : i32
    %scan3A_31 = arith.constant 78 : i32
    %scan3A_32 = arith.addi %scan3A_30, %scan3A_31 : i32
    %scan3A_33 = arith.constant 1 : i32
    scf.for %scan3A_74 = %scan3A_30 to %scan3A_32 step %scan3A_33  : i32 {
      %mul3A_75 = arith.constant 2 : i32
      %mul3A_76 = arith.muli %mul3A_75, %scan3A_74 : i32
      %mul3A_77 = arith.constant 64 : i32
      %mul3A_78 = arith.muli %mul3A_76, %mul3A_77 : i32
      %add3A_79 = arith.addi %mul3A_2, %mul3A_78 : i32
      %dma_wait3A_80 = arith.constant 0 : i32
      %dma_wait3A_81 = arith.constant 0 : i32
      %dma_wait3A_82 = tpu.memref_slice %arg2[%dma_wait3A_80, %dma_wait3A_81] : memref<10240x128xf32, #tpu.memory_space<hbm>> -> memref<10240x128xf32, #tpu.memory_space<hbm>>
      tpu.wait_indirect_dma semaphore(%arg23 : memref<!tpu.dma_semaphore, #tpu.memory_space<semaphore_mem>>) src(%dma_wait3A_82 : memref<10240x128xf32, #tpu.memory_space<hbm>>) dst(%arg12 : memref<64x128xf32, #tpu.memory_space<vmem>>)
      %dma_wait3A_83 = arith.constant 0 : i32
      %dma_wait3A_84 = arith.constant 0 : i32
      %dma_wait3A_85 = tpu.memref_slice %arg3[%dma_wait3A_83, %dma_wait3A_84] : memref<10240x128xf32, #tpu.memory_space<hbm>> -> memref<10240x128xf32, #tpu.memory_space<hbm>>
      tpu.wait_indirect_dma semaphore(%arg23 : memref<!tpu.dma_semaphore, #tpu.memory_space<semaphore_mem>>) src(%dma_wait3A_85 : memref<10240x128xf32, #tpu.memory_space<hbm>>) dst(%arg13 : memref<64x128xf32, #tpu.memory_space<vmem>>)
      %dma_wait3A_86 = arith.constant 0 : i32
      %dma_wait3A_87 = arith.constant 0 : i32
      %dma_wait3A_88 = tpu.memref_slice %arg4[%dma_wait3A_86, %dma_wait3A_87] : memref<10240x128xf32, #tpu.memory_space<hbm>> -> memref<10240x128xf32, #tpu.memory_space<hbm>>
      tpu.wait_indirect_dma semaphore(%arg23 : memref<!tpu.dma_semaphore, #tpu.memory_space<semaphore_mem>>) src(%dma_wait3A_88 : memref<10240x128xf32, #tpu.memory_space<hbm>>) dst(%arg14 : memref<64x128xf32, #tpu.memory_space<vmem>>)
      %dma_wait3A_89 = arith.constant 0 : i32
      %dma_wait3A_90 = arith.constant 0 : i32
      %dma_wait3A_91 = tpu.memref_slice %arg4[%dma_wait3A_89, %dma_wait3A_90] : memref<10240x128xf32, #tpu.memory_space<hbm>> -> memref<10240x128xf32, #tpu.memory_space<hbm>>
      tpu.wait_indirect_dma semaphore(%arg23 : memref<!tpu.dma_semaphore, #tpu.memory_space<semaphore_mem>>) src(%dma_wait3A_91 : memref<10240x128xf32, #tpu.memory_space<hbm>>) dst(%arg15 : memref<64x128xf32, #tpu.memory_space<vmem>>)
      "tpu.region"() ({
        %run_scoped3A = tpu.sem_alloc : memref<!tpu.dma_semaphore, #tpu.memory_space<semaphore_mem>>
        %dma_start3A_155 = arith.constant 0 : i32
        %dma_start3A_156 = tpu.memref_slice %arg7[%add3A_79, %dma_start3A_155] : memref<323584x128xf32, #tpu.memory_space<hbm>> -> memref<64x128xf32, #tpu.memory_space<hbm>>
        %dma_start3A_157 = arith.constant 0 : i32
        %dma_start3A_158 = tpu.memref_slice %arg7[%add3A_79, %dma_start3A_157] : memref<323584x128xf32, #tpu.memory_space<hbm>> -> memref<64x128xf32, #tpu.memory_space<hbm>>
        tpu.enqueue_dma source(%arg12 : memref<64x128xf32, #tpu.memory_space<vmem>>) target(%dma_start3A_158 : memref<64x128xf32, #tpu.memory_space<hbm>>) target_semaphore(%run_scoped3A : memref<!tpu.dma_semaphore, #tpu.memory_space<semaphore_mem>>)
        %dma_wait3A_159 = arith.constant 0 : i32
        %dma_wait3A_160 = tpu.memref_slice %arg7[%add3A_79, %dma_wait3A_159] : memref<323584x128xf32, #tpu.memory_space<hbm>> -> memref<64x128xf32, #tpu.memory_space<hbm>>
        %dma_wait3A_161 = arith.constant 0 : i32
        %dma_wait3A_162 = tpu.memref_slice %arg7[%add3A_79, %dma_wait3A_161] : memref<323584x128xf32, #tpu.memory_space<hbm>> -> memref<64x128xf32, #tpu.memory_space<hbm>>
        tpu.wait_dma2 semaphore(%run_scoped3A : memref<!tpu.dma_semaphore, #tpu.memory_space<semaphore_mem>>) src(%arg12 : memref<64x128xf32, #tpu.memory_space<vmem>>) dst(%dma_wait3A_162 : memref<64x128xf32, #tpu.memory_space<hbm>>)
        tpu.yield
      }) : () -> ()
      "tpu.region"() ({
        %run_scoped3A = tpu.sem_alloc : memref<!tpu.dma_semaphore, #tpu.memory_space<semaphore_mem>>
        %dma_start3A_155 = arith.constant 0 : i32
        %dma_start3A_156 = tpu.memref_slice %arg8[%add3A_79, %dma_start3A_155] : memref<323584x128xf32, #tpu.memory_space<hbm>> -> memref<64x128xf32, #tpu.memory_space<hbm>>
        %dma_start3A_157 = arith.constant 0 : i32
        %dma_start3A_158 = tpu.memref_slice %arg8[%add3A_79, %dma_start3A_157] : memref<323584x128xf32, #tpu.memory_space<hbm>> -> memref<64x128xf32, #tpu.memory_space<hbm>>
        tpu.enqueue_dma source(%arg13 : memref<64x128xf32, #tpu.memory_space<vmem>>) target(%dma_start3A_158 : memref<64x128xf32, #tpu.memory_space<hbm>>) target_semaphore(%run_scoped3A : memref<!tpu.dma_semaphore, #tpu.memory_space<semaphore_mem>>)
        %dma_wait3A_159 = arith.constant 0 : i32
        %dma_wait3A_160 = tpu.memref_slice %arg8[%add3A_79, %dma_wait3A_159] : memref<323584x128xf32, #tpu.memory_space<hbm>> -> memref<64x128xf32, #tpu.memory_space<hbm>>
        %dma_wait3A_161 = arith.constant 0 : i32
        %dma_wait3A_162 = tpu.memref_slice %arg8[%add3A_79, %dma_wait3A_161] : memref<323584x128xf32, #tpu.memory_space<hbm>> -> memref<64x128xf32, #tpu.memory_space<hbm>>
        tpu.wait_dma2 semaphore(%run_scoped3A : memref<!tpu.dma_semaphore, #tpu.memory_space<semaphore_mem>>) src(%arg13 : memref<64x128xf32, #tpu.memory_space<vmem>>) dst(%dma_wait3A_162 : memref<64x128xf32, #tpu.memory_space<hbm>>)
        tpu.yield
      }) : () -> ()
      %scan3A_92 = arith.constant 0 : i32
      %scan3A_93 = arith.constant 0 : i32
      %scan3A_94 = arith.constant 64 : i32
      %scan3A_95 = arith.addi %scan3A_93, %scan3A_94 : i32
      %scan3A_96 = arith.constant 1 : i32
      scf.for %scan3A_155 = %scan3A_93 to %scan3A_95 step %scan3A_96  : i32 {
        %get3A = arith.index_cast %scan3A_155 : i32 to index
        %get3A_156 = arith.constant 0 : index
        %get3A_157 = tpu.vector_load %arg15[%get3A, %get3A_156] {strides = array<i32>} : memref<64x128xf32, #tpu.memory_space<vmem>>, vector<1x16xf32>,
        %get3A_158 = vector.shape_cast %get3A_157 : vector<1x16xf32> to vector<16xf32>
        %get3A_159 = arith.index_cast %scan3A_155 : i32 to index
        %get3A_160 = arith.constant 0 : index
        %get3A_161 = tpu.vector_load %arg14[%get3A_159, %get3A_160] {strides = array<i32>} : memref<64x128xf32, #tpu.memory_space<vmem>>, vector<1x16xf32>,
        %get3A_162 = vector.shape_cast %get3A_161 : vector<1x16xf32> to vector<16xf32>
        %sub3A = arith.subf %get3A_158, %get3A_162 : vector<16xf32>
        %swap3A = arith.index_cast %scan3A_155 : i32 to index
        %swap3A_163 = arith.constant 0 : index
        %swap3A_164 = tpu.vector_load %arg22[%swap3A, %swap3A_163] {strides = array<i32>} : memref<64x16xf32, #tpu.memory_space<vmem>>, vector<1x16xf32>,
        %swap3A_165 = vector.shape_cast %swap3A_164 : vector<1x16xf32> to vector<16xf32>
        %swap3A_166 = vector.shape_cast %sub3A : vector<16xf32> to vector<1x16xf32>
        tpu.vector_store %arg22[%swap3A, %swap3A_163], %swap3A_166 {strides = array<i32>} : memref<64x16xf32, #tpu.memory_space<vmem>>, vector<1x16xf32>,
      }
      %scan3A_97 = arith.constant 64 : i32
      "tpu.region"() ({
        %run_scoped3A = tpu.sem_alloc : memref<!tpu.dma_semaphore, #tpu.memory_space<semaphore_mem>>
        %dma_start3A_155 = arith.constant 0 : i32
        %dma_start3A_156 = tpu.memref_slice %arg9[%add3A_79, %dma_start3A_155] : memref<323584x16xf32, #tpu.memory_space<hbm>> -> memref<64x16xf32, #tpu.memory_space<hbm>>
        %dma_start3A_157 = arith.constant 0 : i32
        %dma_start3A_158 = tpu.memref_slice %arg9[%add3A_79, %dma_start3A_157] : memref<323584x16xf32, #tpu.memory_space<hbm>> -> memref<64x16xf32, #tpu.memory_space<hbm>>
        tpu.enqueue_dma source(%arg22 : memref<64x16xf32, #tpu.memory_space<vmem>>) target(%dma_start3A_158 : memref<64x16xf32, #tpu.memory_space<hbm>>) target_semaphore(%run_scoped3A : memref<!tpu.dma_semaphore, #tpu.memory_space<semaphore_mem>>)
        %dma_wait3A_159 = arith.constant 0 : i32
        %dma_wait3A_160 = tpu.memref_slice %arg9[%add3A_79, %dma_wait3A_159] : memref<323584x16xf32, #tpu.memory_space<hbm>> -> memref<64x16xf32, #tpu.memory_space<hbm>>
        %dma_wait3A_161 = arith.constant 0 : i32
        %dma_wait3A_162 = tpu.memref_slice %arg9[%add3A_79, %dma_wait3A_161] : memref<323584x16xf32, #tpu.memory_space<hbm>> -> memref<64x16xf32, #tpu.memory_space<hbm>>
        tpu.wait_dma2 semaphore(%run_scoped3A : memref<!tpu.dma_semaphore, #tpu.memory_space<semaphore_mem>>) src(%arg22 : memref<64x16xf32, #tpu.memory_space<vmem>>) dst(%dma_wait3A_162 : memref<64x16xf32, #tpu.memory_space<hbm>>)
        tpu.yield
      }) : () -> ()
      %add3A_98 = arith.constant 2 : i32
      %add3A_99 = arith.addi %mul3A_76, %add3A_98 : i32
      %mul3A_100 = arith.constant 64 : i32
      %mul3A_101 = arith.muli %add3A_99, %mul3A_100 : i32
      %add3A_102 = arith.addi %mul3A_2, %mul3A_101 : i32
      "tpu.region"() ({
        %run_scoped3A = tpu.sem_alloc : memref<!tpu.dma_semaphore, #tpu.memory_space<semaphore_mem>>
        %dma_start3A_155 = tpu.memref_slice %arg5[%add3A_102] : memref<323584xi32, #tpu.memory_space<hbm>> -> memref<64xi32, #tpu.memory_space<hbm>>
        %dma_start3A_156 = tpu.memref_slice %arg5[%add3A_102] : memref<323584xi32, #tpu.memory_space<hbm>> -> memref<64xi32, #tpu.memory_space<hbm>>
        tpu.enqueue_dma source(%dma_start3A_156 : memref<64xi32, #tpu.memory_space<hbm>>) target(%arg10 : memref<64xi32, #tpu.memory_space<vmem>>) target_semaphore(%run_scoped3A : memref<!tpu.dma_semaphore, #tpu.memory_space<semaphore_mem>>)
        %dma_wait3A_157 = tpu.memref_slice %arg5[%add3A_102] : memref<323584xi32, #tpu.memory_space<hbm>> -> memref<64xi32, #tpu.memory_space<hbm>>
        %dma_wait3A_158 = tpu.memref_slice %arg5[%add3A_102] : memref<323584xi32, #tpu.memory_space<hbm>> -> memref<64xi32, #tpu.memory_space<hbm>>
        tpu.wait_dma2 semaphore(%run_scoped3A : memref<!tpu.dma_semaphore, #tpu.memory_space<semaphore_mem>>) src(%dma_wait3A_158 : memref<64xi32, #tpu.memory_space<hbm>>) dst(%arg10 : memref<64xi32, #tpu.memory_space<vmem>>)
        tpu.yield
      }) : () -> ()
      "tpu.region"() ({
        %run_scoped3A = tpu.sem_alloc : memref<!tpu.dma_semaphore, #tpu.memory_space<semaphore_mem>>
        %dma_start3A_155 = tpu.memref_slice %arg6[%add3A_102] : memref<323584xi32, #tpu.memory_space<hbm>> -> memref<64xi32, #tpu.memory_space<hbm>>
        %dma_start3A_156 = tpu.memref_slice %arg6[%add3A_102] : memref<323584xi32, #tpu.memory_space<hbm>> -> memref<64xi32, #tpu.memory_space<hbm>>
        tpu.enqueue_dma source(%dma_start3A_156 : memref<64xi32, #tpu.memory_space<hbm>>) target(%arg11 : memref<64xi32, #tpu.memory_space<vmem>>) target_semaphore(%run_scoped3A : memref<!tpu.dma_semaphore, #tpu.memory_space<semaphore_mem>>)
        %dma_wait3A_157 = tpu.memref_slice %arg6[%add3A_102] : memref<323584xi32, #tpu.memory_space<hbm>> -> memref<64xi32, #tpu.memory_space<hbm>>
        %dma_wait3A_158 = tpu.memref_slice %arg6[%add3A_102] : memref<323584xi32, #tpu.memory_space<hbm>> -> memref<64xi32, #tpu.memory_space<hbm>>
        tpu.wait_dma2 semaphore(%run_scoped3A : memref<!tpu.dma_semaphore, #tpu.memory_space<semaphore_mem>>) src(%dma_wait3A_158 : memref<64xi32, #tpu.memory_space<hbm>>) dst(%arg11 : memref<64xi32, #tpu.memory_space<vmem>>)
        tpu.yield
      }) : () -> ()
      %dma_start3A_103 = arith.constant 0 : i32
      %dma_start3A_104 = arith.constant 0 : i32
      %dma_start3A_105 = tpu.memref_slice %arg2[%dma_start3A_103, %dma_start3A_104] : memref<10240x128xf32, #tpu.memory_space<hbm>> -> memref<10240x128xf32, #tpu.memory_space<hbm>>
      tpu.enqueue_indirect_dma source(%dma_start3A_105 : memref<10240x128xf32, #tpu.memory_space<hbm>>) target(%arg12 : memref<64x128xf32, #tpu.memory_space<vmem>>) offsets(%arg10 : memref<64xi32, #tpu.memory_space<vmem>>) semaphore(%arg23 : memref<!tpu.dma_semaphore, #tpu.memory_space<semaphore_mem>>)
      %dma_start3A_106 = arith.constant 0 : i32
      %dma_start3A_107 = arith.constant 0 : i32
      %dma_start3A_108 = tpu.memref_slice %arg3[%dma_start3A_106, %dma_start3A_107] : memref<10240x128xf32, #tpu.memory_space<hbm>> -> memref<10240x128xf32, #tpu.memory_space<hbm>>
      tpu.enqueue_indirect_dma source(%dma_start3A_108 : memref<10240x128xf32, #tpu.memory_space<hbm>>) target(%arg13 : memref<64x128xf32, #tpu.memory_space<vmem>>) offsets(%arg11 : memref<64xi32, #tpu.memory_space<vmem>>) semaphore(%arg23 : memref<!tpu.dma_semaphore, #tpu.memory_space<semaphore_mem>>)
      %dma_start3A_109 = arith.constant 0 : i32
      %dma_start3A_110 = arith.constant 0 : i32
      %dma_start3A_111 = tpu.memref_slice %arg4[%dma_start3A_109, %dma_start3A_110] : memref<10240x128xf32, #tpu.memory_space<hbm>> -> memref<10240x128xf32, #tpu.memory_space<hbm>>
      tpu.enqueue_indirect_dma source(%dma_start3A_111 : memref<10240x128xf32, #tpu.memory_space<hbm>>) target(%arg14 : memref<64x128xf32, #tpu.memory_space<vmem>>) offsets(%arg10 : memref<64xi32, #tpu.memory_space<vmem>>) semaphore(%arg23 : memref<!tpu.dma_semaphore, #tpu.memory_space<semaphore_mem>>)
      %dma_start3A_112 = arith.constant 0 : i32
      %dma_start3A_113 = arith.constant 0 : i32
      %dma_start3A_114 = tpu.memref_slice %arg4[%dma_start3A_112, %dma_start3A_113] : memref<10240x128xf32, #tpu.memory_space<hbm>> -> memref<10240x128xf32, #tpu.memory_space<hbm>>
      tpu.enqueue_indirect_dma source(%dma_start3A_114 : memref<10240x128xf32, #tpu.memory_space<hbm>>) target(%arg15 : memref<64x128xf32, #tpu.memory_space<vmem>>) offsets(%arg11 : memref<64xi32, #tpu.memory_space<vmem>>) semaphore(%arg23 : memref<!tpu.dma_semaphore, #tpu.memory_space<semaphore_mem>>)
      %add3A_115 = arith.constant 1 : i32
      %add3A_116 = arith.addi %mul3A_76, %add3A_115 : i32
      %mul3A_117 = arith.constant 64 : i32
      %mul3A_118 = arith.muli %add3A_116, %mul3A_117 : i32
      %add3A_119 = arith.addi %mul3A_2, %mul3A_118 : i32
      %dma_wait3A_120 = arith.constant 0 : i32
      %dma_wait3A_121 = arith.constant 0 : i32
      %dma_wait3A_122 = tpu.memref_slice %arg2[%dma_wait3A_120, %dma_wait3A_121] : memref<10240x128xf32, #tpu.memory_space<hbm>> -> memref<10240x128xf32, #tpu.memory_space<hbm>>
      tpu.wait_indirect_dma semaphore(%arg24 : memref<!tpu.dma_semaphore, #tpu.memory_space<semaphore_mem>>) src(%dma_wait3A_122 : memref<10240x128xf32, #tpu.memory_space<hbm>>) dst(%arg18 : memref<64x128xf32, #tpu.memory_space<vmem>>)
      %dma_wait3A_123 = arith.constant 0 : i32
      %dma_wait3A_124 = arith.constant 0 : i32
      %dma_wait3A_125 = tpu.memref_slice %arg3[%dma_wait3A_123, %dma_wait3A_124] : memref<10240x128xf32, #tpu.memory_space<hbm>> -> memref<10240x128xf32, #tpu.memory_space<hbm>>
      tpu.wait_indirect_dma semaphore(%arg24 : memref<!tpu.dma_semaphore, #tpu.memory_space<semaphore_mem>>) src(%dma_wait3A_125 : memref<10240x128xf32, #tpu.memory_space<hbm>>) dst(%arg19 : memref<64x128xf32, #tpu.memory_space<vmem>>)
      %dma_wait3A_126 = arith.constant 0 : i32
      %dma_wait3A_127 = arith.constant 0 : i32
      %dma_wait3A_128 = tpu.memref_slice %arg4[%dma_wait3A_126, %dma_wait3A_127] : memref<10240x128xf32, #tpu.memory_space<hbm>> -> memref<10240x128xf32, #tpu.memory_space<hbm>>
      tpu.wait_indirect_dma semaphore(%arg24 : memref<!tpu.dma_semaphore, #tpu.memory_space<semaphore_mem>>) src(%dma_wait3A_128 : memref<10240x128xf32, #tpu.memory_space<hbm>>) dst(%arg20 : memref<64x128xf32, #tpu.memory_space<vmem>>)
      %dma_wait3A_129 = arith.constant 0 : i32
      %dma_wait3A_130 = arith.constant 0 : i32
      %dma_wait3A_131 = tpu.memref_slice %arg4[%dma_wait3A_129, %dma_wait3A_130] : memref<10240x128xf32, #tpu.memory_space<hbm>> -> memref<10240x128xf32, #tpu.memory_space<hbm>>
      tpu.wait_indirect_dma semaphore(%arg24 : memref<!tpu.dma_semaphore, #tpu.memory_space<semaphore_mem>>) src(%dma_wait3A_131 : memref<10240x128xf32, #tpu.memory_space<hbm>>) dst(%arg21 : memref<64x128xf32, #tpu.memory_space<vmem>>)
      "tpu.region"() ({
        %run_scoped3A = tpu.sem_alloc : memref<!tpu.dma_semaphore, #tpu.memory_space<semaphore_mem>>
        %dma_start3A_155 = arith.constant 0 : i32
        %dma_start3A_156 = tpu.memref_slice %arg7[%add3A_119, %dma_start3A_155] : memref<323584x128xf32, #tpu.memory_space<hbm>> -> memref<64x128xf32, #tpu.memory_space<hbm>>
        %dma_start3A_157 = arith.constant 0 : i32
        %dma_start3A_158 = tpu.memref_slice %arg7[%add3A_119, %dma_start3A_157] : memref<323584x128xf32, #tpu.memory_space<hbm>> -> memref<64x128xf32, #tpu.memory_space<hbm>>
        tpu.enqueue_dma source(%arg18 : memref<64x128xf32, #tpu.memory_space<vmem>>) target(%dma_start3A_158 : memref<64x128xf32, #tpu.memory_space<hbm>>) target_semaphore(%run_scoped3A : memref<!tpu.dma_semaphore, #tpu.memory_space<semaphore_mem>>)
        %dma_wait3A_159 = arith.constant 0 : i32
        %dma_wait3A_160 = tpu.memref_slice %arg7[%add3A_119, %dma_wait3A_159] : memref<323584x128xf32, #tpu.memory_space<hbm>> -> memref<64x128xf32, #tpu.memory_space<hbm>>
        %dma_wait3A_161 = arith.constant 0 : i32
        %dma_wait3A_162 = tpu.memref_slice %arg7[%add3A_119, %dma_wait3A_161] : memref<323584x128xf32, #tpu.memory_space<hbm>> -> memref<64x128xf32, #tpu.memory_space<hbm>>
        tpu.wait_dma2 semaphore(%run_scoped3A : memref<!tpu.dma_semaphore, #tpu.memory_space<semaphore_mem>>) src(%arg18 : memref<64x128xf32, #tpu.memory_space<vmem>>) dst(%dma_wait3A_162 : memref<64x128xf32, #tpu.memory_space<hbm>>)
        tpu.yield
      }) : () -> ()
      "tpu.region"() ({
        %run_scoped3A = tpu.sem_alloc : memref<!tpu.dma_semaphore, #tpu.memory_space<semaphore_mem>>
        %dma_start3A_155 = arith.constant 0 : i32
        %dma_start3A_156 = tpu.memref_slice %arg8[%add3A_119, %dma_start3A_155] : memref<323584x128xf32, #tpu.memory_space<hbm>> -> memref<64x128xf32, #tpu.memory_space<hbm>>
        %dma_start3A_157 = arith.constant 0 : i32
        %dma_start3A_158 = tpu.memref_slice %arg8[%add3A_119, %dma_start3A_157] : memref<323584x128xf32, #tpu.memory_space<hbm>> -> memref<64x128xf32, #tpu.memory_space<hbm>>
        tpu.enqueue_dma source(%arg19 : memref<64x128xf32, #tpu.memory_space<vmem>>) target(%dma_start3A_158 : memref<64x128xf32, #tpu.memory_space<hbm>>) target_semaphore(%run_scoped3A : memref<!tpu.dma_semaphore, #tpu.memory_space<semaphore_mem>>)
        %dma_wait3A_159 = arith.constant 0 : i32
        %dma_wait3A_160 = tpu.memref_slice %arg8[%add3A_119, %dma_wait3A_159] : memref<323584x128xf32, #tpu.memory_space<hbm>> -> memref<64x128xf32, #tpu.memory_space<hbm>>
        %dma_wait3A_161 = arith.constant 0 : i32
        %dma_wait3A_162 = tpu.memref_slice %arg8[%add3A_119, %dma_wait3A_161] : memref<323584x128xf32, #tpu.memory_space<hbm>> -> memref<64x128xf32, #tpu.memory_space<hbm>>
        tpu.wait_dma2 semaphore(%run_scoped3A : memref<!tpu.dma_semaphore, #tpu.memory_space<semaphore_mem>>) src(%arg19 : memref<64x128xf32, #tpu.memory_space<vmem>>) dst(%dma_wait3A_162 : memref<64x128xf32, #tpu.memory_space<hbm>>)
        tpu.yield
      }) : () -> ()
      %scan3A_132 = arith.constant 0 : i32
      %scan3A_133 = arith.constant 0 : i32
      %scan3A_134 = arith.constant 64 : i32
      %scan3A_135 = arith.addi %scan3A_133, %scan3A_134 : i32
      %scan3A_136 = arith.constant 1 : i32
      scf.for %scan3A_155 = %scan3A_133 to %scan3A_135 step %scan3A_136  : i32 {
        %get3A = arith.index_cast %scan3A_155 : i32 to index
        %get3A_156 = arith.constant 0 : index
        %get3A_157 = tpu.vector_load %arg21[%get3A, %get3A_156] {strides = array<i32>} : memref<64x128xf32, #tpu.memory_space<vmem>>, vector<1x16xf32>,
        %get3A_158 = vector.shape_cast %get3A_157 : vector<1x16xf32> to vector<16xf32>
        %get3A_159 = arith.index_cast %scan3A_155 : i32 to index
        %get3A_160 = arith.constant 0 : index
        %get3A_161 = tpu.vector_load %arg20[%get3A_159, %get3A_160] {strides = array<i32>} : memref<64x128xf32, #tpu.memory_space<vmem>>, vector<1x16xf32>,
        %get3A_162 = vector.shape_cast %get3A_161 : vector<1x16xf32> to vector<16xf32>
        %sub3A = arith.subf %get3A_158, %get3A_162 : vector<16xf32>
        %swap3A = arith.index_cast %scan3A_155 : i32 to index
        %swap3A_163 = arith.constant 0 : index
        %swap3A_164 = tpu.vector_load %arg22[%swap3A, %swap3A_163] {strides = array<i32>} : memref<64x16xf32, #tpu.memory_space<vmem>>, vector<1x16xf32>,
        %swap3A_165 = vector.shape_cast %swap3A_164 : vector<1x16xf32> to vector<16xf32>
        %swap3A_166 = vector.shape_cast %sub3A : vector<16xf32> to vector<1x16xf32>
        tpu.vector_store %arg22[%swap3A, %swap3A_163], %swap3A_166 {strides = array<i32>} : memref<64x16xf32, #tpu.memory_space<vmem>>, vector<1x16xf32>,
      }
      %scan3A_137 = arith.constant 64 : i32
      "tpu.region"() ({
        %run_scoped3A = tpu.sem_alloc : memref<!tpu.dma_semaphore, #tpu.memory_space<semaphore_mem>>
        %dma_start3A_155 = arith.constant 0 : i32
        %dma_start3A_156 = tpu.memref_slice %arg9[%add3A_119, %dma_start3A_155] : memref<323584x16xf32, #tpu.memory_space<hbm>> -> memref<64x16xf32, #tpu.memory_space<hbm>>
        %dma_start3A_157 = arith.constant 0 : i32
        %dma_start3A_158 = tpu.memref_slice %arg9[%add3A_119, %dma_start3A_157] : memref<323584x16xf32, #tpu.memory_space<hbm>> -> memref<64x16xf32, #tpu.memory_space<hbm>>
        tpu.enqueue_dma source(%arg22 : memref<64x16xf32, #tpu.memory_space<vmem>>) target(%dma_start3A_158 : memref<64x16xf32, #tpu.memory_space<hbm>>) target_semaphore(%run_scoped3A : memref<!tpu.dma_semaphore, #tpu.memory_space<semaphore_mem>>)
        %dma_wait3A_159 = arith.constant 0 : i32
        %dma_wait3A_160 = tpu.memref_slice %arg9[%add3A_119, %dma_wait3A_159] : memref<323584x16xf32, #tpu.memory_space<hbm>> -> memref<64x16xf32, #tpu.memory_space<hbm>>
        %dma_wait3A_161 = arith.constant 0 : i32
        %dma_wait3A_162 = tpu.memref_slice %arg9[%add3A_119, %dma_wait3A_161] : memref<323584x16xf32, #tpu.memory_space<hbm>> -> memref<64x16xf32, #tpu.memory_space<hbm>>
        tpu.wait_dma2 semaphore(%run_scoped3A : memref<!tpu.dma_semaphore, #tpu.memory_space<semaphore_mem>>) src(%arg22 : memref<64x16xf32, #tpu.memory_space<vmem>>) dst(%dma_wait3A_162 : memref<64x16xf32, #tpu.memory_space<hbm>>)
        tpu.yield
      }) : () -> ()
      %add3A_138 = arith.constant 3 : i32
      %add3A_139 = arith.addi %mul3A_76, %add3A_138 : i32
      %mul3A_140 = arith.constant 64 : i32
      %mul3A_141 = arith.muli %add3A_139, %mul3A_140 : i32
      %add3A_142 = arith.addi %mul3A_2, %mul3A_141 : i32
      "tpu.region"() ({
        %run_scoped3A = tpu.sem_alloc : memref<!tpu.dma_semaphore, #tpu.memory_space<semaphore_mem>>
        %dma_start3A_155 = tpu.memref_slice %arg5[%add3A_142] : memref<323584xi32, #tpu.memory_space<hbm>> -> memref<64xi32, #tpu.memory_space<hbm>>
        %dma_start3A_156 = tpu.memref_slice %arg5[%add3A_142] : memref<323584xi32, #tpu.memory_space<hbm>> -> memref<64xi32, #tpu.memory_space<hbm>>
        tpu.enqueue_dma source(%dma_start3A_156 : memref<64xi32, #tpu.memory_space<hbm>>) target(%arg16 : memref<64xi32, #tpu.memory_space<vmem>>) target_semaphore(%run_scoped3A : memref<!tpu.dma_semaphore, #tpu.memory_space<semaphore_mem>>)
        %dma_wait3A_157 = tpu.memref_slice %arg5[%add3A_142] : memref<323584xi32, #tpu.memory_space<hbm>> -> memref<64xi32, #tpu.memory_space<hbm>>
        %dma_wait3A_158 = tpu.memref_slice %arg5[%add3A_142] : memref<323584xi32, #tpu.memory_space<hbm>> -> memref<64xi32, #tpu.memory_space<hbm>>
        tpu.wait_dma2 semaphore(%run_scoped3A : memref<!tpu.dma_semaphore, #tpu.memory_space<semaphore_mem>>) src(%dma_wait3A_158 : memref<64xi32, #tpu.memory_space<hbm>>) dst(%arg16 : memref<64xi32, #tpu.memory_space<vmem>>)
        tpu.yield
      }) : () -> ()
      "tpu.region"() ({
        %run_scoped3A = tpu.sem_alloc : memref<!tpu.dma_semaphore, #tpu.memory_space<semaphore_mem>>
        %dma_start3A_155 = tpu.memref_slice %arg6[%add3A_142] : memref<323584xi32, #tpu.memory_space<hbm>> -> memref<64xi32, #tpu.memory_space<hbm>>
        %dma_start3A_156 = tpu.memref_slice %arg6[%add3A_142] : memref<323584xi32, #tpu.memory_space<hbm>> -> memref<64xi32, #tpu.memory_space<hbm>>
        tpu.enqueue_dma source(%dma_start3A_156 : memref<64xi32, #tpu.memory_space<hbm>>) target(%arg17 : memref<64xi32, #tpu.memory_space<vmem>>) target_semaphore(%run_scoped3A : memref<!tpu.dma_semaphore, #tpu.memory_space<semaphore_mem>>)
        %dma_wait3A_157 = tpu.memref_slice %arg6[%add3A_142] : memref<323584xi32, #tpu.memory_space<hbm>> -> memref<64xi32, #tpu.memory_space<hbm>>
        %dma_wait3A_158 = tpu.memref_slice %arg6[%add3A_142] : memref<323584xi32, #tpu.memory_space<hbm>> -> memref<64xi32, #tpu.memory_space<hbm>>
        tpu.wait_dma2 semaphore(%run_scoped3A : memref<!tpu.dma_semaphore, #tpu.memory_space<semaphore_mem>>) src(%dma_wait3A_158 : memref<64xi32, #tpu.memory_space<hbm>>) dst(%arg17 : memref<64xi32, #tpu.memory_space<vmem>>)
        tpu.yield
      }) : () -> ()
      %dma_start3A_143 = arith.constant 0 : i32
      %dma_start3A_144 = arith.constant 0 : i32
      %dma_start3A_145 = tpu.memref_slice %arg2[%dma_start3A_143, %dma_start3A_144] : memref<10240x128xf32, #tpu.memory_space<hbm>> -> memref<10240x128xf32, #tpu.memory_space<hbm>>
      tpu.enqueue_indirect_dma source(%dma_start3A_145 : memref<10240x128xf32, #tpu.memory_space<hbm>>) target(%arg18 : memref<64x128xf32, #tpu.memory_space<vmem>>) offsets(%arg16 : memref<64xi32, #tpu.memory_space<vmem>>) semaphore(%arg24 : memref<!tpu.dma_semaphore, #tpu.memory_space<semaphore_mem>>)
      %dma_start3A_146 = arith.constant 0 : i32
      %dma_start3A_147 = arith.constant 0 : i32
      %dma_start3A_148 = tpu.memref_slice %arg3[%dma_start3A_146, %dma_start3A_147] : memref<10240x128xf32, #tpu.memory_space<hbm>> -> memref<10240x128xf32, #tpu.memory_space<hbm>>
      tpu.enqueue_indirect_dma source(%dma_start3A_148 : memref<10240x128xf32, #tpu.memory_space<hbm>>) target(%arg19 : memref<64x128xf32, #tpu.memory_space<vmem>>) offsets(%arg17 : memref<64xi32, #tpu.memory_space<vmem>>) semaphore(%arg24 : memref<!tpu.dma_semaphore, #tpu.memory_space<semaphore_mem>>)
      %dma_start3A_149 = arith.constant 0 : i32
      %dma_start3A_150 = arith.constant 0 : i32
      %dma_start3A_151 = tpu.memref_slice %arg4[%dma_start3A_149, %dma_start3A_150] : memref<10240x128xf32, #tpu.memory_space<hbm>> -> memref<10240x128xf32, #tpu.memory_space<hbm>>
      tpu.enqueue_indirect_dma source(%dma_start3A_151 : memref<10240x128xf32, #tpu.memory_space<hbm>>) target(%arg20 : memref<64x128xf32, #tpu.memory_space<vmem>>) offsets(%arg16 : memref<64xi32, #tpu.memory_space<vmem>>) semaphore(%arg24 : memref<!tpu.dma_semaphore, #tpu.memory_space<semaphore_mem>>)
      %dma_start3A_152 = arith.constant 0 : i32
      %dma_start3A_153 = arith.constant 0 : i32
      %dma_start3A_154 = tpu.memref_slice %arg4[%dma_start3A_152, %dma_start3A_153] : memref<10240x128xf32, #tpu.memory_space<hbm>> -> memref<10240x128xf32, #tpu.memory_space<hbm>>
      tpu.enqueue_indirect_dma source(%dma_start3A_154 : memref<10240x128xf32, #tpu.memory_space<hbm>>) target(%arg21 : memref<64x128xf32, #tpu.memory_space<vmem>>) offsets(%arg17 : memref<64xi32, #tpu.memory_space<vmem>>) semaphore(%arg24 : memref<!tpu.dma_semaphore, #tpu.memory_space<semaphore_mem>>)
    }
    %scan3A_34 = arith.constant 78 : i32
    %add3A_35 = arith.constant 9984 : i32
    %add3A_36 = arith.addi %mul3A_2, %add3A_35 : i32
    %dma_wait3A = arith.constant 0 : i32
    %dma_wait3A_37 = arith.constant 0 : i32
    %dma_wait3A_38 = tpu.memref_slice %arg2[%dma_wait3A, %dma_wait3A_37] : memref<10240x128xf32, #tpu.memory_space<hbm>> -> memref<10240x128xf32, #tpu.memory_space<hbm>>
    tpu.wait_indirect_dma semaphore(%arg23 : memref<!tpu.dma_semaphore, #tpu.memory_space<semaphore_mem>>) src(%dma_wait3A_38 : memref<10240x128xf32, #tpu.memory_space<hbm>>) dst(%arg12 : memref<64x128xf32, #tpu.memory_space<vmem>>)
    %dma_wait3A_39 = arith.constant 0 : i32
    %dma_wait3A_40 = arith.constant 0 : i32
    %dma_wait3A_41 = tpu.memref_slice %arg3[%dma_wait3A_39, %dma_wait3A_40] : memref<10240x128xf32, #tpu.memory_space<hbm>> -> memref<10240x128xf32, #tpu.memory_space<hbm>>
    tpu.wait_indirect_dma semaphore(%arg23 : memref<!tpu.dma_semaphore, #tpu.memory_space<semaphore_mem>>) src(%dma_wait3A_41 : memref<10240x128xf32, #tpu.memory_space<hbm>>) dst(%arg13 : memref<64x128xf32, #tpu.memory_space<vmem>>)
    %dma_wait3A_42 = arith.constant 0 : i32
    %dma_wait3A_43 = arith.constant 0 : i32
    %dma_wait3A_44 = tpu.memref_slice %arg4[%dma_wait3A_42, %dma_wait3A_43] : memref<10240x128xf32, #tpu.memory_space<hbm>> -> memref<10240x128xf32, #tpu.memory_space<hbm>>
    tpu.wait_indirect_dma semaphore(%arg23 : memref<!tpu.dma_semaphore, #tpu.memory_space<semaphore_mem>>) src(%dma_wait3A_44 : memref<10240x128xf32, #tpu.memory_space<hbm>>) dst(%arg14 : memref<64x128xf32, #tpu.memory_space<vmem>>)
    %dma_wait3A_45 = arith.constant 0 : i32
    %dma_wait3A_46 = arith.constant 0 : i32
    %dma_wait3A_47 = tpu.memref_slice %arg4[%dma_wait3A_45, %dma_wait3A_46] : memref<10240x128xf32, #tpu.memory_space<hbm>> -> memref<10240x128xf32, #tpu.memory_space<hbm>>
    tpu.wait_indirect_dma semaphore(%arg23 : memref<!tpu.dma_semaphore, #tpu.memory_space<semaphore_mem>>) src(%dma_wait3A_47 : memref<10240x128xf32, #tpu.memory_space<hbm>>) dst(%arg15 : memref<64x128xf32, #tpu.memory_space<vmem>>)
    "tpu.region"() ({
      %run_scoped3A = tpu.sem_alloc : memref<!tpu.dma_semaphore, #tpu.memory_space<semaphore_mem>>
      %dma_start3A_74 = arith.constant 0 : i32
      %dma_start3A_75 = tpu.memref_slice %arg7[%add3A_36, %dma_start3A_74] : memref<323584x128xf32, #tpu.memory_space<hbm>> -> memref<64x128xf32, #tpu.memory_space<hbm>>
      %dma_start3A_76 = arith.constant 0 : i32
      %dma_start3A_77 = tpu.memref_slice %arg7[%add3A_36, %dma_start3A_76] : memref<323584x128xf32, #tpu.memory_space<hbm>> -> memref<64x128xf32, #tpu.memory_space<hbm>>
      tpu.enqueue_dma source(%arg12 : memref<64x128xf32, #tpu.memory_space<vmem>>) target(%dma_start3A_77 : memref<64x128xf32, #tpu.memory_space<hbm>>) target_semaphore(%run_scoped3A : memref<!tpu.dma_semaphore, #tpu.memory_space<semaphore_mem>>)
      %dma_wait3A_78 = arith.constant 0 : i32
      %dma_wait3A_79 = tpu.memref_slice %arg7[%add3A_36, %dma_wait3A_78] : memref<323584x128xf32, #tpu.memory_space<hbm>> -> memref<64x128xf32, #tpu.memory_space<hbm>>
      %dma_wait3A_80 = arith.constant 0 : i32
      %dma_wait3A_81 = tpu.memref_slice %arg7[%add3A_36, %dma_wait3A_80] : memref<323584x128xf32, #tpu.memory_space<hbm>> -> memref<64x128xf32, #tpu.memory_space<hbm>>
      tpu.wait_dma2 semaphore(%run_scoped3A : memref<!tpu.dma_semaphore, #tpu.memory_space<semaphore_mem>>) src(%arg12 : memref<64x128xf32, #tpu.memory_space<vmem>>) dst(%dma_wait3A_81 : memref<64x128xf32, #tpu.memory_space<hbm>>)
      tpu.yield
    }) : () -> ()
    "tpu.region"() ({
      %run_scoped3A = tpu.sem_alloc : memref<!tpu.dma_semaphore, #tpu.memory_space<semaphore_mem>>
      %dma_start3A_74 = arith.constant 0 : i32
      %dma_start3A_75 = tpu.memref_slice %arg8[%add3A_36, %dma_start3A_74] : memref<323584x128xf32, #tpu.memory_space<hbm>> -> memref<64x128xf32, #tpu.memory_space<hbm>>
      %dma_start3A_76 = arith.constant 0 : i32
      %dma_start3A_77 = tpu.memref_slice %arg8[%add3A_36, %dma_start3A_76] : memref<323584x128xf32, #tpu.memory_space<hbm>> -> memref<64x128xf32, #tpu.memory_space<hbm>>
      tpu.enqueue_dma source(%arg13 : memref<64x128xf32, #tpu.memory_space<vmem>>) target(%dma_start3A_77 : memref<64x128xf32, #tpu.memory_space<hbm>>) target_semaphore(%run_scoped3A : memref<!tpu.dma_semaphore, #tpu.memory_space<semaphore_mem>>)
      %dma_wait3A_78 = arith.constant 0 : i32
      %dma_wait3A_79 = tpu.memref_slice %arg8[%add3A_36, %dma_wait3A_78] : memref<323584x128xf32, #tpu.memory_space<hbm>> -> memref<64x128xf32, #tpu.memory_space<hbm>>
      %dma_wait3A_80 = arith.constant 0 : i32
      %dma_wait3A_81 = tpu.memref_slice %arg8[%add3A_36, %dma_wait3A_80] : memref<323584x128xf32, #tpu.memory_space<hbm>> -> memref<64x128xf32, #tpu.memory_space<hbm>>
      tpu.wait_dma2 semaphore(%run_scoped3A : memref<!tpu.dma_semaphore, #tpu.memory_space<semaphore_mem>>) src(%arg13 : memref<64x128xf32, #tpu.memory_space<vmem>>) dst(%dma_wait3A_81 : memref<64x128xf32, #tpu.memory_space<hbm>>)
      tpu.yield
    }) : () -> ()
    %scan3A_48 = arith.constant 0 : i32
    %scan3A_49 = arith.constant 0 : i32
    %scan3A_50 = arith.constant 64 : i32
    %scan3A_51 = arith.addi %scan3A_49, %scan3A_50 : i32
    %scan3A_52 = arith.constant 1 : i32
    scf.for %scan3A_74 = %scan3A_49 to %scan3A_51 step %scan3A_52  : i32 {
      %get3A = arith.index_cast %scan3A_74 : i32 to index
      %get3A_75 = arith.constant 0 : index
      %get3A_76 = tpu.vector_load %arg15[%get3A, %get3A_75] {strides = array<i32>} : memref<64x128xf32, #tpu.memory_space<vmem>>, vector<1x16xf32>,
      %get3A_77 = vector.shape_cast %get3A_76 : vector<1x16xf32> to vector<16xf32>
      %get3A_78 = arith.index_cast %scan3A_74 : i32 to index
      %get3A_79 = arith.constant 0 : index
      %get3A_80 = tpu.vector_load %arg14[%get3A_78, %get3A_79] {strides = array<i32>} : memref<64x128xf32, #tpu.memory_space<vmem>>, vector<1x16xf32>,
      %get3A_81 = vector.shape_cast %get3A_80 : vector<1x16xf32> to vector<16xf32>
      %sub3A = arith.subf %get3A_77, %get3A_81 : vector<16xf32>
      %swap3A = arith.index_cast %scan3A_74 : i32 to index
      %swap3A_82 = arith.constant 0 : index
      %swap3A_83 = tpu.vector_load %arg22[%swap3A, %swap3A_82] {strides = array<i32>} : memref<64x16xf32, #tpu.memory_space<vmem>>, vector<1x16xf32>,
      %swap3A_84 = vector.shape_cast %swap3A_83 : vector<1x16xf32> to vector<16xf32>
      %swap3A_85 = vector.shape_cast %sub3A : vector<16xf32> to vector<1x16xf32>
      tpu.vector_store %arg22[%swap3A, %swap3A_82], %swap3A_85 {strides = array<i32>} : memref<64x16xf32, #tpu.memory_space<vmem>>, vector<1x16xf32>,
    }
    %scan3A_53 = arith.constant 64 : i32
    "tpu.region"() ({
      %run_scoped3A = tpu.sem_alloc : memref<!tpu.dma_semaphore, #tpu.memory_space<semaphore_mem>>
      %dma_start3A_74 = arith.constant 0 : i32
      %dma_start3A_75 = tpu.memref_slice %arg9[%add3A_36, %dma_start3A_74] : memref<323584x16xf32, #tpu.memory_space<hbm>> -> memref<64x16xf32, #tpu.memory_space<hbm>>
      %dma_start3A_76 = arith.constant 0 : i32
      %dma_start3A_77 = tpu.memref_slice %arg9[%add3A_36, %dma_start3A_76] : memref<323584x16xf32, #tpu.memory_space<hbm>> -> memref<64x16xf32, #tpu.memory_space<hbm>>
      tpu.enqueue_dma source(%arg22 : memref<64x16xf32, #tpu.memory_space<vmem>>) target(%dma_start3A_77 : memref<64x16xf32, #tpu.memory_space<hbm>>) target_semaphore(%run_scoped3A : memref<!tpu.dma_semaphore, #tpu.memory_space<semaphore_mem>>)
      %dma_wait3A_78 = arith.constant 0 : i32
      %dma_wait3A_79 = tpu.memref_slice %arg9[%add3A_36, %dma_wait3A_78] : memref<323584x16xf32, #tpu.memory_space<hbm>> -> memref<64x16xf32, #tpu.memory_space<hbm>>
      %dma_wait3A_80 = arith.constant 0 : i32
      %dma_wait3A_81 = tpu.memref_slice %arg9[%add3A_36, %dma_wait3A_80] : memref<323584x16xf32, #tpu.memory_space<hbm>> -> memref<64x16xf32, #tpu.memory_space<hbm>>
      tpu.wait_dma2 semaphore(%run_scoped3A : memref<!tpu.dma_semaphore, #tpu.memory_space<semaphore_mem>>) src(%arg22 : memref<64x16xf32, #tpu.memory_space<vmem>>) dst(%dma_wait3A_81 : memref<64x16xf32, #tpu.memory_space<hbm>>)
      tpu.yield
    }) : () -> ()
    %add3A_54 = arith.constant 10048 : i32
    %add3A_55 = arith.addi %mul3A_2, %add3A_54 : i32
    %dma_wait3A_56 = arith.constant 0 : i32
    %dma_wait3A_57 = arith.constant 0 : i32
    %dma_wait3A_58 = tpu.memref_slice %arg2[%dma_wait3A_56, %dma_wait3A_57] : memref<10240x128xf32, #tpu.memory_space<hbm>> -> memref<10240x128xf32, #tpu.memory_space<hbm>>
    tpu.wait_indirect_dma semaphore(%arg24 : memref<!tpu.dma_semaphore, #tpu.memory_space<semaphore_mem>>) src(%dma_wait3A_58 : memref<10240x128xf32, #tpu.memory_space<hbm>>) dst(%arg18 : memref<64x128xf32, #tpu.memory_space<vmem>>)
    %dma_wait3A_59 = arith.constant 0 : i32
    %dma_wait3A_60 = arith.constant 0 : i32
    %dma_wait3A_61 = tpu.memref_slice %arg3[%dma_wait3A_59, %dma_wait3A_60] : memref<10240x128xf32, #tpu.memory_space<hbm>> -> memref<10240x128xf32, #tpu.memory_space<hbm>>
    tpu.wait_indirect_dma semaphore(%arg24 : memref<!tpu.dma_semaphore, #tpu.memory_space<semaphore_mem>>) src(%dma_wait3A_61 : memref<10240x128xf32, #tpu.memory_space<hbm>>) dst(%arg19 : memref<64x128xf32, #tpu.memory_space<vmem>>)
    %dma_wait3A_62 = arith.constant 0 : i32
    %dma_wait3A_63 = arith.constant 0 : i32
    %dma_wait3A_64 = tpu.memref_slice %arg4[%dma_wait3A_62, %dma_wait3A_63] : memref<10240x128xf32, #tpu.memory_space<hbm>> -> memref<10240x128xf32, #tpu.memory_space<hbm>>
    tpu.wait_indirect_dma semaphore(%arg24 : memref<!tpu.dma_semaphore, #tpu.memory_space<semaphore_mem>>) src(%dma_wait3A_64 : memref<10240x128xf32, #tpu.memory_space<hbm>>) dst(%arg20 : memref<64x128xf32, #tpu.memory_space<vmem>>)
    %dma_wait3A_65 = arith.constant 0 : i32
    %dma_wait3A_66 = arith.constant 0 : i32
    %dma_wait3A_67 = tpu.memref_slice %arg4[%dma_wait3A_65, %dma_wait3A_66] : memref<10240x128xf32, #tpu.memory_space<hbm>> -> memref<10240x128xf32, #tpu.memory_space<hbm>>
    tpu.wait_indirect_dma semaphore(%arg24 : memref<!tpu.dma_semaphore, #tpu.memory_space<semaphore_mem>>) src(%dma_wait3A_67 : memref<10240x128xf32, #tpu.memory_space<hbm>>) dst(%arg21 : memref<64x128xf32, #tpu.memory_space<vmem>>)
    "tpu.region"() ({
      %run_scoped3A = tpu.sem_alloc : memref<!tpu.dma_semaphore, #tpu.memory_space<semaphore_mem>>
      %dma_start3A_74 = arith.constant 0 : i32
      %dma_start3A_75 = tpu.memref_slice %arg7[%add3A_55, %dma_start3A_74] : memref<323584x128xf32, #tpu.memory_space<hbm>> -> memref<64x128xf32, #tpu.memory_space<hbm>>
      %dma_start3A_76 = arith.constant 0 : i32
      %dma_start3A_77 = tpu.memref_slice %arg7[%add3A_55, %dma_start3A_76] : memref<323584x128xf32, #tpu.memory_space<hbm>> -> memref<64x128xf32, #tpu.memory_space<hbm>>
      tpu.enqueue_dma source(%arg18 : memref<64x128xf32, #tpu.memory_space<vmem>>) target(%dma_start3A_77 : memref<64x128xf32, #tpu.memory_space<hbm>>) target_semaphore(%run_scoped3A : memref<!tpu.dma_semaphore, #tpu.memory_space<semaphore_mem>>)
      %dma_wait3A_78 = arith.constant 0 : i32
      %dma_wait3A_79 = tpu.memref_slice %arg7[%add3A_55, %dma_wait3A_78] : memref<323584x128xf32, #tpu.memory_space<hbm>> -> memref<64x128xf32, #tpu.memory_space<hbm>>
      %dma_wait3A_80 = arith.constant 0 : i32
      %dma_wait3A_81 = tpu.memref_slice %arg7[%add3A_55, %dma_wait3A_80] : memref<323584x128xf32, #tpu.memory_space<hbm>> -> memref<64x128xf32, #tpu.memory_space<hbm>>
      tpu.wait_dma2 semaphore(%run_scoped3A : memref<!tpu.dma_semaphore, #tpu.memory_space<semaphore_mem>>) src(%arg18 : memref<64x128xf32, #tpu.memory_space<vmem>>) dst(%dma_wait3A_81 : memref<64x128xf32, #tpu.memory_space<hbm>>)
      tpu.yield
    }) : () -> ()
    "tpu.region"() ({
      %run_scoped3A = tpu.sem_alloc : memref<!tpu.dma_semaphore, #tpu.memory_space<semaphore_mem>>
      %dma_start3A_74 = arith.constant 0 : i32
      %dma_start3A_75 = tpu.memref_slice %arg8[%add3A_55, %dma_start3A_74] : memref<323584x128xf32, #tpu.memory_space<hbm>> -> memref<64x128xf32, #tpu.memory_space<hbm>>
      %dma_start3A_76 = arith.constant 0 : i32
      %dma_start3A_77 = tpu.memref_slice %arg8[%add3A_55, %dma_start3A_76] : memref<323584x128xf32, #tpu.memory_space<hbm>> -> memref<64x128xf32, #tpu.memory_space<hbm>>
      tpu.enqueue_dma source(%arg19 : memref<64x128xf32, #tpu.memory_space<vmem>>) target(%dma_start3A_77 : memref<64x128xf32, #tpu.memory_space<hbm>>) target_semaphore(%run_scoped3A : memref<!tpu.dma_semaphore, #tpu.memory_space<semaphore_mem>>)
      %dma_wait3A_78 = arith.constant 0 : i32
      %dma_wait3A_79 = tpu.memref_slice %arg8[%add3A_55, %dma_wait3A_78] : memref<323584x128xf32, #tpu.memory_space<hbm>> -> memref<64x128xf32, #tpu.memory_space<hbm>>
      %dma_wait3A_80 = arith.constant 0 : i32
      %dma_wait3A_81 = tpu.memref_slice %arg8[%add3A_55, %dma_wait3A_80] : memref<323584x128xf32, #tpu.memory_space<hbm>> -> memref<64x128xf32, #tpu.memory_space<hbm>>
      tpu.wait_dma2 semaphore(%run_scoped3A : memref<!tpu.dma_semaphore, #tpu.memory_space<semaphore_mem>>) src(%arg19 : memref<64x128xf32, #tpu.memory_space<vmem>>) dst(%dma_wait3A_81 : memref<64x128xf32, #tpu.memory_space<hbm>>)
      tpu.yield
    }) : () -> ()
    %scan3A_68 = arith.constant 0 : i32
    %scan3A_69 = arith.constant 0 : i32
    %scan3A_70 = arith.constant 64 : i32
    %scan3A_71 = arith.addi %scan3A_69, %scan3A_70 : i32
    %scan3A_72 = arith.constant 1 : i32
    scf.for %scan3A_74 = %scan3A_69 to %scan3A_71 step %scan3A_72  : i32 {
      %get3A = arith.index_cast %scan3A_74 : i32 to index
      %get3A_75 = arith.constant 0 : index
      %get3A_76 = tpu.vector_load %arg21[%get3A, %get3A_75] {strides = array<i32>} : memref<64x128xf32, #tpu.memory_space<vmem>>, vector<1x16xf32>,
      %get3A_77 = vector.shape_cast %get3A_76 : vector<1x16xf32> to vector<16xf32>
      %get3A_78 = arith.index_cast %scan3A_74 : i32 to index
      %get3A_79 = arith.constant 0 : index
      %get3A_80 = tpu.vector_load %arg20[%get3A_78, %get3A_79] {strides = array<i32>} : memref<64x128xf32, #tpu.memory_space<vmem>>, vector<1x16xf32>,
      %get3A_81 = vector.shape_cast %get3A_80 : vector<1x16xf32> to vector<16xf32>
      %sub3A = arith.subf %get3A_77, %get3A_81 : vector<16xf32>
      %swap3A = arith.index_cast %scan3A_74 : i32 to index
      %swap3A_82 = arith.constant 0 : index
      %swap3A_83 = tpu.vector_load %arg22[%swap3A, %swap3A_82] {strides = array<i32>} : memref<64x16xf32, #tpu.memory_space<vmem>>, vector<1x16xf32>,
      %swap3A_84 = vector.shape_cast %swap3A_83 : vector<1x16xf32> to vector<16xf32>
      %swap3A_85 = vector.shape_cast %sub3A : vector<16xf32> to vector<1x16xf32>
      tpu.vector_store %arg22[%swap3A, %swap3A_82], %swap3A_85 {strides = array<i32>} : memref<64x16xf32, #tpu.memory_space<vmem>>, vector<1x16xf32>,
    }
    %scan3A_73 = arith.constant 64 : i32
    "tpu.region"() ({
      %run_scoped3A = tpu.sem_alloc : memref<!tpu.dma_semaphore, #tpu.memory_space<semaphore_mem>>
      %dma_start3A_74 = arith.constant 0 : i32
      %dma_start3A_75 = tpu.memref_slice %arg9[%add3A_55, %dma_start3A_74] : memref<323584x16xf32, #tpu.memory_space<hbm>> -> memref<64x16xf32, #tpu.memory_space<hbm>>
      %dma_start3A_76 = arith.constant 0 : i32
      %dma_start3A_77 = tpu.memref_slice %arg9[%add3A_55, %dma_start3A_76] : memref<323584x16xf32, #tpu.memory_space<hbm>> -> memref<64x16xf32, #tpu.memory_space<hbm>>
      tpu.enqueue_dma source(%arg22 : memref<64x16xf32, #tpu.memory_space<vmem>>) target(%dma_start3A_77 : memref<64x16xf32, #tpu.memory_space<hbm>>) target_semaphore(%run_scoped3A : memref<!tpu.dma_semaphore, #tpu.memory_space<semaphore_mem>>)
      %dma_wait3A_78 = arith.constant 0 : i32
      %dma_wait3A_79 = tpu.memref_slice %arg9[%add3A_55, %dma_wait3A_78] : memref<323584x16xf32, #tpu.memory_space<hbm>> -> memref<64x16xf32, #tpu.memory_space<hbm>>
      %dma_wait3A_80 = arith.constant 0 : i32
      %dma_wait3A_81 = tpu.memref_slice %arg9[%add3A_55, %dma_wait3A_80] : memref<323584x16xf32, #tpu.memory_space<hbm>> -> memref<64x16xf32, #tpu.memory_space<hbm>>
      tpu.wait_dma2 semaphore(%run_scoped3A : memref<!tpu.dma_semaphore, #tpu.memory_space<semaphore_mem>>) src(%arg22 : memref<64x16xf32, #tpu.memory_space<vmem>>) dst(%dma_wait3A_81 : memref<64x16xf32, #tpu.memory_space<hbm>>)
      tpu.yield
    }) : () -> ()
    return
  }
}

#map = affine_map<(d0, d1) -> (0, 0)>
#map1 = affine_map<(d0, d1) -> (0)>
#map2 = affine_map<(d0, d1) -> (0, 0, 0)>
module attributes {stable_mosaic.version = 14 : i64} {
  func.func @_sc_sum_body(%arg0: i32, %arg1: i32, %arg2: memref<323584x128xf32, #tpu.memory_space<hbm>>, %arg3: memref<323584xi32, #tpu.memory_space<hbm>>, %arg4: memref<64x128xf32, #tpu.memory_space<hbm>>, %arg5: memref<2x10240x128xf32, #tpu.memory_space<hbm>>, %arg6: memref<64xi32, #tpu.memory_space<vmem>>, %arg7: memref<64x128xf32, #tpu.memory_space<vmem>>, %arg8: memref<64xi32, #tpu.memory_space<vmem>>, %arg9: memref<64x128xf32, #tpu.memory_space<vmem>>, %arg10: memref<64x128xf32, #tpu.memory_space<vmem>>, %arg11: memref<10240x128xf32, #tpu.memory_space<vmem_shared>>, %arg12: memref<!tpu.dma_semaphore, #tpu.memory_space<semaphore_mem>>, %arg13: memref<!tpu.dma_semaphore, #tpu.memory_space<semaphore_mem>>) attributes {dimension_semantics = [#tpu.dimension_semantics<core_parallel>, #tpu.dimension_semantics<subcore_parallel>], iteration_bounds = array<i64: 2, 16>, scalar_prefetch = 0 : i64, scratch_operands = 8 : i64, tpu.core_type = #tpu.core_type<sc_vector_subcore>, window_params = [{transform_indices = #map}, {transform_indices = #map1}, {transform_indices = #map}, {transform_indices = #map2}]} {
    %mul3A = arith.constant 2 : i32
    %mul3A_0 = arith.muli %arg1, %mul3A : i32
    %add3A = arith.addi %mul3A_0, %arg0 : i32
    %mul3A_1 = arith.constant 10112 : i32
    %mul3A_2 = arith.muli %add3A, %mul3A_1 : i32
    "tpu.region"() ({
      %run_scoped3A = tpu.sem_alloc : memref<!tpu.dma_semaphore, #tpu.memory_space<semaphore_mem>>
      tpu.enqueue_dma source(%arg4 : memref<64x128xf32, #tpu.memory_space<hbm>>) target(%arg10 : memref<64x128xf32, #tpu.memory_space<vmem>>) target_semaphore(%run_scoped3A : memref<!tpu.dma_semaphore, #tpu.memory_space<semaphore_mem>>)
      tpu.wait_dma2 semaphore(%run_scoped3A : memref<!tpu.dma_semaphore, #tpu.memory_space<semaphore_mem>>) src(%arg4 : memref<64x128xf32, #tpu.memory_space<hbm>>) dst(%arg10 : memref<64x128xf32, #tpu.memory_space<vmem>>)
      tpu.yield
    }) : () -> ()
    %scan3A = arith.constant 0 : i32
    %scan3A_3 = arith.constant 0 : i32
    %scan3A_4 = arith.constant 10 : i32
    %scan3A_5 = arith.addi %scan3A_3, %scan3A_4 : i32
    %scan3A_6 = arith.constant 1 : i32
    scf.for %scan3A_39 = %scan3A_3 to %scan3A_5 step %scan3A_6  : i32 {
      %mul3A_40 = arith.constant 640 : i32
      %mul3A_41 = arith.muli %arg1, %mul3A_40 : i32
      %mul3A_42 = arith.constant 64 : i32
      %mul3A_43 = arith.muli %scan3A_39, %mul3A_42 : i32
      %add3A_44 = arith.addi %mul3A_41, %mul3A_43 : i32
      "tpu.region"() ({
        %run_scoped3A = tpu.sem_alloc : memref<!tpu.dma_semaphore, #tpu.memory_space<semaphore_mem>>
        %dma_start3A_45 = arith.constant 0 : i32
        %dma_start3A_46 = tpu.memref_slice %arg11[%add3A_44, %dma_start3A_45] : memref<10240x128xf32, #tpu.memory_space<vmem_shared>> -> memref<64x128xf32, #tpu.memory_space<vmem_shared>>
        %dma_start3A_47 = arith.constant 0 : i32
        %dma_start3A_48 = tpu.memref_slice %arg11[%add3A_44, %dma_start3A_47] : memref<10240x128xf32, #tpu.memory_space<vmem_shared>> -> memref<64x128xf32, #tpu.memory_space<vmem_shared>>
        tpu.enqueue_dma source(%arg10 : memref<64x128xf32, #tpu.memory_space<vmem>>) target(%dma_start3A_48 : memref<64x128xf32, #tpu.memory_space<vmem_shared>>) target_semaphore(%run_scoped3A : memref<!tpu.dma_semaphore, #tpu.memory_space<semaphore_mem>>)
        %dma_wait3A_49 = arith.constant 0 : i32
        %dma_wait3A_50 = tpu.memref_slice %arg11[%add3A_44, %dma_wait3A_49] : memref<10240x128xf32, #tpu.memory_space<vmem_shared>> -> memref<64x128xf32, #tpu.memory_space<vmem_shared>>
        %dma_wait3A_51 = arith.constant 0 : i32
        %dma_wait3A_52 = tpu.memref_slice %arg11[%add3A_44, %dma_wait3A_51] : memref<10240x128xf32, #tpu.memory_space<vmem_shared>> -> memref<64x128xf32, #tpu.memory_space<vmem_shared>>
        tpu.wait_dma2 semaphore(%run_scoped3A : memref<!tpu.dma_semaphore, #tpu.memory_space<semaphore_mem>>) src(%arg10 : memref<64x128xf32, #tpu.memory_space<vmem>>) dst(%dma_wait3A_52 : memref<64x128xf32, #tpu.memory_space<vmem_shared>>)
        tpu.yield
      }) : () -> ()
    }
    %scan3A_7 = arith.constant 10 : i32
    %barrier3A = arith.constant 0 : index
    tpu.barrier barrier_id(%barrier3A)
    %add3A_8 = arith.constant 0 : i32
    %add3A_9 = arith.addi %mul3A_2, %add3A_8 : i32
    "tpu.region"() ({
      %run_scoped3A = tpu.sem_alloc : memref<!tpu.dma_semaphore, #tpu.memory_space<semaphore_mem>>
      %dma_start3A_39 = tpu.memref_slice %arg3[%add3A_9] : memref<323584xi32, #tpu.memory_space<hbm>> -> memref<64xi32, #tpu.memory_space<hbm>>
      %dma_start3A_40 = tpu.memref_slice %arg3[%add3A_9] : memref<323584xi32, #tpu.memory_space<hbm>> -> memref<64xi32, #tpu.memory_space<hbm>>
      tpu.enqueue_dma source(%dma_start3A_40 : memref<64xi32, #tpu.memory_space<hbm>>) target(%arg6 : memref<64xi32, #tpu.memory_space<vmem>>) target_semaphore(%run_scoped3A : memref<!tpu.dma_semaphore, #tpu.memory_space<semaphore_mem>>)
      %dma_wait3A_41 = tpu.memref_slice %arg3[%add3A_9] : memref<323584xi32, #tpu.memory_space<hbm>> -> memref<64xi32, #tpu.memory_space<hbm>>
      %dma_wait3A_42 = tpu.memref_slice %arg3[%add3A_9] : memref<323584xi32, #tpu.memory_space<hbm>> -> memref<64xi32, #tpu.memory_space<hbm>>
      tpu.wait_dma2 semaphore(%run_scoped3A : memref<!tpu.dma_semaphore, #tpu.memory_space<semaphore_mem>>) src(%dma_wait3A_42 : memref<64xi32, #tpu.memory_space<hbm>>) dst(%arg6 : memref<64xi32, #tpu.memory_space<vmem>>)
      tpu.yield
    }) : () -> ()
    %dma_start3A = arith.constant 0 : i32
    %dma_start3A_10 = tpu.memref_slice %arg2[%add3A_9, %dma_start3A] : memref<323584x128xf32, #tpu.memory_space<hbm>> -> memref<64x128xf32, #tpu.memory_space<hbm>>
    %dma_start3A_11 = arith.constant 0 : i32
    %dma_start3A_12 = tpu.memref_slice %arg2[%add3A_9, %dma_start3A_11] : memref<323584x128xf32, #tpu.memory_space<hbm>> -> memref<64x128xf32, #tpu.memory_space<hbm>>
    tpu.enqueue_dma source(%dma_start3A_12 : memref<64x128xf32, #tpu.memory_space<hbm>>) target(%arg7 : memref<64x128xf32, #tpu.memory_space<vmem>>) target_semaphore(%arg12 : memref<!tpu.dma_semaphore, #tpu.memory_space<semaphore_mem>>)
    %add3A_13 = arith.constant 64 : i32
    %add3A_14 = arith.addi %mul3A_2, %add3A_13 : i32
    "tpu.region"() ({
      %run_scoped3A = tpu.sem_alloc : memref<!tpu.dma_semaphore, #tpu.memory_space<semaphore_mem>>
      %dma_start3A_39 = tpu.memref_slice %arg3[%add3A_14] : memref<323584xi32, #tpu.memory_space<hbm>> -> memref<64xi32, #tpu.memory_space<hbm>>
      %dma_start3A_40 = tpu.memref_slice %arg3[%add3A_14] : memref<323584xi32, #tpu.memory_space<hbm>> -> memref<64xi32, #tpu.memory_space<hbm>>
      tpu.enqueue_dma source(%dma_start3A_40 : memref<64xi32, #tpu.memory_space<hbm>>) target(%arg8 : memref<64xi32, #tpu.memory_space<vmem>>) target_semaphore(%run_scoped3A : memref<!tpu.dma_semaphore, #tpu.memory_space<semaphore_mem>>)
      %dma_wait3A_41 = tpu.memref_slice %arg3[%add3A_14] : memref<323584xi32, #tpu.memory_space<hbm>> -> memref<64xi32, #tpu.memory_space<hbm>>
      %dma_wait3A_42 = tpu.memref_slice %arg3[%add3A_14] : memref<323584xi32, #tpu.memory_space<hbm>> -> memref<64xi32, #tpu.memory_space<hbm>>
      tpu.wait_dma2 semaphore(%run_scoped3A : memref<!tpu.dma_semaphore, #tpu.memory_space<semaphore_mem>>) src(%dma_wait3A_42 : memref<64xi32, #tpu.memory_space<hbm>>) dst(%arg8 : memref<64xi32, #tpu.memory_space<vmem>>)
      tpu.yield
    }) : () -> ()
    %dma_start3A_15 = arith.constant 0 : i32
    %dma_start3A_16 = tpu.memref_slice %arg2[%add3A_14, %dma_start3A_15] : memref<323584x128xf32, #tpu.memory_space<hbm>> -> memref<64x128xf32, #tpu.memory_space<hbm>>
    %dma_start3A_17 = arith.constant 0 : i32
    %dma_start3A_18 = tpu.memref_slice %arg2[%add3A_14, %dma_start3A_17] : memref<323584x128xf32, #tpu.memory_space<hbm>> -> memref<64x128xf32, #tpu.memory_space<hbm>>
    tpu.enqueue_dma source(%dma_start3A_18 : memref<64x128xf32, #tpu.memory_space<hbm>>) target(%arg9 : memref<64x128xf32, #tpu.memory_space<vmem>>) target_semaphore(%arg13 : memref<!tpu.dma_semaphore, #tpu.memory_space<semaphore_mem>>)
    %scan3A_19 = arith.constant 0 : i32
    %scan3A_20 = arith.constant 0 : i32
    %scan3A_21 = arith.constant 78 : i32
    %scan3A_22 = arith.addi %scan3A_20, %scan3A_21 : i32
    %scan3A_23 = arith.constant 1 : i32
    scf.for %scan3A_39 = %scan3A_20 to %scan3A_22 step %scan3A_23  : i32 {
      %mul3A_40 = arith.constant 2 : i32
      %mul3A_41 = arith.muli %mul3A_40, %scan3A_39 : i32
      %mul3A_42 = arith.constant 64 : i32
      %mul3A_43 = arith.muli %mul3A_41, %mul3A_42 : i32
      %add3A_44 = arith.addi %mul3A_2, %mul3A_43 : i32
      %dma_wait3A_45 = arith.constant 0 : i32
      %dma_wait3A_46 = tpu.memref_slice %arg2[%add3A_44, %dma_wait3A_45] : memref<323584x128xf32, #tpu.memory_space<hbm>> -> memref<64x128xf32, #tpu.memory_space<hbm>>
      %dma_wait3A_47 = arith.constant 0 : i32
      %dma_wait3A_48 = tpu.memref_slice %arg2[%add3A_44, %dma_wait3A_47] : memref<323584x128xf32, #tpu.memory_space<hbm>> -> memref<64x128xf32, #tpu.memory_space<hbm>>
      tpu.wait_dma2 semaphore(%arg12 : memref<!tpu.dma_semaphore, #tpu.memory_space<semaphore_mem>>) src(%dma_wait3A_48 : memref<64x128xf32, #tpu.memory_space<hbm>>) dst(%arg7 : memref<64x128xf32, #tpu.memory_space<vmem>>)
      "tpu.region"() ({
        %run_scoped3A = tpu.sem_alloc : memref<!tpu.dma_semaphore, #tpu.memory_space<semaphore_mem>>
        %dma_start3A_76 = arith.constant 0 : i32
        %dma_start3A_77 = arith.constant 0 : i32
        %dma_start3A_78 = tpu.memref_slice %arg11[%dma_start3A_76, %dma_start3A_77] : memref<10240x128xf32, #tpu.memory_space<vmem_shared>> -> memref<10240x128xf32, #tpu.memory_space<vmem_shared>>
        tpu.enqueue_indirect_dma source(%arg7 : memref<64x128xf32, #tpu.memory_space<vmem>>) target(%dma_start3A_78 : memref<10240x128xf32, #tpu.memory_space<vmem_shared>>) offsets(%arg6 : memref<64xi32, #tpu.memory_space<vmem>>) semaphore(%run_scoped3A : memref<!tpu.dma_semaphore, #tpu.memory_space<semaphore_mem>>) {add = true}
        %dma_wait3A_79 = arith.constant 0 : i32
        %dma_wait3A_80 = arith.constant 0 : i32
        %dma_wait3A_81 = tpu.memref_slice %arg11[%dma_wait3A_79, %dma_wait3A_80] : memref<10240x128xf32, #tpu.memory_space<vmem_shared>> -> memref<10240x128xf32, #tpu.memory_space<vmem_shared>>
        tpu.wait_indirect_dma semaphore(%run_scoped3A : memref<!tpu.dma_semaphore, #tpu.memory_space<semaphore_mem>>) src(%arg7 : memref<64x128xf32, #tpu.memory_space<vmem>>) dst(%dma_wait3A_81 : memref<10240x128xf32, #tpu.memory_space<vmem_shared>>)
        tpu.yield
      }) : () -> ()
      %add3A_49 = arith.constant 2 : i32
      %add3A_50 = arith.addi %mul3A_41, %add3A_49 : i32
      %mul3A_51 = arith.constant 64 : i32
      %mul3A_52 = arith.muli %add3A_50, %mul3A_51 : i32
      %add3A_53 = arith.addi %mul3A_2, %mul3A_52 : i32
      "tpu.region"() ({
        %run_scoped3A = tpu.sem_alloc : memref<!tpu.dma_semaphore, #tpu.memory_space<semaphore_mem>>
        %dma_start3A_76 = tpu.memref_slice %arg3[%add3A_53] : memref<323584xi32, #tpu.memory_space<hbm>> -> memref<64xi32, #tpu.memory_space<hbm>>
        %dma_start3A_77 = tpu.memref_slice %arg3[%add3A_53] : memref<323584xi32, #tpu.memory_space<hbm>> -> memref<64xi32, #tpu.memory_space<hbm>>
        tpu.enqueue_dma source(%dma_start3A_77 : memref<64xi32, #tpu.memory_space<hbm>>) target(%arg6 : memref<64xi32, #tpu.memory_space<vmem>>) target_semaphore(%run_scoped3A : memref<!tpu.dma_semaphore, #tpu.memory_space<semaphore_mem>>)
        %dma_wait3A_78 = tpu.memref_slice %arg3[%add3A_53] : memref<323584xi32, #tpu.memory_space<hbm>> -> memref<64xi32, #tpu.memory_space<hbm>>
        %dma_wait3A_79 = tpu.memref_slice %arg3[%add3A_53] : memref<323584xi32, #tpu.memory_space<hbm>> -> memref<64xi32, #tpu.memory_space<hbm>>
        tpu.wait_dma2 semaphore(%run_scoped3A : memref<!tpu.dma_semaphore, #tpu.memory_space<semaphore_mem>>) src(%dma_wait3A_79 : memref<64xi32, #tpu.memory_space<hbm>>) dst(%arg6 : memref<64xi32, #tpu.memory_space<vmem>>)
        tpu.yield
      }) : () -> ()
      %dma_start3A_54 = arith.constant 0 : i32
      %dma_start3A_55 = tpu.memref_slice %arg2[%add3A_53, %dma_start3A_54] : memref<323584x128xf32, #tpu.memory_space<hbm>> -> memref<64x128xf32, #tpu.memory_space<hbm>>
      %dma_start3A_56 = arith.constant 0 : i32
      %dma_start3A_57 = tpu.memref_slice %arg2[%add3A_53, %dma_start3A_56] : memref<323584x128xf32, #tpu.memory_space<hbm>> -> memref<64x128xf32, #tpu.memory_space<hbm>>
      tpu.enqueue_dma source(%dma_start3A_57 : memref<64x128xf32, #tpu.memory_space<hbm>>) target(%arg7 : memref<64x128xf32, #tpu.memory_space<vmem>>) target_semaphore(%arg12 : memref<!tpu.dma_semaphore, #tpu.memory_space<semaphore_mem>>)
      %add3A_58 = arith.constant 1 : i32
      %add3A_59 = arith.addi %mul3A_41, %add3A_58 : i32
      %mul3A_60 = arith.constant 64 : i32
      %mul3A_61 = arith.muli %add3A_59, %mul3A_60 : i32
      %add3A_62 = arith.addi %mul3A_2, %mul3A_61 : i32
      %dma_wait3A_63 = arith.constant 0 : i32
      %dma_wait3A_64 = tpu.memref_slice %arg2[%add3A_62, %dma_wait3A_63] : memref<323584x128xf32, #tpu.memory_space<hbm>> -> memref<64x128xf32, #tpu.memory_space<hbm>>
      %dma_wait3A_65 = arith.constant 0 : i32
      %dma_wait3A_66 = tpu.memref_slice %arg2[%add3A_62, %dma_wait3A_65] : memref<323584x128xf32, #tpu.memory_space<hbm>> -> memref<64x128xf32, #tpu.memory_space<hbm>>
      tpu.wait_dma2 semaphore(%arg13 : memref<!tpu.dma_semaphore, #tpu.memory_space<semaphore_mem>>) src(%dma_wait3A_66 : memref<64x128xf32, #tpu.memory_space<hbm>>) dst(%arg9 : memref<64x128xf32, #tpu.memory_space<vmem>>)
      "tpu.region"() ({
        %run_scoped3A = tpu.sem_alloc : memref<!tpu.dma_semaphore, #tpu.memory_space<semaphore_mem>>
        %dma_start3A_76 = arith.constant 0 : i32
        %dma_start3A_77 = arith.constant 0 : i32
        %dma_start3A_78 = tpu.memref_slice %arg11[%dma_start3A_76, %dma_start3A_77] : memref<10240x128xf32, #tpu.memory_space<vmem_shared>> -> memref<10240x128xf32, #tpu.memory_space<vmem_shared>>
        tpu.enqueue_indirect_dma source(%arg9 : memref<64x128xf32, #tpu.memory_space<vmem>>) target(%dma_start3A_78 : memref<10240x128xf32, #tpu.memory_space<vmem_shared>>) offsets(%arg8 : memref<64xi32, #tpu.memory_space<vmem>>) semaphore(%run_scoped3A : memref<!tpu.dma_semaphore, #tpu.memory_space<semaphore_mem>>) {add = true}
        %dma_wait3A_79 = arith.constant 0 : i32
        %dma_wait3A_80 = arith.constant 0 : i32
        %dma_wait3A_81 = tpu.memref_slice %arg11[%dma_wait3A_79, %dma_wait3A_80] : memref<10240x128xf32, #tpu.memory_space<vmem_shared>> -> memref<10240x128xf32, #tpu.memory_space<vmem_shared>>
        tpu.wait_indirect_dma semaphore(%run_scoped3A : memref<!tpu.dma_semaphore, #tpu.memory_space<semaphore_mem>>) src(%arg9 : memref<64x128xf32, #tpu.memory_space<vmem>>) dst(%dma_wait3A_81 : memref<10240x128xf32, #tpu.memory_space<vmem_shared>>)
        tpu.yield
      }) : () -> ()
      %add3A_67 = arith.constant 3 : i32
      %add3A_68 = arith.addi %mul3A_41, %add3A_67 : i32
      %mul3A_69 = arith.constant 64 : i32
      %mul3A_70 = arith.muli %add3A_68, %mul3A_69 : i32
      %add3A_71 = arith.addi %mul3A_2, %mul3A_70 : i32
      "tpu.region"() ({
        %run_scoped3A = tpu.sem_alloc : memref<!tpu.dma_semaphore, #tpu.memory_space<semaphore_mem>>
        %dma_start3A_76 = tpu.memref_slice %arg3[%add3A_71] : memref<323584xi32, #tpu.memory_space<hbm>> -> memref<64xi32, #tpu.memory_space<hbm>>
        %dma_start3A_77 = tpu.memref_slice %arg3[%add3A_71] : memref<323584xi32, #tpu.memory_space<hbm>> -> memref<64xi32, #tpu.memory_space<hbm>>
        tpu.enqueue_dma source(%dma_start3A_77 : memref<64xi32, #tpu.memory_space<hbm>>) target(%arg8 : memref<64xi32, #tpu.memory_space<vmem>>) target_semaphore(%run_scoped3A : memref<!tpu.dma_semaphore, #tpu.memory_space<semaphore_mem>>)
        %dma_wait3A_78 = tpu.memref_slice %arg3[%add3A_71] : memref<323584xi32, #tpu.memory_space<hbm>> -> memref<64xi32, #tpu.memory_space<hbm>>
        %dma_wait3A_79 = tpu.memref_slice %arg3[%add3A_71] : memref<323584xi32, #tpu.memory_space<hbm>> -> memref<64xi32, #tpu.memory_space<hbm>>
        tpu.wait_dma2 semaphore(%run_scoped3A : memref<!tpu.dma_semaphore, #tpu.memory_space<semaphore_mem>>) src(%dma_wait3A_79 : memref<64xi32, #tpu.memory_space<hbm>>) dst(%arg8 : memref<64xi32, #tpu.memory_space<vmem>>)
        tpu.yield
      }) : () -> ()
      %dma_start3A_72 = arith.constant 0 : i32
      %dma_start3A_73 = tpu.memref_slice %arg2[%add3A_71, %dma_start3A_72] : memref<323584x128xf32, #tpu.memory_space<hbm>> -> memref<64x128xf32, #tpu.memory_space<hbm>>
      %dma_start3A_74 = arith.constant 0 : i32
      %dma_start3A_75 = tpu.memref_slice %arg2[%add3A_71, %dma_start3A_74] : memref<323584x128xf32, #tpu.memory_space<hbm>> -> memref<64x128xf32, #tpu.memory_space<hbm>>
      tpu.enqueue_dma source(%dma_start3A_75 : memref<64x128xf32, #tpu.memory_space<hbm>>) target(%arg9 : memref<64x128xf32, #tpu.memory_space<vmem>>) target_semaphore(%arg13 : memref<!tpu.dma_semaphore, #tpu.memory_space<semaphore_mem>>)
    }
    %scan3A_24 = arith.constant 78 : i32
    %add3A_25 = arith.constant 9984 : i32
    %add3A_26 = arith.addi %mul3A_2, %add3A_25 : i32
    %dma_wait3A = arith.constant 0 : i32
    %dma_wait3A_27 = tpu.memref_slice %arg2[%add3A_26, %dma_wait3A] : memref<323584x128xf32, #tpu.memory_space<hbm>> -> memref<64x128xf32, #tpu.memory_space<hbm>>
    %dma_wait3A_28 = arith.constant 0 : i32
    %dma_wait3A_29 = tpu.memref_slice %arg2[%add3A_26, %dma_wait3A_28] : memref<323584x128xf32, #tpu.memory_space<hbm>> -> memref<64x128xf32, #tpu.memory_space<hbm>>
    tpu.wait_dma2 semaphore(%arg12 : memref<!tpu.dma_semaphore, #tpu.memory_space<semaphore_mem>>) src(%dma_wait3A_29 : memref<64x128xf32, #tpu.memory_space<hbm>>) dst(%arg7 : memref<64x128xf32, #tpu.memory_space<vmem>>)
    "tpu.region"() ({
      %run_scoped3A = tpu.sem_alloc : memref<!tpu.dma_semaphore, #tpu.memory_space<semaphore_mem>>
      %dma_start3A_39 = arith.constant 0 : i32
      %dma_start3A_40 = arith.constant 0 : i32
      %dma_start3A_41 = tpu.memref_slice %arg11[%dma_start3A_39, %dma_start3A_40] : memref<10240x128xf32, #tpu.memory_space<vmem_shared>> -> memref<10240x128xf32, #tpu.memory_space<vmem_shared>>
      tpu.enqueue_indirect_dma source(%arg7 : memref<64x128xf32, #tpu.memory_space<vmem>>) target(%dma_start3A_41 : memref<10240x128xf32, #tpu.memory_space<vmem_shared>>) offsets(%arg6 : memref<64xi32, #tpu.memory_space<vmem>>) semaphore(%run_scoped3A : memref<!tpu.dma_semaphore, #tpu.memory_space<semaphore_mem>>) {add = true}
      %dma_wait3A_42 = arith.constant 0 : i32
      %dma_wait3A_43 = arith.constant 0 : i32
      %dma_wait3A_44 = tpu.memref_slice %arg11[%dma_wait3A_42, %dma_wait3A_43] : memref<10240x128xf32, #tpu.memory_space<vmem_shared>> -> memref<10240x128xf32, #tpu.memory_space<vmem_shared>>
      tpu.wait_indirect_dma semaphore(%run_scoped3A : memref<!tpu.dma_semaphore, #tpu.memory_space<semaphore_mem>>) src(%arg7 : memref<64x128xf32, #tpu.memory_space<vmem>>) dst(%dma_wait3A_44 : memref<10240x128xf32, #tpu.memory_space<vmem_shared>>)
      tpu.yield
    }) : () -> ()
    %add3A_30 = arith.constant 10048 : i32
    %add3A_31 = arith.addi %mul3A_2, %add3A_30 : i32
    %dma_wait3A_32 = arith.constant 0 : i32
    %dma_wait3A_33 = tpu.memref_slice %arg2[%add3A_31, %dma_wait3A_32] : memref<323584x128xf32, #tpu.memory_space<hbm>> -> memref<64x128xf32, #tpu.memory_space<hbm>>
    %dma_wait3A_34 = arith.constant 0 : i32
    %dma_wait3A_35 = tpu.memref_slice %arg2[%add3A_31, %dma_wait3A_34] : memref<323584x128xf32, #tpu.memory_space<hbm>> -> memref<64x128xf32, #tpu.memory_space<hbm>>
    tpu.wait_dma2 semaphore(%arg13 : memref<!tpu.dma_semaphore, #tpu.memory_space<semaphore_mem>>) src(%dma_wait3A_35 : memref<64x128xf32, #tpu.memory_space<hbm>>) dst(%arg9 : memref<64x128xf32, #tpu.memory_space<vmem>>)
    "tpu.region"() ({
      %run_scoped3A = tpu.sem_alloc : memref<!tpu.dma_semaphore, #tpu.memory_space<semaphore_mem>>
      %dma_start3A_39 = arith.constant 0 : i32
      %dma_start3A_40 = arith.constant 0 : i32
      %dma_start3A_41 = tpu.memref_slice %arg11[%dma_start3A_39, %dma_start3A_40] : memref<10240x128xf32, #tpu.memory_space<vmem_shared>> -> memref<10240x128xf32, #tpu.memory_space<vmem_shared>>
      tpu.enqueue_indirect_dma source(%arg9 : memref<64x128xf32, #tpu.memory_space<vmem>>) target(%dma_start3A_41 : memref<10240x128xf32, #tpu.memory_space<vmem_shared>>) offsets(%arg8 : memref<64xi32, #tpu.memory_space<vmem>>) semaphore(%run_scoped3A : memref<!tpu.dma_semaphore, #tpu.memory_space<semaphore_mem>>) {add = true}
      %dma_wait3A_42 = arith.constant 0 : i32
      %dma_wait3A_43 = arith.constant 0 : i32
      %dma_wait3A_44 = tpu.memref_slice %arg11[%dma_wait3A_42, %dma_wait3A_43] : memref<10240x128xf32, #tpu.memory_space<vmem_shared>> -> memref<10240x128xf32, #tpu.memory_space<vmem_shared>>
      tpu.wait_indirect_dma semaphore(%run_scoped3A : memref<!tpu.dma_semaphore, #tpu.memory_space<semaphore_mem>>) src(%arg9 : memref<64x128xf32, #tpu.memory_space<vmem>>) dst(%dma_wait3A_44 : memref<10240x128xf32, #tpu.memory_space<vmem_shared>>)
      tpu.yield
    }) : () -> ()
    %barrier3A_36 = arith.constant 0 : index
    tpu.barrier barrier_id(%barrier3A_36)
    %mul3A_37 = arith.constant 640 : i32
    %mul3A_38 = arith.muli %arg1, %mul3A_37 : i32
    "tpu.region"() ({
      %run_scoped3A = tpu.sem_alloc : memref<!tpu.dma_semaphore, #tpu.memory_space<semaphore_mem>>
      %dma_start3A_39 = arith.constant 0 : i32
      %dma_start3A_40 = arith.constant 0 : i32
      %dma_start3A_41 = tpu.memref_slice %arg5[%arg0, %dma_start3A_39, %dma_start3A_40] : memref<2x10240x128xf32, #tpu.memory_space<hbm>> -> memref<1x10240x128xf32, #tpu.memory_space<hbm>>
      %dma_start3A_42 = tpu.memref_squeeze %dma_start3A_41 : memref<1x10240x128xf32, #tpu.memory_space<hbm>> -> memref<10240x128xf32, #tpu.memory_space<hbm>>
      %dma_start3A_43 = arith.constant 0 : i32
      %dma_start3A_44 = tpu.memref_slice %dma_start3A_42[%mul3A_38, %dma_start3A_43] : memref<10240x128xf32, #tpu.memory_space<hbm>> -> memref<640x128xf32, #tpu.memory_space<hbm>>
      %dma_start3A_45 = arith.constant 0 : i32
      %dma_start3A_46 = tpu.memref_slice %arg11[%mul3A_38, %dma_start3A_45] : memref<10240x128xf32, #tpu.memory_space<vmem_shared>> -> memref<640x128xf32, #tpu.memory_space<vmem_shared>>
      tpu.enqueue_dma source(%dma_start3A_46 : memref<640x128xf32, #tpu.memory_space<vmem_shared>>) target(%dma_start3A_44 : memref<640x128xf32, #tpu.memory_space<hbm>>) target_semaphore(%run_scoped3A : memref<!tpu.dma_semaphore, #tpu.memory_space<semaphore_mem>>)
      %dma_wait3A_47 = arith.constant 0 : i32
      %dma_wait3A_48 = arith.constant 0 : i32
      %dma_wait3A_49 = tpu.memref_slice %arg5[%arg0, %dma_wait3A_47, %dma_wait3A_48] : memref<2x10240x128xf32, #tpu.memory_space<hbm>> -> memref<1x10240x128xf32, #tpu.memory_space<hbm>>
      %dma_wait3A_50 = tpu.memref_squeeze %dma_wait3A_49 : memref<1x10240x128xf32, #tpu.memory_space<hbm>> -> memref<10240x128xf32, #tpu.memory_space<hbm>>
      %dma_wait3A_51 = arith.constant 0 : i32
      %dma_wait3A_52 = tpu.memref_slice %dma_wait3A_50[%mul3A_38, %dma_wait3A_51] : memref<10240x128xf32, #tpu.memory_space<hbm>> -> memref<640x128xf32, #tpu.memory_space<hbm>>
      %dma_wait3A_53 = arith.constant 0 : i32
      %dma_wait3A_54 = tpu.memref_slice %arg11[%mul3A_38, %dma_wait3A_53] : memref<10240x128xf32, #tpu.memory_space<vmem_shared>> -> memref<640x128xf32, #tpu.memory_space<vmem_shared>>
      tpu.wait_dma2 semaphore(%run_scoped3A : memref<!tpu.dma_semaphore, #tpu.memory_space<semaphore_mem>>) src(%dma_wait3A_54 : memref<640x128xf32, #tpu.memory_space<vmem_shared>>) dst(%dma_wait3A_52 : memref<640x128xf32, #tpu.memory_space<hbm>>)
      tpu.yield
    }) : () -> ()
    return
  }
}

module attributes {stable_mosaic.version = 14 : i64} {
  func.func @_stage1_body(%arg0: memref<2048x128xf32, #tpu.memory_space<vmem>>, %arg1: memref<256x16xf32, #tpu.memory_space<vmem>>, %arg2: memref<128x128xf32, #tpu.memory_space<vmem>>, %arg3: memref<1x128xf32, #tpu.memory_space<vmem>>, %arg4: memref<128x128xf32, #tpu.memory_space<vmem>>, %arg5: memref<1x128xf32, #tpu.memory_space<vmem>>, %arg6: memref<16x128xf32, #tpu.memory_space<vmem>>, %arg7: memref<1x128xf32, #tpu.memory_space<vmem>>, %arg8: memref<2048x128xf32, #tpu.memory_space<vmem>>, %arg9: memref<2048x128xf32, #tpu.memory_space<vmem>>, %arg10: memref<256x128xf32, #tpu.memory_space<vmem>>) attributes {dimension_semantics = [], scalar_prefetch = 0 : i64, scratch_operands = 0 : i64, tpu.core_type = #tpu.core_type<tc>} {
    %get3A = arith.constant 0 : index
    %get3A_0 = arith.constant 0 : index
    %get3A_1 = vector.load %arg0[%get3A, %get3A_0] : memref<2048x128xf32, #tpu.memory_space<vmem>>, vector<2048x128xf32>
    %get3A_2 = arith.constant 0 : index
    %get3A_3 = arith.constant 0 : index
    %get3A_4 = vector.load %arg2[%get3A_2, %get3A_3] : memref<128x128xf32, #tpu.memory_space<vmem>>, vector<128x128xf32>
    %dot_general3A = arith.constant dense<0.000000e+00> : vector<2048x128xf32>
    %dot_general3A_5 = tpu.matmul %get3A_1, %get3A_4, %dot_general3A {dimension_numbers = #tpu.dot_dimension_numbers<[1], [0], [0], [1], [0, 0, 1, 1], [], []>, transpose_lhs_hint = false} : vector<2048x128xf32>, vector<128x128xf32>, vector<2048x128xf32> -> vector<2048x128xf32>
    %get3A_6 = arith.constant 0 : index
    %get3A_7 = arith.constant 0 : index
    %get3A_8 = vector.load %arg3[%get3A_6, %get3A_7] : memref<1x128xf32, #tpu.memory_space<vmem>>, vector<1x128xf32>
    %add3A = vector.broadcast %get3A_8 : vector<1x128xf32> to vector<2048x128xf32>
    %add3A_9 = arith.addf %dot_general3A_5, %add3A : vector<2048x128xf32>
    %swap3A = arith.constant 0 : index
    %swap3A_10 = arith.constant 0 : index
    %swap3A_11 = vector.load %arg8[%swap3A, %swap3A_10] : memref<2048x128xf32, #tpu.memory_space<vmem>>, vector<2048x128xf32>
    tpu.vector_store %arg8[%swap3A, %swap3A_10], %add3A_9 {strides = array<i32>} : memref<2048x128xf32, #tpu.memory_space<vmem>>, vector<2048x128xf32>,
    %get3A_12 = arith.constant 0 : index
    %get3A_13 = arith.constant 0 : index
    %get3A_14 = vector.load %arg4[%get3A_12, %get3A_13] : memref<128x128xf32, #tpu.memory_space<vmem>>, vector<128x128xf32>
    %dot_general3A_15 = arith.constant dense<0.000000e+00> : vector<2048x128xf32>
    %dot_general3A_16 = tpu.matmul %get3A_1, %get3A_14, %dot_general3A_15 {dimension_numbers = #tpu.dot_dimension_numbers<[1], [0], [0], [1], [0, 0, 1, 1], [], []>, transpose_lhs_hint = false} : vector<2048x128xf32>, vector<128x128xf32>, vector<2048x128xf32> -> vector<2048x128xf32>
    %get3A_17 = arith.constant 0 : index
    %get3A_18 = arith.constant 0 : index
    %get3A_19 = vector.load %arg5[%get3A_17, %get3A_18] : memref<1x128xf32, #tpu.memory_space<vmem>>, vector<1x128xf32>
    %add3A_20 = vector.broadcast %get3A_19 : vector<1x128xf32> to vector<2048x128xf32>
    %add3A_21 = arith.addf %dot_general3A_16, %add3A_20 : vector<2048x128xf32>
    %swap3A_22 = arith.constant 0 : index
    %swap3A_23 = arith.constant 0 : index
    %swap3A_24 = vector.load %arg9[%swap3A_22, %swap3A_23] : memref<2048x128xf32, #tpu.memory_space<vmem>>, vector<2048x128xf32>
    tpu.vector_store %arg9[%swap3A_22, %swap3A_23], %add3A_21 {strides = array<i32>} : memref<2048x128xf32, #tpu.memory_space<vmem>>, vector<2048x128xf32>,
    %get3A_25 = arith.constant 0 : index
    %get3A_26 = arith.constant 0 : index
    %get3A_27 = vector.load %arg1[%get3A_25, %get3A_26] : memref<256x16xf32, #tpu.memory_space<vmem>>, vector<256x16xf32>
    %slice3A = vector.extract_strided_slice %get3A_27 {offsets = [0, 0], sizes = [256, 1], strides = [1, 1]} : vector<256x16xf32> to vector<256x1xf32>
    %squeeze3A = vector.shape_cast %slice3A : vector<256x1xf32> to vector<256xf32>
    %slice3A_28 = vector.extract_strided_slice %get3A_27 {offsets = [0, 0], sizes = [256, 1], strides = [1, 1]} : vector<256x16xf32> to vector<256x1xf32>
    %squeeze3A_29 = vector.shape_cast %slice3A_28 : vector<256x1xf32> to vector<256xf32>
    %mul3A = arith.mulf %squeeze3A, %squeeze3A_29 : vector<256xf32>
    %slice3A_30 = vector.extract_strided_slice %get3A_27 {offsets = [0, 1], sizes = [256, 1], strides = [1, 1]} : vector<256x16xf32> to vector<256x1xf32>
    %squeeze3A_31 = vector.shape_cast %slice3A_30 : vector<256x1xf32> to vector<256xf32>
    %slice3A_32 = vector.extract_strided_slice %get3A_27 {offsets = [0, 1], sizes = [256, 1], strides = [1, 1]} : vector<256x16xf32> to vector<256x1xf32>
    %squeeze3A_33 = vector.shape_cast %slice3A_32 : vector<256x1xf32> to vector<256xf32>
    %mul3A_34 = arith.mulf %squeeze3A_31, %squeeze3A_33 : vector<256xf32>
    %add3A_35 = arith.addf %mul3A, %mul3A_34 : vector<256xf32>
    %slice3A_36 = vector.extract_strided_slice %get3A_27 {offsets = [0, 2], sizes = [256, 1], strides = [1, 1]} : vector<256x16xf32> to vector<256x1xf32>
    %squeeze3A_37 = vector.shape_cast %slice3A_36 : vector<256x1xf32> to vector<256xf32>
    %slice3A_38 = vector.extract_strided_slice %get3A_27 {offsets = [0, 2], sizes = [256, 1], strides = [1, 1]} : vector<256x16xf32> to vector<256x1xf32>
    %squeeze3A_39 = vector.shape_cast %slice3A_38 : vector<256x1xf32> to vector<256xf32>
    %mul3A_40 = arith.mulf %squeeze3A_37, %squeeze3A_39 : vector<256xf32>
    %add3A_41 = arith.addf %add3A_35, %mul3A_40 : vector<256xf32>
    %broadcast_in_dim3A = vector.shape_cast %add3A_41 : vector<256xf32> to vector<256x1xf32>
    %slice3A_42 = vector.extract_strided_slice %get3A_27 {offsets = [0, 0], sizes = [256, 1], strides = [1, 1]} : vector<256x16xf32> to vector<256x1xf32>
    %squeeze3A_43 = vector.shape_cast %slice3A_42 : vector<256x1xf32> to vector<256xf32>
    %slice3A_44 = vector.extract_strided_slice %get3A_27 {offsets = [0, 3], sizes = [256, 1], strides = [1, 1]} : vector<256x16xf32> to vector<256x1xf32>
    %squeeze3A_45 = vector.shape_cast %slice3A_44 : vector<256x1xf32> to vector<256xf32>
    %mul3A_46 = arith.mulf %squeeze3A_43, %squeeze3A_45 : vector<256xf32>
    %slice3A_47 = vector.extract_strided_slice %get3A_27 {offsets = [0, 1], sizes = [256, 1], strides = [1, 1]} : vector<256x16xf32> to vector<256x1xf32>
    %squeeze3A_48 = vector.shape_cast %slice3A_47 : vector<256x1xf32> to vector<256xf32>
    %slice3A_49 = vector.extract_strided_slice %get3A_27 {offsets = [0, 4], sizes = [256, 1], strides = [1, 1]} : vector<256x16xf32> to vector<256x1xf32>
    %squeeze3A_50 = vector.shape_cast %slice3A_49 : vector<256x1xf32> to vector<256xf32>
    %mul3A_51 = arith.mulf %squeeze3A_48, %squeeze3A_50 : vector<256xf32>
    %add3A_52 = arith.addf %mul3A_46, %mul3A_51 : vector<256xf32>
    %slice3A_53 = vector.extract_strided_slice %get3A_27 {offsets = [0, 2], sizes = [256, 1], strides = [1, 1]} : vector<256x16xf32> to vector<256x1xf32>
    %squeeze3A_54 = vector.shape_cast %slice3A_53 : vector<256x1xf32> to vector<256xf32>
    %slice3A_55 = vector.extract_strided_slice %get3A_27 {offsets = [0, 5], sizes = [256, 1], strides = [1, 1]} : vector<256x16xf32> to vector<256x1xf32>
    %squeeze3A_56 = vector.shape_cast %slice3A_55 : vector<256x1xf32> to vector<256xf32>
    %mul3A_57 = arith.mulf %squeeze3A_54, %squeeze3A_56 : vector<256xf32>
    %add3A_58 = arith.addf %add3A_52, %mul3A_57 : vector<256xf32>
    %broadcast_in_dim3A_59 = vector.shape_cast %add3A_58 : vector<256xf32> to vector<256x1xf32>
    %slice3A_60 = vector.extract_strided_slice %get3A_27 {offsets = [0, 0], sizes = [256, 1], strides = [1, 1]} : vector<256x16xf32> to vector<256x1xf32>
    %squeeze3A_61 = vector.shape_cast %slice3A_60 : vector<256x1xf32> to vector<256xf32>
    %slice3A_62 = vector.extract_strided_slice %get3A_27 {offsets = [0, 6], sizes = [256, 1], strides = [1, 1]} : vector<256x16xf32> to vector<256x1xf32>
    %squeeze3A_63 = vector.shape_cast %slice3A_62 : vector<256x1xf32> to vector<256xf32>
    %mul3A_64 = arith.mulf %squeeze3A_61, %squeeze3A_63 : vector<256xf32>
    %slice3A_65 = vector.extract_strided_slice %get3A_27 {offsets = [0, 1], sizes = [256, 1], strides = [1, 1]} : vector<256x16xf32> to vector<256x1xf32>
    %squeeze3A_66 = vector.shape_cast %slice3A_65 : vector<256x1xf32> to vector<256xf32>
    %slice3A_67 = vector.extract_strided_slice %get3A_27 {offsets = [0, 7], sizes = [256, 1], strides = [1, 1]} : vector<256x16xf32> to vector<256x1xf32>
    %squeeze3A_68 = vector.shape_cast %slice3A_67 : vector<256x1xf32> to vector<256xf32>
    %mul3A_69 = arith.mulf %squeeze3A_66, %squeeze3A_68 : vector<256xf32>
    %add3A_70 = arith.addf %mul3A_64, %mul3A_69 : vector<256xf32>
    %slice3A_71 = vector.extract_strided_slice %get3A_27 {offsets = [0, 2], sizes = [256, 1], strides = [1, 1]} : vector<256x16xf32> to vector<256x1xf32>
    %squeeze3A_72 = vector.shape_cast %slice3A_71 : vector<256x1xf32> to vector<256xf32>
    %slice3A_73 = vector.extract_strided_slice %get3A_27 {offsets = [0, 8], sizes = [256, 1], strides = [1, 1]} : vector<256x16xf32> to vector<256x1xf32>
    %squeeze3A_74 = vector.shape_cast %slice3A_73 : vector<256x1xf32> to vector<256xf32>
    %mul3A_75 = arith.mulf %squeeze3A_72, %squeeze3A_74 : vector<256xf32>
    %add3A_76 = arith.addf %add3A_70, %mul3A_75 : vector<256xf32>
    %broadcast_in_dim3A_77 = vector.shape_cast %add3A_76 : vector<256xf32> to vector<256x1xf32>
    %slice3A_78 = vector.extract_strided_slice %get3A_27 {offsets = [0, 3], sizes = [256, 1], strides = [1, 1]} : vector<256x16xf32> to vector<256x1xf32>
    %squeeze3A_79 = vector.shape_cast %slice3A_78 : vector<256x1xf32> to vector<256xf32>
    %slice3A_80 = vector.extract_strided_slice %get3A_27 {offsets = [0, 0], sizes = [256, 1], strides = [1, 1]} : vector<256x16xf32> to vector<256x1xf32>
    %squeeze3A_81 = vector.shape_cast %slice3A_80 : vector<256x1xf32> to vector<256xf32>
    %mul3A_82 = arith.mulf %squeeze3A_79, %squeeze3A_81 : vector<256xf32>
    %slice3A_83 = vector.extract_strided_slice %get3A_27 {offsets = [0, 4], sizes = [256, 1], strides = [1, 1]} : vector<256x16xf32> to vector<256x1xf32>
    %squeeze3A_84 = vector.shape_cast %slice3A_83 : vector<256x1xf32> to vector<256xf32>
    %slice3A_85 = vector.extract_strided_slice %get3A_27 {offsets = [0, 1], sizes = [256, 1], strides = [1, 1]} : vector<256x16xf32> to vector<256x1xf32>
    %squeeze3A_86 = vector.shape_cast %slice3A_85 : vector<256x1xf32> to vector<256xf32>
    %mul3A_87 = arith.mulf %squeeze3A_84, %squeeze3A_86 : vector<256xf32>
    %add3A_88 = arith.addf %mul3A_82, %mul3A_87 : vector<256xf32>
    %slice3A_89 = vector.extract_strided_slice %get3A_27 {offsets = [0, 5], sizes = [256, 1], strides = [1, 1]} : vector<256x16xf32> to vector<256x1xf32>
    %squeeze3A_90 = vector.shape_cast %slice3A_89 : vector<256x1xf32> to vector<256xf32>
    %slice3A_91 = vector.extract_strided_slice %get3A_27 {offsets = [0, 2], sizes = [256, 1], strides = [1, 1]} : vector<256x16xf32> to vector<256x1xf32>
    %squeeze3A_92 = vector.shape_cast %slice3A_91 : vector<256x1xf32> to vector<256xf32>
    %mul3A_93 = arith.mulf %squeeze3A_90, %squeeze3A_92 : vector<256xf32>
    %add3A_94 = arith.addf %add3A_88, %mul3A_93 : vector<256xf32>
    %broadcast_in_dim3A_95 = vector.shape_cast %add3A_94 : vector<256xf32> to vector<256x1xf32>
    %slice3A_96 = vector.extract_strided_slice %get3A_27 {offsets = [0, 3], sizes = [256, 1], strides = [1, 1]} : vector<256x16xf32> to vector<256x1xf32>
    %squeeze3A_97 = vector.shape_cast %slice3A_96 : vector<256x1xf32> to vector<256xf32>
    %slice3A_98 = vector.extract_strided_slice %get3A_27 {offsets = [0, 3], sizes = [256, 1], strides = [1, 1]} : vector<256x16xf32> to vector<256x1xf32>
    %squeeze3A_99 = vector.shape_cast %slice3A_98 : vector<256x1xf32> to vector<256xf32>
    %mul3A_100 = arith.mulf %squeeze3A_97, %squeeze3A_99 : vector<256xf32>
    %slice3A_101 = vector.extract_strided_slice %get3A_27 {offsets = [0, 4], sizes = [256, 1], strides = [1, 1]} : vector<256x16xf32> to vector<256x1xf32>
    %squeeze3A_102 = vector.shape_cast %slice3A_101 : vector<256x1xf32> to vector<256xf32>
    %slice3A_103 = vector.extract_strided_slice %get3A_27 {offsets = [0, 4], sizes = [256, 1], strides = [1, 1]} : vector<256x16xf32> to vector<256x1xf32>
    %squeeze3A_104 = vector.shape_cast %slice3A_103 : vector<256x1xf32> to vector<256xf32>
    %mul3A_105 = arith.mulf %squeeze3A_102, %squeeze3A_104 : vector<256xf32>
    %add3A_106 = arith.addf %mul3A_100, %mul3A_105 : vector<256xf32>
    %slice3A_107 = vector.extract_strided_slice %get3A_27 {offsets = [0, 5], sizes = [256, 1], strides = [1, 1]} : vector<256x16xf32> to vector<256x1xf32>
    %squeeze3A_108 = vector.shape_cast %slice3A_107 : vector<256x1xf32> to vector<256xf32>
    %slice3A_109 = vector.extract_strided_slice %get3A_27 {offsets = [0, 5], sizes = [256, 1], strides = [1, 1]} : vector<256x16xf32> to vector<256x1xf32>
    %squeeze3A_110 = vector.shape_cast %slice3A_109 : vector<256x1xf32> to vector<256xf32>
    %mul3A_111 = arith.mulf %squeeze3A_108, %squeeze3A_110 : vector<256xf32>
    %add3A_112 = arith.addf %add3A_106, %mul3A_111 : vector<256xf32>
    %broadcast_in_dim3A_113 = vector.shape_cast %add3A_112 : vector<256xf32> to vector<256x1xf32>
    %slice3A_114 = vector.extract_strided_slice %get3A_27 {offsets = [0, 3], sizes = [256, 1], strides = [1, 1]} : vector<256x16xf32> to vector<256x1xf32>
    %squeeze3A_115 = vector.shape_cast %slice3A_114 : vector<256x1xf32> to vector<256xf32>
    %slice3A_116 = vector.extract_strided_slice %get3A_27 {offsets = [0, 6], sizes = [256, 1], strides = [1, 1]} : vector<256x16xf32> to vector<256x1xf32>
    %squeeze3A_117 = vector.shape_cast %slice3A_116 : vector<256x1xf32> to vector<256xf32>
    %mul3A_118 = arith.mulf %squeeze3A_115, %squeeze3A_117 : vector<256xf32>
    %slice3A_119 = vector.extract_strided_slice %get3A_27 {offsets = [0, 4], sizes = [256, 1], strides = [1, 1]} : vector<256x16xf32> to vector<256x1xf32>
    %squeeze3A_120 = vector.shape_cast %slice3A_119 : vector<256x1xf32> to vector<256xf32>
    %slice3A_121 = vector.extract_strided_slice %get3A_27 {offsets = [0, 7], sizes = [256, 1], strides = [1, 1]} : vector<256x16xf32> to vector<256x1xf32>
    %squeeze3A_122 = vector.shape_cast %slice3A_121 : vector<256x1xf32> to vector<256xf32>
    %mul3A_123 = arith.mulf %squeeze3A_120, %squeeze3A_122 : vector<256xf32>
    %add3A_124 = arith.addf %mul3A_118, %mul3A_123 : vector<256xf32>
    %slice3A_125 = vector.extract_strided_slice %get3A_27 {offsets = [0, 5], sizes = [256, 1], strides = [1, 1]} : vector<256x16xf32> to vector<256x1xf32>
    %squeeze3A_126 = vector.shape_cast %slice3A_125 : vector<256x1xf32> to vector<256xf32>
    %slice3A_127 = vector.extract_strided_slice %get3A_27 {offsets = [0, 8], sizes = [256, 1], strides = [1, 1]} : vector<256x16xf32> to vector<256x1xf32>
    %squeeze3A_128 = vector.shape_cast %slice3A_127 : vector<256x1xf32> to vector<256xf32>
    %mul3A_129 = arith.mulf %squeeze3A_126, %squeeze3A_128 : vector<256xf32>
    %add3A_130 = arith.addf %add3A_124, %mul3A_129 : vector<256xf32>
    %broadcast_in_dim3A_131 = vector.shape_cast %add3A_130 : vector<256xf32> to vector<256x1xf32>
    %slice3A_132 = vector.extract_strided_slice %get3A_27 {offsets = [0, 6], sizes = [256, 1], strides = [1, 1]} : vector<256x16xf32> to vector<256x1xf32>
    %squeeze3A_133 = vector.shape_cast %slice3A_132 : vector<256x1xf32> to vector<256xf32>
    %slice3A_134 = vector.extract_strided_slice %get3A_27 {offsets = [0, 0], sizes = [256, 1], strides = [1, 1]} : vector<256x16xf32> to vector<256x1xf32>
    %squeeze3A_135 = vector.shape_cast %slice3A_134 : vector<256x1xf32> to vector<256xf32>
    %mul3A_136 = arith.mulf %squeeze3A_133, %squeeze3A_135 : vector<256xf32>
    %slice3A_137 = vector.extract_strided_slice %get3A_27 {offsets = [0, 7], sizes = [256, 1], strides = [1, 1]} : vector<256x16xf32> to vector<256x1xf32>
    %squeeze3A_138 = vector.shape_cast %slice3A_137 : vector<256x1xf32> to vector<256xf32>
    %slice3A_139 = vector.extract_strided_slice %get3A_27 {offsets = [0, 1], sizes = [256, 1], strides = [1, 1]} : vector<256x16xf32> to vector<256x1xf32>
    %squeeze3A_140 = vector.shape_cast %slice3A_139 : vector<256x1xf32> to vector<256xf32>
    %mul3A_141 = arith.mulf %squeeze3A_138, %squeeze3A_140 : vector<256xf32>
    %add3A_142 = arith.addf %mul3A_136, %mul3A_141 : vector<256xf32>
    %slice3A_143 = vector.extract_strided_slice %get3A_27 {offsets = [0, 8], sizes = [256, 1], strides = [1, 1]} : vector<256x16xf32> to vector<256x1xf32>
    %squeeze3A_144 = vector.shape_cast %slice3A_143 : vector<256x1xf32> to vector<256xf32>
    %slice3A_145 = vector.extract_strided_slice %get3A_27 {offsets = [0, 2], sizes = [256, 1], strides = [1, 1]} : vector<256x16xf32> to vector<256x1xf32>
    %squeeze3A_146 = vector.shape_cast %slice3A_145 : vector<256x1xf32> to vector<256xf32>
    %mul3A_147 = arith.mulf %squeeze3A_144, %squeeze3A_146 : vector<256xf32>
    %add3A_148 = arith.addf %add3A_142, %mul3A_147 : vector<256xf32>
    %broadcast_in_dim3A_149 = vector.shape_cast %add3A_148 : vector<256xf32> to vector<256x1xf32>
    %slice3A_150 = vector.extract_strided_slice %get3A_27 {offsets = [0, 6], sizes = [256, 1], strides = [1, 1]} : vector<256x16xf32> to vector<256x1xf32>
    %squeeze3A_151 = vector.shape_cast %slice3A_150 : vector<256x1xf32> to vector<256xf32>
    %slice3A_152 = vector.extract_strided_slice %get3A_27 {offsets = [0, 3], sizes = [256, 1], strides = [1, 1]} : vector<256x16xf32> to vector<256x1xf32>
    %squeeze3A_153 = vector.shape_cast %slice3A_152 : vector<256x1xf32> to vector<256xf32>
    %mul3A_154 = arith.mulf %squeeze3A_151, %squeeze3A_153 : vector<256xf32>
    %slice3A_155 = vector.extract_strided_slice %get3A_27 {offsets = [0, 7], sizes = [256, 1], strides = [1, 1]} : vector<256x16xf32> to vector<256x1xf32>
    %squeeze3A_156 = vector.shape_cast %slice3A_155 : vector<256x1xf32> to vector<256xf32>
    %slice3A_157 = vector.extract_strided_slice %get3A_27 {offsets = [0, 4], sizes = [256, 1], strides = [1, 1]} : vector<256x16xf32> to vector<256x1xf32>
    %squeeze3A_158 = vector.shape_cast %slice3A_157 : vector<256x1xf32> to vector<256xf32>
    %mul3A_159 = arith.mulf %squeeze3A_156, %squeeze3A_158 : vector<256xf32>
    %add3A_160 = arith.addf %mul3A_154, %mul3A_159 : vector<256xf32>
    %slice3A_161 = vector.extract_strided_slice %get3A_27 {offsets = [0, 8], sizes = [256, 1], strides = [1, 1]} : vector<256x16xf32> to vector<256x1xf32>
    %squeeze3A_162 = vector.shape_cast %slice3A_161 : vector<256x1xf32> to vector<256xf32>
    %slice3A_163 = vector.extract_strided_slice %get3A_27 {offsets = [0, 5], sizes = [256, 1], strides = [1, 1]} : vector<256x16xf32> to vector<256x1xf32>
    %squeeze3A_164 = vector.shape_cast %slice3A_163 : vector<256x1xf32> to vector<256xf32>
    %mul3A_165 = arith.mulf %squeeze3A_162, %squeeze3A_164 : vector<256xf32>
    %add3A_166 = arith.addf %add3A_160, %mul3A_165 : vector<256xf32>
    %broadcast_in_dim3A_167 = vector.shape_cast %add3A_166 : vector<256xf32> to vector<256x1xf32>
    %slice3A_168 = vector.extract_strided_slice %get3A_27 {offsets = [0, 6], sizes = [256, 1], strides = [1, 1]} : vector<256x16xf32> to vector<256x1xf32>
    %squeeze3A_169 = vector.shape_cast %slice3A_168 : vector<256x1xf32> to vector<256xf32>
    %slice3A_170 = vector.extract_strided_slice %get3A_27 {offsets = [0, 6], sizes = [256, 1], strides = [1, 1]} : vector<256x16xf32> to vector<256x1xf32>
    %squeeze3A_171 = vector.shape_cast %slice3A_170 : vector<256x1xf32> to vector<256xf32>
    %mul3A_172 = arith.mulf %squeeze3A_169, %squeeze3A_171 : vector<256xf32>
    %slice3A_173 = vector.extract_strided_slice %get3A_27 {offsets = [0, 7], sizes = [256, 1], strides = [1, 1]} : vector<256x16xf32> to vector<256x1xf32>
    %squeeze3A_174 = vector.shape_cast %slice3A_173 : vector<256x1xf32> to vector<256xf32>
    %slice3A_175 = vector.extract_strided_slice %get3A_27 {offsets = [0, 7], sizes = [256, 1], strides = [1, 1]} : vector<256x16xf32> to vector<256x1xf32>
    %squeeze3A_176 = vector.shape_cast %slice3A_175 : vector<256x1xf32> to vector<256xf32>
    %mul3A_177 = arith.mulf %squeeze3A_174, %squeeze3A_176 : vector<256xf32>
    %add3A_178 = arith.addf %mul3A_172, %mul3A_177 : vector<256xf32>
    %slice3A_179 = vector.extract_strided_slice %get3A_27 {offsets = [0, 8], sizes = [256, 1], strides = [1, 1]} : vector<256x16xf32> to vector<256x1xf32>
    %squeeze3A_180 = vector.shape_cast %slice3A_179 : vector<256x1xf32> to vector<256xf32>
    %slice3A_181 = vector.extract_strided_slice %get3A_27 {offsets = [0, 8], sizes = [256, 1], strides = [1, 1]} : vector<256x16xf32> to vector<256x1xf32>
    %squeeze3A_182 = vector.shape_cast %slice3A_181 : vector<256x1xf32> to vector<256xf32>
    %mul3A_183 = arith.mulf %squeeze3A_180, %squeeze3A_182 : vector<256xf32>
    %add3A_184 = arith.addf %add3A_178, %mul3A_183 : vector<256xf32>
    %broadcast_in_dim3A_185 = vector.shape_cast %add3A_184 : vector<256xf32> to vector<256x1xf32>
    %broadcast_in_dim3A_186 = arith.constant 0.000000e+00 : f32
    %broadcast_in_dim3A_187 = vector.broadcast %broadcast_in_dim3A_186 : f32 to vector<256x7xf32>
    %concatenate3A = tpu.concatenate %broadcast_in_dim3A, %broadcast_in_dim3A_59, %broadcast_in_dim3A_77, %broadcast_in_dim3A_95, %broadcast_in_dim3A_113, %broadcast_in_dim3A_131, %broadcast_in_dim3A_149, %broadcast_in_dim3A_167, %broadcast_in_dim3A_185, %broadcast_in_dim3A_187 in 1 : vector<256x1xf32>, vector<256x1xf32>, vector<256x1xf32>, vector<256x1xf32>, vector<256x1xf32>, vector<256x1xf32>, vector<256x1xf32>, vector<256x1xf32>, vector<256x1xf32>, vector<256x7xf32> -> vector<256x16xf32>
    %get3A_188 = arith.constant 0 : index
    %get3A_189 = arith.constant 0 : index
    %get3A_190 = vector.load %arg6[%get3A_188, %get3A_189] : memref<16x128xf32, #tpu.memory_space<vmem>>, vector<16x128xf32>
    %dot_general3A_191 = arith.constant dense<0.000000e+00> : vector<256x128xf32>
    %dot_general3A_192 = tpu.matmul %concatenate3A, %get3A_190, %dot_general3A_191 {dimension_numbers = #tpu.dot_dimension_numbers<[1], [0], [0], [1], [0, 0, 1, 1], [], []>, transpose_lhs_hint = false} : vector<256x16xf32>, vector<16x128xf32>, vector<256x128xf32> -> vector<256x128xf32>
    %get3A_193 = arith.constant 0 : index
    %get3A_194 = arith.constant 0 : index
    %get3A_195 = vector.load %arg7[%get3A_193, %get3A_194] : memref<1x128xf32, #tpu.memory_space<vmem>>, vector<1x128xf32>
    %add3A_196 = vector.broadcast %get3A_195 : vector<1x128xf32> to vector<256x128xf32>
    %add3A_197 = arith.addf %dot_general3A_192, %add3A_196 : vector<256x128xf32>
    %swap3A_198 = arith.constant 0 : index
    %swap3A_199 = arith.constant 0 : index
    %swap3A_200 = vector.load %arg10[%swap3A_198, %swap3A_199] : memref<256x128xf32, #tpu.memory_space<vmem>>, vector<256x128xf32>
    tpu.vector_store %arg10[%swap3A_198, %swap3A_199], %add3A_197 {strides = array<i32>} : memref<256x128xf32, #tpu.memory_space<vmem>>, vector<256x128xf32>,
    return
  }
}

module attributes {stable_mosaic.version = 14 : i64} {
  func.func @_stage2_body(%arg0: i32, %arg1: memref<256x128xf32, #tpu.memory_space<vmem>>, %arg2: memref<1x1x256xi32, #tpu.memory_space<vmem>>, %arg3: memref<256x1024xf32, #tpu.memory_space<vmem>>, %arg4: memref<256x1024xf32, #tpu.memory_space<vmem>>, %arg5: memref<128x128xf32, #tpu.memory_space<vmem>>, %arg6: memref<1x128xf32, #tpu.memory_space<vmem>>, %arg7: memref<128x128xf32, #tpu.memory_space<vmem>>, %arg8: memref<1x128xf32, #tpu.memory_space<vmem>>, %arg9: memref<128x128xf32, #tpu.memory_space<vmem>>, %arg10: memref<128x128xf32, #tpu.memory_space<vmem>>, %arg11: memref<256x128xf32, #tpu.memory_space<vmem>>, %arg12: memref<256x128xf32, #tpu.memory_space<vmem>>, %arg13: memref<256x128xf32, #tpu.memory_space<vmem>>) attributes {dimension_semantics = [#tpu.dimension_semantics<arbitrary>], iteration_bounds = array<i64: 40>, scalar_prefetch = 0 : i64, scratch_operands = 0 : i64, tpu.core_type = #tpu.core_type<tc>, window_params = [{transform_indices = @transform_0, window_bounds = array<i64: 256, 128>}, {transform_indices = @transform_1, window_bounds = array<i64: 1, 1, 256>}, {pipeline_mode = #tpu.pipeline_mode<synchronous>, transform_indices = @transform_2, window_bounds = array<i64: 256, 1024>}, {pipeline_mode = #tpu.pipeline_mode<synchronous>, transform_indices = @transform_3, window_bounds = array<i64: 256, 1024>}, {pipeline_mode = #tpu.pipeline_mode<synchronous>, transform_indices = @transform_4, window_bounds = array<i64: 128, 128>}, {pipeline_mode = #tpu.pipeline_mode<synchronous>, transform_indices = @transform_5, window_bounds = array<i64: 1, 128>}, {pipeline_mode = #tpu.pipeline_mode<synchronous>, transform_indices = @transform_6, window_bounds = array<i64: 128, 128>}, {pipeline_mode = #tpu.pipeline_mode<synchronous>, transform_indices = @transform_7, window_bounds = array<i64: 1, 128>}, {pipeline_mode = #tpu.pipeline_mode<synchronous>, transform_indices = @transform_8, window_bounds = array<i64: 128, 128>}, {pipeline_mode = #tpu.pipeline_mode<synchronous>, transform_indices = @transform_9, window_bounds = array<i64: 128, 128>}, {transform_indices = @transform_10, window_bounds = array<i64: 256, 128>}, {transform_indices = @transform_11, window_bounds = array<i64: 256, 128>}, {transform_indices = @transform_12, window_bounds = array<i64: 256, 128>}]} {
    %get3A = arith.constant 0 : index
    %get3A_0 = arith.constant 0 : index
    %get3A_1 = vector.load %arg1[%get3A, %get3A_0] : memref<256x128xf32, #tpu.memory_space<vmem>>, vector<256x128xf32>
    %get3A_2 = arith.constant 0 : index
    %get3A_3 = arith.constant 0 : index
    %get3A_4 = vector.load %arg5[%get3A_2, %get3A_3] : memref<128x128xf32, #tpu.memory_space<vmem>>, vector<128x128xf32>
    %dot_general3A = arith.constant dense<0.000000e+00> : vector<256x128xf32>
    %dot_general3A_5 = tpu.matmul %get3A_1, %get3A_4, %dot_general3A {dimension_numbers = #tpu.dot_dimension_numbers<[1], [0], [0], [1], [0, 0, 1, 1], [], []>, transpose_lhs_hint = false} : vector<256x128xf32>, vector<128x128xf32>, vector<256x128xf32> -> vector<256x128xf32>
    %get3A_6 = arith.constant 0 : index
    %get3A_7 = arith.constant 0 : index
    %get3A_8 = vector.load %arg6[%get3A_6, %get3A_7] : memref<1x128xf32, #tpu.memory_space<vmem>>, vector<1x128xf32>
    %add3A = vector.broadcast %get3A_8 : vector<1x128xf32> to vector<256x128xf32>
    %add3A_9 = arith.addf %dot_general3A_5, %add3A : vector<256x128xf32>
    %get3A_10 = arith.constant 0 : index
    %get3A_11 = arith.constant 0 : index
    %get3A_12 = arith.constant 0 : index
    %get3A_13 = vector.load %arg2[%get3A_10, %get3A_11, %get3A_12] : memref<1x1x256xi32, #tpu.memory_space<vmem>>, vector<1x1x256xi32>
    %get3A_14 = vector.shape_cast %get3A_13 : vector<1x1x256xi32> to vector<256xi32>
    %iota3A = tpu.iota {dimensions = array<i32: 1>} : vector<256x256xi32>
    %broadcast_in_dim3A = vector.shape_cast %get3A_14 : vector<256xi32> to vector<256x1xi32>
    %eq3A = vector.broadcast %broadcast_in_dim3A : vector<256x1xi32> to vector<256x256xi32>
    %eq3A_15 = arith.cmpi eq, %eq3A, %iota3A : vector<256x256xi32>
    %convert_element_type3A = arith.extui %eq3A_15 : vector<256x256xi1> to vector<256x256xi32>
    %convert_element_type3A_16 = arith.sitofp %convert_element_type3A : vector<256x256xi32> to vector<256x256xf32>
    %get3A_17 = arith.constant 0 : index
    %get3A_18 = arith.constant 0 : index
    %get3A_19 = vector.load %arg3[%get3A_17, %get3A_18] : memref<256x1024xf32, #tpu.memory_space<vmem>>, vector<256x1024xf32>
    %dot_general3A_20 = arith.constant dense<0.000000e+00> : vector<256x1024xf32>
    %dot_general3A_21 = tpu.matmul %convert_element_type3A_16, %get3A_19, %dot_general3A_20 {dimension_numbers = #tpu.dot_dimension_numbers<[1], [0], [0], [1], [0, 0, 1, 1], [], []>, transpose_lhs_hint = false} : vector<256x256xf32>, vector<256x1024xf32>, vector<256x1024xf32> -> vector<256x1024xf32>
    %get3A_22 = arith.constant 0 : index
    %get3A_23 = arith.constant 0 : index
    %get3A_24 = vector.load %arg4[%get3A_22, %get3A_23] : memref<256x1024xf32, #tpu.memory_space<vmem>>, vector<256x1024xf32>
    %dot_general3A_25 = arith.constant dense<0.000000e+00> : vector<256x1024xf32>
    %dot_general3A_26 = tpu.matmul %convert_element_type3A_16, %get3A_24, %dot_general3A_25 {dimension_numbers = #tpu.dot_dimension_numbers<[1], [0], [0], [1], [0, 0, 1, 1], [], []>, transpose_lhs_hint = false} : vector<256x256xf32>, vector<256x1024xf32>, vector<256x1024xf32> -> vector<256x1024xf32>
    %slice3A = vector.extract_strided_slice %dot_general3A_21 {offsets = [0, 0], sizes = [256, 128], strides = [1, 1]} : vector<256x1024xf32> to vector<256x128xf32>
    %mul3A = arith.mulf %add3A_9, %slice3A : vector<256x128xf32>
    %reduce_sum3A = arith.constant dense<0.000000e+00> : vector<256xf32>
    %reduce_sum3A_27 = vector.multi_reduction <add>, %mul3A, %reduce_sum3A [1] : vector<256x128xf32> to vector<256xf32>
    %broadcast_in_dim3A_28 = vector.shape_cast %reduce_sum3A_27 : vector<256xf32> to vector<256x1xf32>
    %mul3A_29 = arith.constant 0.0883883461 : f32
    %mul3A_30 = vector.broadcast %mul3A_29 : f32 to vector<256x1xf32>
    %mul3A_31 = arith.mulf %broadcast_in_dim3A_28, %mul3A_30 : vector<256x1xf32>
    %slice3A_32 = vector.extract_strided_slice %dot_general3A_21 {offsets = [0, 128], sizes = [256, 128], strides = [1, 1]} : vector<256x1024xf32> to vector<256x128xf32>
    %mul3A_33 = arith.mulf %add3A_9, %slice3A_32 : vector<256x128xf32>
    %reduce_sum3A_34 = arith.constant dense<0.000000e+00> : vector<256xf32>
    %reduce_sum3A_35 = vector.multi_reduction <add>, %mul3A_33, %reduce_sum3A_34 [1] : vector<256x128xf32> to vector<256xf32>
    %broadcast_in_dim3A_36 = vector.shape_cast %reduce_sum3A_35 : vector<256xf32> to vector<256x1xf32>
    %mul3A_37 = arith.constant 0.0883883461 : f32
    %mul3A_38 = vector.broadcast %mul3A_37 : f32 to vector<256x1xf32>
    %mul3A_39 = arith.mulf %broadcast_in_dim3A_36, %mul3A_38 : vector<256x1xf32>
    %slice3A_40 = vector.extract_strided_slice %dot_general3A_21 {offsets = [0, 256], sizes = [256, 128], strides = [1, 1]} : vector<256x1024xf32> to vector<256x128xf32>
    %mul3A_41 = arith.mulf %add3A_9, %slice3A_40 : vector<256x128xf32>
    %reduce_sum3A_42 = arith.constant dense<0.000000e+00> : vector<256xf32>
    %reduce_sum3A_43 = vector.multi_reduction <add>, %mul3A_41, %reduce_sum3A_42 [1] : vector<256x128xf32> to vector<256xf32>
    %broadcast_in_dim3A_44 = vector.shape_cast %reduce_sum3A_43 : vector<256xf32> to vector<256x1xf32>
    %mul3A_45 = arith.constant 0.0883883461 : f32
    %mul3A_46 = vector.broadcast %mul3A_45 : f32 to vector<256x1xf32>
    %mul3A_47 = arith.mulf %broadcast_in_dim3A_44, %mul3A_46 : vector<256x1xf32>
    %slice3A_48 = vector.extract_strided_slice %dot_general3A_21 {offsets = [0, 384], sizes = [256, 128], strides = [1, 1]} : vector<256x1024xf32> to vector<256x128xf32>
    %mul3A_49 = arith.mulf %add3A_9, %slice3A_48 : vector<256x128xf32>
    %reduce_sum3A_50 = arith.constant dense<0.000000e+00> : vector<256xf32>
    %reduce_sum3A_51 = vector.multi_reduction <add>, %mul3A_49, %reduce_sum3A_50 [1] : vector<256x128xf32> to vector<256xf32>
    %broadcast_in_dim3A_52 = vector.shape_cast %reduce_sum3A_51 : vector<256xf32> to vector<256x1xf32>
    %mul3A_53 = arith.constant 0.0883883461 : f32
    %mul3A_54 = vector.broadcast %mul3A_53 : f32 to vector<256x1xf32>
    %mul3A_55 = arith.mulf %broadcast_in_dim3A_52, %mul3A_54 : vector<256x1xf32>
    %slice3A_56 = vector.extract_strided_slice %dot_general3A_21 {offsets = [0, 512], sizes = [256, 128], strides = [1, 1]} : vector<256x1024xf32> to vector<256x128xf32>
    %mul3A_57 = arith.mulf %add3A_9, %slice3A_56 : vector<256x128xf32>
    %reduce_sum3A_58 = arith.constant dense<0.000000e+00> : vector<256xf32>
    %reduce_sum3A_59 = vector.multi_reduction <add>, %mul3A_57, %reduce_sum3A_58 [1] : vector<256x128xf32> to vector<256xf32>
    %broadcast_in_dim3A_60 = vector.shape_cast %reduce_sum3A_59 : vector<256xf32> to vector<256x1xf32>
    %mul3A_61 = arith.constant 0.0883883461 : f32
    %mul3A_62 = vector.broadcast %mul3A_61 : f32 to vector<256x1xf32>
    %mul3A_63 = arith.mulf %broadcast_in_dim3A_60, %mul3A_62 : vector<256x1xf32>
    %slice3A_64 = vector.extract_strided_slice %dot_general3A_21 {offsets = [0, 640], sizes = [256, 128], strides = [1, 1]} : vector<256x1024xf32> to vector<256x128xf32>
    %mul3A_65 = arith.mulf %add3A_9, %slice3A_64 : vector<256x128xf32>
    %reduce_sum3A_66 = arith.constant dense<0.000000e+00> : vector<256xf32>
    %reduce_sum3A_67 = vector.multi_reduction <add>, %mul3A_65, %reduce_sum3A_66 [1] : vector<256x128xf32> to vector<256xf32>
    %broadcast_in_dim3A_68 = vector.shape_cast %reduce_sum3A_67 : vector<256xf32> to vector<256x1xf32>
    %mul3A_69 = arith.constant 0.0883883461 : f32
    %mul3A_70 = vector.broadcast %mul3A_69 : f32 to vector<256x1xf32>
    %mul3A_71 = arith.mulf %broadcast_in_dim3A_68, %mul3A_70 : vector<256x1xf32>
    %slice3A_72 = vector.extract_strided_slice %dot_general3A_21 {offsets = [0, 768], sizes = [256, 128], strides = [1, 1]} : vector<256x1024xf32> to vector<256x128xf32>
    %mul3A_73 = arith.mulf %add3A_9, %slice3A_72 : vector<256x128xf32>
    %reduce_sum3A_74 = arith.constant dense<0.000000e+00> : vector<256xf32>
    %reduce_sum3A_75 = vector.multi_reduction <add>, %mul3A_73, %reduce_sum3A_74 [1] : vector<256x128xf32> to vector<256xf32>
    %broadcast_in_dim3A_76 = vector.shape_cast %reduce_sum3A_75 : vector<256xf32> to vector<256x1xf32>
    %mul3A_77 = arith.constant 0.0883883461 : f32
    %mul3A_78 = vector.broadcast %mul3A_77 : f32 to vector<256x1xf32>
    %mul3A_79 = arith.mulf %broadcast_in_dim3A_76, %mul3A_78 : vector<256x1xf32>
    %slice3A_80 = vector.extract_strided_slice %dot_general3A_21 {offsets = [0, 896], sizes = [256, 128], strides = [1, 1]} : vector<256x1024xf32> to vector<256x128xf32>
    %mul3A_81 = arith.mulf %add3A_9, %slice3A_80 : vector<256x128xf32>
    %reduce_sum3A_82 = arith.constant dense<0.000000e+00> : vector<256xf32>
    %reduce_sum3A_83 = vector.multi_reduction <add>, %mul3A_81, %reduce_sum3A_82 [1] : vector<256x128xf32> to vector<256xf32>
    %broadcast_in_dim3A_84 = vector.shape_cast %reduce_sum3A_83 : vector<256xf32> to vector<256x1xf32>
    %mul3A_85 = arith.constant 0.0883883461 : f32
    %mul3A_86 = vector.broadcast %mul3A_85 : f32 to vector<256x1xf32>
    %mul3A_87 = arith.mulf %broadcast_in_dim3A_84, %mul3A_86 : vector<256x1xf32>
    %concatenate3A = tpu.concatenate %mul3A_31, %mul3A_39, %mul3A_47, %mul3A_55, %mul3A_63, %mul3A_71, %mul3A_79, %mul3A_87 in 1 : vector<256x1xf32>, vector<256x1xf32>, vector<256x1xf32>, vector<256x1xf32>, vector<256x1xf32>, vector<256x1xf32>, vector<256x1xf32>, vector<256x1xf32> -> vector<256x8xf32>
    %reduce_max3A = arith.constant dense<0xFF800000> : vector<256xf32>
    %reduce_max3A_88 = vector.multi_reduction <maximumf>, %concatenate3A, %reduce_max3A [1] : vector<256x8xf32> to vector<256xf32>
    %broadcast_in_dim3A_89 = vector.shape_cast %reduce_max3A_88 : vector<256xf32> to vector<256x1xf32>
    %sub3A = vector.broadcast %broadcast_in_dim3A_89 : vector<256x1xf32> to vector<256x8xf32>
    %sub3A_90 = arith.subf %concatenate3A, %sub3A : vector<256x8xf32>
    %exp3A = math.exp %sub3A_90 : vector<256x8xf32>
    %reduce_sum3A_91 = arith.constant dense<0.000000e+00> : vector<256xf32>
    %reduce_sum3A_92 = vector.multi_reduction <add>, %exp3A, %reduce_sum3A_91 [1] : vector<256x8xf32> to vector<256xf32>
    %broadcast_in_dim3A_93 = vector.shape_cast %reduce_sum3A_92 : vector<256xf32> to vector<256x1xf32>
    %div3A = vector.broadcast %broadcast_in_dim3A_93 : vector<256x1xf32> to vector<256x8xf32>
    %div3A_94 = arith.divf %exp3A, %div3A : vector<256x8xf32>
    %broadcast_in_dim3A_95 = arith.constant 0.000000e+00 : f32
    %broadcast_in_dim3A_96 = vector.broadcast %broadcast_in_dim3A_95 : f32 to vector<256x128xf32>
    %slice3A_97 = vector.extract_strided_slice %div3A_94 {offsets = [0, 0], sizes = [256, 1], strides = [1, 1]} : vector<256x8xf32> to vector<256x1xf32>
    %slice3A_98 = vector.extract_strided_slice %dot_general3A_26 {offsets = [0, 0], sizes = [256, 128], strides = [1, 1]} : vector<256x1024xf32> to vector<256x128xf32>
    %mul3A_99 = vector.broadcast %slice3A_97 : vector<256x1xf32> to vector<256x128xf32>
    %mul3A_100 = arith.mulf %mul3A_99, %slice3A_98 : vector<256x128xf32>
    %add3A_101 = arith.addf %broadcast_in_dim3A_96, %mul3A_100 : vector<256x128xf32>
    %slice3A_102 = vector.extract_strided_slice %div3A_94 {offsets = [0, 1], sizes = [256, 1], strides = [1, 1]} : vector<256x8xf32> to vector<256x1xf32>
    %slice3A_103 = vector.extract_strided_slice %dot_general3A_26 {offsets = [0, 128], sizes = [256, 128], strides = [1, 1]} : vector<256x1024xf32> to vector<256x128xf32>
    %mul3A_104 = vector.broadcast %slice3A_102 : vector<256x1xf32> to vector<256x128xf32>
    %mul3A_105 = arith.mulf %mul3A_104, %slice3A_103 : vector<256x128xf32>
    %add3A_106 = arith.addf %add3A_101, %mul3A_105 : vector<256x128xf32>
    %slice3A_107 = vector.extract_strided_slice %div3A_94 {offsets = [0, 2], sizes = [256, 1], strides = [1, 1]} : vector<256x8xf32> to vector<256x1xf32>
    %slice3A_108 = vector.extract_strided_slice %dot_general3A_26 {offsets = [0, 256], sizes = [256, 128], strides = [1, 1]} : vector<256x1024xf32> to vector<256x128xf32>
    %mul3A_109 = vector.broadcast %slice3A_107 : vector<256x1xf32> to vector<256x128xf32>
    %mul3A_110 = arith.mulf %mul3A_109, %slice3A_108 : vector<256x128xf32>
    %add3A_111 = arith.addf %add3A_106, %mul3A_110 : vector<256x128xf32>
    %slice3A_112 = vector.extract_strided_slice %div3A_94 {offsets = [0, 3], sizes = [256, 1], strides = [1, 1]} : vector<256x8xf32> to vector<256x1xf32>
    %slice3A_113 = vector.extract_strided_slice %dot_general3A_26 {offsets = [0, 384], sizes = [256, 128], strides = [1, 1]} : vector<256x1024xf32> to vector<256x128xf32>
    %mul3A_114 = vector.broadcast %slice3A_112 : vector<256x1xf32> to vector<256x128xf32>
    %mul3A_115 = arith.mulf %mul3A_114, %slice3A_113 : vector<256x128xf32>
    %add3A_116 = arith.addf %add3A_111, %mul3A_115 : vector<256x128xf32>
    %slice3A_117 = vector.extract_strided_slice %div3A_94 {offsets = [0, 4], sizes = [256, 1], strides = [1, 1]} : vector<256x8xf32> to vector<256x1xf32>
    %slice3A_118 = vector.extract_strided_slice %dot_general3A_26 {offsets = [0, 512], sizes = [256, 128], strides = [1, 1]} : vector<256x1024xf32> to vector<256x128xf32>
    %mul3A_119 = vector.broadcast %slice3A_117 : vector<256x1xf32> to vector<256x128xf32>
    %mul3A_120 = arith.mulf %mul3A_119, %slice3A_118 : vector<256x128xf32>
    %add3A_121 = arith.addf %add3A_116, %mul3A_120 : vector<256x128xf32>
    %slice3A_122 = vector.extract_strided_slice %div3A_94 {offsets = [0, 5], sizes = [256, 1], strides = [1, 1]} : vector<256x8xf32> to vector<256x1xf32>
    %slice3A_123 = vector.extract_strided_slice %dot_general3A_26 {offsets = [0, 640], sizes = [256, 128], strides = [1, 1]} : vector<256x1024xf32> to vector<256x128xf32>
    %mul3A_124 = vector.broadcast %slice3A_122 : vector<256x1xf32> to vector<256x128xf32>
    %mul3A_125 = arith.mulf %mul3A_124, %slice3A_123 : vector<256x128xf32>
    %add3A_126 = arith.addf %add3A_121, %mul3A_125 : vector<256x128xf32>
    %slice3A_127 = vector.extract_strided_slice %div3A_94 {offsets = [0, 6], sizes = [256, 1], strides = [1, 1]} : vector<256x8xf32> to vector<256x1xf32>
    %slice3A_128 = vector.extract_strided_slice %dot_general3A_26 {offsets = [0, 768], sizes = [256, 128], strides = [1, 1]} : vector<256x1024xf32> to vector<256x128xf32>
    %mul3A_129 = vector.broadcast %slice3A_127 : vector<256x1xf32> to vector<256x128xf32>
    %mul3A_130 = arith.mulf %mul3A_129, %slice3A_128 : vector<256x128xf32>
    %add3A_131 = arith.addf %add3A_126, %mul3A_130 : vector<256x128xf32>
    %slice3A_132 = vector.extract_strided_slice %div3A_94 {offsets = [0, 7], sizes = [256, 1], strides = [1, 1]} : vector<256x8xf32> to vector<256x1xf32>
    %slice3A_133 = vector.extract_strided_slice %dot_general3A_26 {offsets = [0, 896], sizes = [256, 128], strides = [1, 1]} : vector<256x1024xf32> to vector<256x128xf32>
    %mul3A_134 = vector.broadcast %slice3A_132 : vector<256x1xf32> to vector<256x128xf32>
    %mul3A_135 = arith.mulf %mul3A_134, %slice3A_133 : vector<256x128xf32>
    %add3A_136 = arith.addf %add3A_131, %mul3A_135 : vector<256x128xf32>
    %get3A_137 = arith.constant 0 : index
    %get3A_138 = arith.constant 0 : index
    %get3A_139 = vector.load %arg7[%get3A_137, %get3A_138] : memref<128x128xf32, #tpu.memory_space<vmem>>, vector<128x128xf32>
    %dot_general3A_140 = arith.constant dense<0.000000e+00> : vector<256x128xf32>
    %dot_general3A_141 = tpu.matmul %add3A_136, %get3A_139, %dot_general3A_140 {dimension_numbers = #tpu.dot_dimension_numbers<[1], [0], [0], [1], [0, 0, 1, 1], [], []>, transpose_lhs_hint = false} : vector<256x128xf32>, vector<128x128xf32>, vector<256x128xf32> -> vector<256x128xf32>
    %add3A_142 = arith.addf %get3A_1, %dot_general3A_141 : vector<256x128xf32>
    %get3A_143 = arith.constant 0 : index
    %get3A_144 = arith.constant 0 : index
    %get3A_145 = vector.load %arg8[%get3A_143, %get3A_144] : memref<1x128xf32, #tpu.memory_space<vmem>>, vector<1x128xf32>
    %add3A_146 = vector.broadcast %get3A_145 : vector<1x128xf32> to vector<256x128xf32>
    %add3A_147 = arith.addf %add3A_142, %add3A_146 : vector<256x128xf32>
    %swap3A = arith.constant 0 : index
    %swap3A_148 = arith.constant 0 : index
    %swap3A_149 = vector.load %arg11[%swap3A, %swap3A_148] : memref<256x128xf32, #tpu.memory_space<vmem>>, vector<256x128xf32>
    tpu.vector_store %arg11[%swap3A, %swap3A_148], %add3A_147 {strides = array<i32>} : memref<256x128xf32, #tpu.memory_space<vmem>>, vector<256x128xf32>,
    %get3A_150 = arith.constant 0 : index
    %get3A_151 = arith.constant 0 : index
    %get3A_152 = vector.load %arg9[%get3A_150, %get3A_151] : memref<128x128xf32, #tpu.memory_space<vmem>>, vector<128x128xf32>
    %dot_general3A_153 = arith.constant dense<0.000000e+00> : vector<256x128xf32>
    %dot_general3A_154 = tpu.matmul %add3A_147, %get3A_152, %dot_general3A_153 {dimension_numbers = #tpu.dot_dimension_numbers<[1], [0], [0], [1], [0, 0, 1, 1], [], []>, transpose_lhs_hint = false} : vector<256x128xf32>, vector<128x128xf32>, vector<256x128xf32> -> vector<256x128xf32>
    %swap3A_155 = arith.constant 0 : index
    %swap3A_156 = arith.constant 0 : index
    %swap3A_157 = vector.load %arg12[%swap3A_155, %swap3A_156] : memref<256x128xf32, #tpu.memory_space<vmem>>, vector<256x128xf32>
    tpu.vector_store %arg12[%swap3A_155, %swap3A_156], %dot_general3A_154 {strides = array<i32>} : memref<256x128xf32, #tpu.memory_space<vmem>>, vector<256x128xf32>,
    %get3A_158 = arith.constant 0 : index
    %get3A_159 = arith.constant 0 : index
    %get3A_160 = vector.load %arg10[%get3A_158, %get3A_159] : memref<128x128xf32, #tpu.memory_space<vmem>>, vector<128x128xf32>
    %dot_general3A_161 = arith.constant dense<0.000000e+00> : vector<256x128xf32>
    %dot_general3A_162 = tpu.matmul %add3A_147, %get3A_160, %dot_general3A_161 {dimension_numbers = #tpu.dot_dimension_numbers<[1], [0], [0], [1], [0, 0, 1, 1], [], []>, transpose_lhs_hint = false} : vector<256x128xf32>, vector<128x128xf32>, vector<256x128xf32> -> vector<256x128xf32>
    %swap3A_163 = arith.constant 0 : index
    %swap3A_164 = arith.constant 0 : index
    %swap3A_165 = vector.load %arg13[%swap3A_163, %swap3A_164] : memref<256x128xf32, #tpu.memory_space<vmem>>, vector<256x128xf32>
    tpu.vector_store %arg13[%swap3A_163, %swap3A_164], %dot_general3A_162 {strides = array<i32>} : memref<256x128xf32, #tpu.memory_space<vmem>>, vector<256x128xf32>,
    return
  }
  func.func @transform_0(%arg0: i32) -> (i32, i32) {
    %c0_i32 = arith.constant 0 : i32
    %c0_i32_0 = arith.constant 0 : i32
    return %arg0, %c0_i32 : i32, i32
  }
  func.func @transform_1(%arg0: i32) -> (i32, i32, i32) {
    %c0_i32 = arith.constant 0 : i32
    %c0_i32_0 = arith.constant 0 : i32
    %c0_i32_1 = arith.constant 0 : i32
    return %arg0, %c0_i32, %c0_i32_0 : i32, i32, i32
  }
  func.func @transform_2(%arg0: i32) -> (i32, i32) {
    %c0_i32 = arith.constant 0 : i32
    %c0_i32_0 = arith.constant 0 : i32
    %c0_i32_1 = arith.constant 0 : i32
    return %c0_i32, %c0_i32_0 : i32, i32
  }
  func.func @transform_3(%arg0: i32) -> (i32, i32) {
    %c0_i32 = arith.constant 0 : i32
    %c0_i32_0 = arith.constant 0 : i32
    %c0_i32_1 = arith.constant 0 : i32
    return %c0_i32, %c0_i32_0 : i32, i32
  }
  func.func @transform_4(%arg0: i32) -> (i32, i32) {
    %c0_i32 = arith.constant 0 : i32
    %c0_i32_0 = arith.constant 0 : i32
    %c0_i32_1 = arith.constant 0 : i32
    return %c0_i32, %c0_i32_0 : i32, i32
  }
  func.func @transform_5(%arg0: i32) -> (i32, i32) {
    %c0_i32 = arith.constant 0 : i32
    %c0_i32_0 = arith.constant 0 : i32
    %c0_i32_1 = arith.constant 0 : i32
    return %c0_i32, %c0_i32_0 : i32, i32
  }
  func.func @transform_6(%arg0: i32) -> (i32, i32) {
    %c0_i32 = arith.constant 0 : i32
    %c0_i32_0 = arith.constant 0 : i32
    %c0_i32_1 = arith.constant 0 : i32
    return %c0_i32, %c0_i32_0 : i32, i32
  }
  func.func @transform_7(%arg0: i32) -> (i32, i32) {
    %c0_i32 = arith.constant 0 : i32
    %c0_i32_0 = arith.constant 0 : i32
    %c0_i32_1 = arith.constant 0 : i32
    return %c0_i32, %c0_i32_0 : i32, i32
  }
  func.func @transform_8(%arg0: i32) -> (i32, i32) {
    %c0_i32 = arith.constant 0 : i32
    %c0_i32_0 = arith.constant 0 : i32
    %c0_i32_1 = arith.constant 0 : i32
    return %c0_i32, %c0_i32_0 : i32, i32
  }
  func.func @transform_9(%arg0: i32) -> (i32, i32) {
    %c0_i32 = arith.constant 0 : i32
    %c0_i32_0 = arith.constant 0 : i32
    %c0_i32_1 = arith.constant 0 : i32
    return %c0_i32, %c0_i32_0 : i32, i32
  }
  func.func @transform_10(%arg0: i32) -> (i32, i32) {
    %c0_i32 = arith.constant 0 : i32
    %c0_i32_0 = arith.constant 0 : i32
    return %arg0, %c0_i32 : i32, i32
  }
  func.func @transform_11(%arg0: i32) -> (i32, i32) {
    %c0_i32 = arith.constant 0 : i32
    %c0_i32_0 = arith.constant 0 : i32
    return %arg0, %c0_i32 : i32, i32
  }
  func.func @transform_12(%arg0: i32) -> (i32, i32) {
    %c0_i32 = arith.constant 0 : i32
    %c0_i32_0 = arith.constant 0 : i32
    return %arg0, %c0_i32 : i32, i32
  }
}

module attributes {stable_mosaic.version = 14 : i64} {
  func.func @_stage4_body(%arg0: i32, %arg1: memref<2048x128xf32, #tpu.memory_space<vmem>>, %arg2: memref<2048x128xf32, #tpu.memory_space<vmem>>, %arg3: memref<2048x16xf32, #tpu.memory_space<vmem>>, %arg4: memref<1x1x2048xi32, #tpu.memory_space<vmem>>, %arg5: memref<256x128xf32, #tpu.memory_space<vmem>>, %arg6: memref<16x128xf32, #tpu.memory_space<vmem>>, %arg7: memref<128x128xf32, #tpu.memory_space<vmem>>, %arg8: memref<1x128xf32, #tpu.memory_space<vmem>>, %arg9: memref<2048x128xf32, #tpu.memory_space<vmem>>) attributes {dimension_semantics = [#tpu.dimension_semantics<arbitrary>], iteration_bounds = array<i64: 158>, scalar_prefetch = 0 : i64, scratch_operands = 0 : i64, tpu.core_type = #tpu.core_type<tc>, window_params = [{transform_indices = @transform_0, window_bounds = array<i64: 2048, 128>}, {transform_indices = @transform_1, window_bounds = array<i64: 2048, 128>}, {transform_indices = @transform_2, window_bounds = array<i64: 2048, 16>}, {transform_indices = @transform_3, window_bounds = array<i64: 1, 1, 2048>}, {pipeline_mode = #tpu.pipeline_mode<synchronous>, transform_indices = @transform_4, window_bounds = array<i64: 256, 128>}, {pipeline_mode = #tpu.pipeline_mode<synchronous>, transform_indices = @transform_5, window_bounds = array<i64: 16, 128>}, {pipeline_mode = #tpu.pipeline_mode<synchronous>, transform_indices = @transform_6, window_bounds = array<i64: 128, 128>}, {pipeline_mode = #tpu.pipeline_mode<synchronous>, transform_indices = @transform_7, window_bounds = array<i64: 1, 128>}, {transform_indices = @transform_8, window_bounds = array<i64: 2048, 128>}]} {
    %get3A = arith.constant 0 : index
    %get3A_0 = arith.constant 0 : index
    %get3A_1 = vector.load %arg3[%get3A, %get3A_0] : memref<2048x16xf32, #tpu.memory_space<vmem>>, vector<2048x16xf32>
    %lt3A = arith.constant 0.000000e+00 : f32
    %lt3A_2 = vector.broadcast %lt3A : f32 to vector<2048x16xf32>
    %lt3A_3 = arith.cmpf olt, %get3A_1, %lt3A_2 : vector<2048x16xf32>
    %jit3A = arith.constant 1.000000e+00 : f32
    %jit3A_4 = arith.constant 0.000000e+00 : f32
    %broadcast_in_dim3A = vector.broadcast %jit3A : f32 to vector<2048x16xf32>
    %broadcast_in_dim3A_5 = vector.broadcast %jit3A_4 : f32 to vector<2048x16xf32>
    %select_n3A = arith.select %lt3A_3, %broadcast_in_dim3A, %broadcast_in_dim3A_5 : vector<2048x16xi1>, vector<2048x16xf32>
    %add3A = arith.addf %get3A_1, %select_n3A : vector<2048x16xf32>
    %get3A_6 = arith.constant 0 : index
    %get3A_7 = arith.constant 0 : index
    %get3A_8 = arith.constant 0 : index
    %get3A_9 = vector.load %arg4[%get3A_6, %get3A_7, %get3A_8] : memref<1x1x2048xi32, #tpu.memory_space<vmem>>, vector<1x1x2048xi32>
    %get3A_10 = vector.shape_cast %get3A_9 : vector<1x1x2048xi32> to vector<2048xi32>
    %iota3A = tpu.iota {dimensions = array<i32: 1>} : vector<2048x256xi32>
    %broadcast_in_dim3A_11 = vector.shape_cast %get3A_10 : vector<2048xi32> to vector<2048x1xi32>
    %eq3A = vector.broadcast %broadcast_in_dim3A_11 : vector<2048x1xi32> to vector<2048x256xi32>
    %eq3A_12 = arith.cmpi eq, %eq3A, %iota3A : vector<2048x256xi32>
    %convert_element_type3A = arith.extui %eq3A_12 : vector<2048x256xi1> to vector<2048x256xi32>
    %convert_element_type3A_13 = arith.sitofp %convert_element_type3A : vector<2048x256xi32> to vector<2048x256xf32>
    %get3A_14 = arith.constant 0 : index
    %get3A_15 = arith.constant 0 : index
    %get3A_16 = vector.load %arg1[%get3A_14, %get3A_15] : memref<2048x128xf32, #tpu.memory_space<vmem>>, vector<2048x128xf32>
    %get3A_17 = arith.constant 0 : index
    %get3A_18 = arith.constant 0 : index
    %get3A_19 = vector.load %arg2[%get3A_17, %get3A_18] : memref<2048x128xf32, #tpu.memory_space<vmem>>, vector<2048x128xf32>
    %add3A_20 = arith.addf %get3A_16, %get3A_19 : vector<2048x128xf32>
    %get3A_21 = arith.constant 0 : index
    %get3A_22 = arith.constant 0 : index
    %get3A_23 = vector.load %arg6[%get3A_21, %get3A_22] : memref<16x128xf32, #tpu.memory_space<vmem>>, vector<16x128xf32>
    %dot_general3A = arith.constant dense<0.000000e+00> : vector<2048x128xf32>
    %dot_general3A_24 = tpu.matmul %add3A, %get3A_23, %dot_general3A {dimension_numbers = #tpu.dot_dimension_numbers<[1], [0], [0], [1], [0, 0, 1, 1], [], []>, transpose_lhs_hint = false} : vector<2048x16xf32>, vector<16x128xf32>, vector<2048x128xf32> -> vector<2048x128xf32>
    %add3A_25 = arith.addf %add3A_20, %dot_general3A_24 : vector<2048x128xf32>
    %get3A_26 = arith.constant 0 : index
    %get3A_27 = arith.constant 0 : index
    %get3A_28 = vector.load %arg5[%get3A_26, %get3A_27] : memref<256x128xf32, #tpu.memory_space<vmem>>, vector<256x128xf32>
    %dot_general3A_29 = arith.constant dense<0.000000e+00> : vector<2048x128xf32>
    %dot_general3A_30 = tpu.matmul %convert_element_type3A_13, %get3A_28, %dot_general3A_29 {dimension_numbers = #tpu.dot_dimension_numbers<[1], [0], [0], [1], [0, 0, 1, 1], [], []>, transpose_lhs_hint = false} : vector<2048x256xf32>, vector<256x128xf32>, vector<2048x128xf32> -> vector<2048x128xf32>
    %add3A_31 = arith.addf %add3A_25, %dot_general3A_30 : vector<2048x128xf32>
    %logistic3A = arith.negf %add3A_31 : vector<2048x128xf32>
    %logistic3A_32 = math.exp %logistic3A : vector<2048x128xf32>
    %logistic3A_33 = arith.constant 1.000000e+00 : f32
    %logistic3A_34 = vector.broadcast %logistic3A_33 : f32 to vector<2048x128xf32>
    %logistic3A_35 = arith.addf %logistic3A_34, %logistic3A_32 : vector<2048x128xf32>
    %logistic3A_36 = arith.divf %logistic3A_34, %logistic3A_35 : vector<2048x128xf32>
    %mul3A = arith.mulf %add3A_31, %logistic3A_36 : vector<2048x128xf32>
    %get3A_37 = arith.constant 0 : index
    %get3A_38 = arith.constant 0 : index
    %get3A_39 = vector.load %arg7[%get3A_37, %get3A_38] : memref<128x128xf32, #tpu.memory_space<vmem>>, vector<128x128xf32>
    %dot_general3A_40 = arith.constant dense<0.000000e+00> : vector<2048x128xf32>
    %dot_general3A_41 = tpu.matmul %mul3A, %get3A_39, %dot_general3A_40 {dimension_numbers = #tpu.dot_dimension_numbers<[1], [0], [0], [1], [0, 0, 1, 1], [], []>, transpose_lhs_hint = false} : vector<2048x128xf32>, vector<128x128xf32>, vector<2048x128xf32> -> vector<2048x128xf32>
    %get3A_42 = arith.constant 0 : index
    %get3A_43 = arith.constant 0 : index
    %get3A_44 = vector.load %arg8[%get3A_42, %get3A_43] : memref<1x128xf32, #tpu.memory_space<vmem>>, vector<1x128xf32>
    %add3A_45 = vector.broadcast %get3A_44 : vector<1x128xf32> to vector<2048x128xf32>
    %add3A_46 = arith.addf %dot_general3A_41, %add3A_45 : vector<2048x128xf32>
    %logistic3A_47 = arith.negf %add3A_46 : vector<2048x128xf32>
    %logistic3A_48 = math.exp %logistic3A_47 : vector<2048x128xf32>
    %logistic3A_49 = arith.constant 1.000000e+00 : f32
    %logistic3A_50 = vector.broadcast %logistic3A_49 : f32 to vector<2048x128xf32>
    %logistic3A_51 = arith.addf %logistic3A_50, %logistic3A_48 : vector<2048x128xf32>
    %logistic3A_52 = arith.divf %logistic3A_50, %logistic3A_51 : vector<2048x128xf32>
    %mul3A_53 = arith.mulf %add3A_46, %logistic3A_52 : vector<2048x128xf32>
    %swap3A = arith.constant 0 : index
    %swap3A_54 = arith.constant 0 : index
    %swap3A_55 = vector.load %arg9[%swap3A, %swap3A_54] : memref<2048x128xf32, #tpu.memory_space<vmem>>, vector<2048x128xf32>
    tpu.vector_store %arg9[%swap3A, %swap3A_54], %mul3A_53 {strides = array<i32>} : memref<2048x128xf32, #tpu.memory_space<vmem>>, vector<2048x128xf32>,
    return
  }
  func.func @transform_0(%arg0: i32) -> (i32, i32) {
    %c0_i32 = arith.constant 0 : i32
    %c0_i32_0 = arith.constant 0 : i32
    return %arg0, %c0_i32 : i32, i32
  }
  func.func @transform_1(%arg0: i32) -> (i32, i32) {
    %c0_i32 = arith.constant 0 : i32
    %c0_i32_0 = arith.constant 0 : i32
    return %arg0, %c0_i32 : i32, i32
  }
  func.func @transform_2(%arg0: i32) -> (i32, i32) {
    %c0_i32 = arith.constant 0 : i32
    %c0_i32_0 = arith.constant 0 : i32
    return %arg0, %c0_i32 : i32, i32
  }
  func.func @transform_3(%arg0: i32) -> (i32, i32, i32) {
    %c0_i32 = arith.constant 0 : i32
    %c0_i32_0 = arith.constant 0 : i32
    %c0_i32_1 = arith.constant 0 : i32
    return %arg0, %c0_i32, %c0_i32_0 : i32, i32, i32
  }
  func.func @transform_4(%arg0: i32) -> (i32, i32) {
    %c0_i32 = arith.constant 0 : i32
    %c0_i32_0 = arith.constant 0 : i32
    %c0_i32_1 = arith.constant 0 : i32
    return %c0_i32, %c0_i32_0 : i32, i32
  }
  func.func @transform_5(%arg0: i32) -> (i32, i32) {
    %c0_i32 = arith.constant 0 : i32
    %c0_i32_0 = arith.constant 0 : i32
    %c0_i32_1 = arith.constant 0 : i32
    return %c0_i32, %c0_i32_0 : i32, i32
  }
  func.func @transform_6(%arg0: i32) -> (i32, i32) {
    %c0_i32 = arith.constant 0 : i32
    %c0_i32_0 = arith.constant 0 : i32
    %c0_i32_1 = arith.constant 0 : i32
    return %c0_i32, %c0_i32_0 : i32, i32
  }
  func.func @transform_7(%arg0: i32) -> (i32, i32) {
    %c0_i32 = arith.constant 0 : i32
    %c0_i32_0 = arith.constant 0 : i32
    %c0_i32_1 = arith.constant 0 : i32
    return %c0_i32, %c0_i32_0 : i32, i32
  }
  func.func @transform_8(%arg0: i32) -> (i32, i32) {
    %c0_i32 = arith.constant 0 : i32
    %c0_i32_0 = arith.constant 0 : i32
    return %arg0, %c0_i32 : i32, i32
  }
}

module attributes {stable_mosaic.version = 14 : i64} {
  func.func @_stage6_body(%arg0: i32, %arg1: memref<256x128xf32, #tpu.memory_space<vmem>>, %arg2: memref<256x128xf32, #tpu.memory_space<vmem>>, %arg3: memref<256x128xf32, #tpu.memory_space<vmem>>, %arg4: memref<256x128xf32, #tpu.memory_space<vmem>>, %arg5: memref<256x128xf32, #tpu.memory_space<vmem>>, %arg6: memref<256x128xf32, #tpu.memory_space<vmem>>, %arg7: memref<128x128xf32, #tpu.memory_space<vmem>>, %arg8: memref<128x128xf32, #tpu.memory_space<vmem>>, %arg9: memref<1x128xf32, #tpu.memory_space<vmem>>, %arg10: memref<128x128xf32, #tpu.memory_space<vmem>>, %arg11: memref<1x128xf32, #tpu.memory_space<vmem>>, %arg12: memref<256x128xf32, #tpu.memory_space<vmem>>) attributes {dimension_semantics = [#tpu.dimension_semantics<arbitrary>], iteration_bounds = array<i64: 40>, scalar_prefetch = 0 : i64, scratch_operands = 0 : i64, tpu.core_type = #tpu.core_type<tc>, window_params = [{transform_indices = @transform_0, window_bounds = array<i64: 256, 128>}, {transform_indices = @transform_1, window_bounds = array<i64: 256, 128>}, {transform_indices = @transform_2, window_bounds = array<i64: 256, 128>}, {transform_indices = @transform_3, window_bounds = array<i64: 256, 128>}, {transform_indices = @transform_4, window_bounds = array<i64: 256, 128>}, {transform_indices = @transform_5, window_bounds = array<i64: 256, 128>}, {pipeline_mode = #tpu.pipeline_mode<synchronous>, transform_indices = @transform_6, window_bounds = array<i64: 128, 128>}, {pipeline_mode = #tpu.pipeline_mode<synchronous>, transform_indices = @transform_7, window_bounds = array<i64: 128, 128>}, {pipeline_mode = #tpu.pipeline_mode<synchronous>, transform_indices = @transform_8, window_bounds = array<i64: 1, 128>}, {pipeline_mode = #tpu.pipeline_mode<synchronous>, transform_indices = @transform_9, window_bounds = array<i64: 128, 128>}, {pipeline_mode = #tpu.pipeline_mode<synchronous>, transform_indices = @transform_10, window_bounds = array<i64: 1, 128>}, {transform_indices = @transform_11, window_bounds = array<i64: 256, 128>}]} {
    %get3A = arith.constant 0 : index
    %get3A_0 = arith.constant 0 : index
    %get3A_1 = vector.load %arg5[%get3A, %get3A_0] : memref<256x128xf32, #tpu.memory_space<vmem>>, vector<256x1xf32>
    %get3A_2 = arith.constant 0 : index
    %get3A_3 = arith.constant 0 : index
    %get3A_4 = vector.load %arg6[%get3A_2, %get3A_3] : memref<256x128xf32, #tpu.memory_space<vmem>>, vector<256x1xf32>
    %add3A = arith.addf %get3A_1, %get3A_4 : vector<256x1xf32>
    %get3A_5 = arith.constant 0 : index
    %get3A_6 = arith.constant 0 : index
    %get3A_7 = vector.load %arg3[%get3A_5, %get3A_6] : memref<256x128xf32, #tpu.memory_space<vmem>>, vector<256x128xf32>
    %get3A_8 = arith.constant 0 : index
    %get3A_9 = arith.constant 0 : index
    %get3A_10 = vector.load %arg4[%get3A_8, %get3A_9] : memref<256x128xf32, #tpu.memory_space<vmem>>, vector<256x128xf32>
    %add3A_11 = arith.addf %get3A_7, %get3A_10 : vector<256x128xf32>
    %max3A = arith.constant 1.000000e+00 : f32
    %max3A_12 = vector.broadcast %max3A : f32 to vector<256x1xf32>
    %max3A_13 = arith.maximumf %add3A, %max3A_12 : vector<256x1xf32>
    %div3A = vector.broadcast %max3A_13 : vector<256x1xf32> to vector<256x128xf32>
    %div3A_14 = arith.divf %add3A_11, %div3A : vector<256x128xf32>
    %get3A_15 = arith.constant 0 : index
    %get3A_16 = arith.constant 0 : index
    %get3A_17 = vector.load %arg1[%get3A_15, %get3A_16] : memref<256x128xf32, #tpu.memory_space<vmem>>, vector<256x128xf32>
    %get3A_18 = arith.constant 0 : index
    %get3A_19 = arith.constant 0 : index
    %get3A_20 = vector.load %arg7[%get3A_18, %get3A_19] : memref<128x128xf32, #tpu.memory_space<vmem>>, vector<128x128xf32>
    %dot_general3A = arith.constant dense<0.000000e+00> : vector<256x128xf32>
    %dot_general3A_21 = tpu.matmul %get3A_17, %get3A_20, %dot_general3A {dimension_numbers = #tpu.dot_dimension_numbers<[1], [0], [0], [1], [0, 0, 1, 1], [], []>, transpose_lhs_hint = false} : vector<256x128xf32>, vector<128x128xf32>, vector<256x128xf32> -> vector<256x128xf32>
    %get3A_22 = arith.constant 0 : index
    %get3A_23 = arith.constant 0 : index
    %get3A_24 = vector.load %arg8[%get3A_22, %get3A_23] : memref<128x128xf32, #tpu.memory_space<vmem>>, vector<128x128xf32>
    %dot_general3A_25 = arith.constant dense<0.000000e+00> : vector<256x128xf32>
    %dot_general3A_26 = tpu.matmul %div3A_14, %get3A_24, %dot_general3A_25 {dimension_numbers = #tpu.dot_dimension_numbers<[1], [0], [0], [1], [0, 0, 1, 1], [], []>, transpose_lhs_hint = false} : vector<256x128xf32>, vector<128x128xf32>, vector<256x128xf32> -> vector<256x128xf32>
    %add3A_27 = arith.addf %dot_general3A_21, %dot_general3A_26 : vector<256x128xf32>
    %get3A_28 = arith.constant 0 : index
    %get3A_29 = arith.constant 0 : index
    %get3A_30 = vector.load %arg9[%get3A_28, %get3A_29] : memref<1x128xf32, #tpu.memory_space<vmem>>, vector<1x128xf32>
    %add3A_31 = vector.broadcast %get3A_30 : vector<1x128xf32> to vector<256x128xf32>
    %add3A_32 = arith.addf %add3A_27, %add3A_31 : vector<256x128xf32>
    %logistic3A = arith.negf %add3A_32 : vector<256x128xf32>
    %logistic3A_33 = math.exp %logistic3A : vector<256x128xf32>
    %logistic3A_34 = arith.constant 1.000000e+00 : f32
    %logistic3A_35 = vector.broadcast %logistic3A_34 : f32 to vector<256x128xf32>
    %logistic3A_36 = arith.addf %logistic3A_35, %logistic3A_33 : vector<256x128xf32>
    %logistic3A_37 = arith.divf %logistic3A_35, %logistic3A_36 : vector<256x128xf32>
    %mul3A = arith.mulf %add3A_32, %logistic3A_37 : vector<256x128xf32>
    %get3A_38 = arith.constant 0 : index
    %get3A_39 = arith.constant 0 : index
    %get3A_40 = vector.load %arg10[%get3A_38, %get3A_39] : memref<128x128xf32, #tpu.memory_space<vmem>>, vector<128x128xf32>
    %dot_general3A_41 = arith.constant dense<0.000000e+00> : vector<256x128xf32>
    %dot_general3A_42 = tpu.matmul %mul3A, %get3A_40, %dot_general3A_41 {dimension_numbers = #tpu.dot_dimension_numbers<[1], [0], [0], [1], [0, 0, 1, 1], [], []>, transpose_lhs_hint = false} : vector<256x128xf32>, vector<128x128xf32>, vector<256x128xf32> -> vector<256x128xf32>
    %get3A_43 = arith.constant 0 : index
    %get3A_44 = arith.constant 0 : index
    %get3A_45 = vector.load %arg11[%get3A_43, %get3A_44] : memref<1x128xf32, #tpu.memory_space<vmem>>, vector<1x128xf32>
    %add3A_46 = vector.broadcast %get3A_45 : vector<1x128xf32> to vector<256x128xf32>
    %add3A_47 = arith.addf %dot_general3A_42, %add3A_46 : vector<256x128xf32>
    %get3A_48 = arith.constant 0 : index
    %get3A_49 = arith.constant 0 : index
    %get3A_50 = vector.load %arg2[%get3A_48, %get3A_49] : memref<256x128xf32, #tpu.memory_space<vmem>>, vector<256x128xf32>
    %logistic3A_51 = arith.negf %add3A_47 : vector<256x128xf32>
    %logistic3A_52 = math.exp %logistic3A_51 : vector<256x128xf32>
    %logistic3A_53 = arith.constant 1.000000e+00 : f32
    %logistic3A_54 = vector.broadcast %logistic3A_53 : f32 to vector<256x128xf32>
    %logistic3A_55 = arith.addf %logistic3A_54, %logistic3A_52 : vector<256x128xf32>
    %logistic3A_56 = arith.divf %logistic3A_54, %logistic3A_55 : vector<256x128xf32>
    %mul3A_57 = arith.mulf %add3A_47, %logistic3A_56 : vector<256x128xf32>
    %add3A_58 = arith.addf %get3A_50, %mul3A_57 : vector<256x128xf32>
    %swap3A = arith.constant 0 : index
    %swap3A_59 = arith.constant 0 : index
    %swap3A_60 = vector.load %arg12[%swap3A, %swap3A_59] : memref<256x128xf32, #tpu.memory_space<vmem>>, vector<256x128xf32>
    tpu.vector_store %arg12[%swap3A, %swap3A_59], %add3A_58 {strides = array<i32>} : memref<256x128xf32, #tpu.memory_space<vmem>>, vector<256x128xf32>,
    return
  }
  func.func @transform_0(%arg0: i32) -> (i32, i32) {
    %c0_i32 = arith.constant 0 : i32
    %c0_i32_0 = arith.constant 0 : i32
    return %arg0, %c0_i32 : i32, i32
  }
  func.func @transform_1(%arg0: i32) -> (i32, i32) {
    %c0_i32 = arith.constant 0 : i32
    %c0_i32_0 = arith.constant 0 : i32
    return %arg0, %c0_i32 : i32, i32
  }
  func.func @transform_2(%arg0: i32) -> (i32, i32) {
    %c0_i32 = arith.constant 0 : i32
    %c0_i32_0 = arith.constant 0 : i32
    return %arg0, %c0_i32 : i32, i32
  }
  func.func @transform_3(%arg0: i32) -> (i32, i32) {
    %c0_i32 = arith.constant 0 : i32
    %c0_i32_0 = arith.constant 0 : i32
    return %arg0, %c0_i32 : i32, i32
  }
  func.func @transform_4(%arg0: i32) -> (i32, i32) {
    %c0_i32 = arith.constant 0 : i32
    %c0_i32_0 = arith.constant 0 : i32
    return %arg0, %c0_i32 : i32, i32
  }
  func.func @transform_5(%arg0: i32) -> (i32, i32) {
    %c0_i32 = arith.constant 0 : i32
    %c0_i32_0 = arith.constant 0 : i32
    return %arg0, %c0_i32 : i32, i32
  }
  func.func @transform_6(%arg0: i32) -> (i32, i32) {
    %c0_i32 = arith.constant 0 : i32
    %c0_i32_0 = arith.constant 0 : i32
    %c0_i32_1 = arith.constant 0 : i32
    return %c0_i32, %c0_i32_0 : i32, i32
  }
  func.func @transform_7(%arg0: i32) -> (i32, i32) {
    %c0_i32 = arith.constant 0 : i32
    %c0_i32_0 = arith.constant 0 : i32
    %c0_i32_1 = arith.constant 0 : i32
    return %c0_i32, %c0_i32_0 : i32, i32
  }
  func.func @transform_8(%arg0: i32) -> (i32, i32) {
    %c0_i32 = arith.constant 0 : i32
    %c0_i32_0 = arith.constant 0 : i32
    %c0_i32_1 = arith.constant 0 : i32
    return %c0_i32, %c0_i32_0 : i32, i32
  }
  func.func @transform_9(%arg0: i32) -> (i32, i32) {
    %c0_i32 = arith.constant 0 : i32
    %c0_i32_0 = arith.constant 0 : i32
    %c0_i32_1 = arith.constant 0 : i32
    return %c0_i32, %c0_i32_0 : i32, i32
  }
  func.func @transform_10(%arg0: i32) -> (i32, i32) {
    %c0_i32 = arith.constant 0 : i32
    %c0_i32_0 = arith.constant 0 : i32
    %c0_i32_1 = arith.constant 0 : i32
    return %c0_i32, %c0_i32_0 : i32, i32
  }
  func.func @transform_11(%arg0: i32) -> (i32, i32) {
    %c0_i32 = arith.constant 0 : i32
    %c0_i32_0 = arith.constant 0 : i32
    return %arg0, %c0_i32 : i32, i32
  }
}

</mosaic_0001>

<sc_bundles>
// kernel: kernel.12.cloned.1.call-start
scs
__scs_entry_jumppad:
0x0: {  	(pc) =	sbr.rel $0x88, $3  }
0x1: {  	(tag) =	ssettag $0x0;
	lr =	simm.s32 $0x1  }
0x2: {  	[smem:$0x3F8A] =	sst lr;
	_ =	strace $0xD0000000  }
0x3: {  	_ = 	snop  }
0x4: {  	_ = 	snop  }
0x5: {  	_ = 	snop  }
0x6: {  	_ = 	snop  }
0x7: {  	_ = 	snop  }
__scs_overlays_trampoline_lowered:
0x8: {  	[smem:$0x3F99] =	sst s0  }
0x9: {  	[smem:$0x3F9A] =	sst s1  }
0xa: {  	[smem:$0x3F9B] =	sst s2  }
0xb: {  	[smem:$0x3F9C] =	sst s3  }
0xc: {  	[smem:$0x3F9D] =	sst s4  }
0xd: {  	[smem:$0x3F9E] =	sst s5  }
0xe: {  	[smem:$0x3F9F] =	sst s6  }
0xf: {  	[smem:$0x3FA0] =	sst s7  }
0x10: {  	[smem:$0x3FA1] =	sst s8  }
0x11: {  	[smem:$0x3FA2] =	sst s9;
	s0 =	simm.s32 @!p0 $0x0  }
0x12: {  	s1 =	sld [smem:$0x3F88];
	s0 =	simm.s32 @p0 $0x1  }
0x13: {  	[smem:$0x3FA3] =	sst s0;
	s0 =	simm.s32 @!p1 $0x0  }
0x14: {  	s2 =	sld [smem:$0x3F87];
	s0 =	simm.s32 @p1 $0x1  }
0x15: {  	[smem:$0x3FA4] =	sst s0;
	s0 =	simm.s32 @!p2 $0x0  }
0x16: {  	s3 =	sld [smem:$0x3FDB];
	s0 =	simm.s32 @p2 $0x1  }
0x17: {  	s4 =	simm.s32 $0x1BF5;
	[smem:$0x3FA6] =	sst s0  }
0x18: {  	s0 =	sld [smem:$0x3F89];
	_ =	swait.ge [sflag:s4], $0x0  }
0x19: {  	s7 =	sld [smem:$0x3F8A]  }
0x1a: {  	s8 =	sadd.s32 $0xFFFFE003, lr  }
0x1b: {  	s9 =	sadd.s32 $0xFFFFFEF7, lr;
	s5 =	simm.s32 $0xFFFFFFFF;
	p2 =	slt.u32 s8, $0xFFFFF086  }
0x1c: {  	p1 =	slt.u32 s9, $0xF7A;
	s5 =	simm.s32 @!p2 $0x0  }
0x1d: {  	s5 =	simm.s32 @p1 $0x1;
	p0 =	seq.s32 s7, s2  }
0x1e: {  	s7 =	smul.u32 @!p0 $0xF7A, s2;
	p2 =	seq.s32 @!p0 s5, $0x0  }
0x1f: {  	s9 =	smul.u32 $0xF7A, s1;
	s8 =	simm.s32 @!p0 $0x1BF5;
	p2 =	por !p2, p0  }
0x20: {  	[sflag:s8] =	ssyncset.s32 @!p0 $0xFFFFF086;
	s6 =	sadd.s32 @!p0 s3, s7;
	s7 =	simm.s32 @!p0 $0x108  }
0x21: {  	s3 =	sadd.s32 s3, s9;
	s6 =	sadd.s32 @!p0 $0x88, s6;
	s7 =	simm.s32 @p2 $0x1082  }
0x22: {  	[simem:s7], [sflag:s8] =	dma.local @!p0 [hbm:s6], $0xF7A  }
0x23: {  	s9 =	sor.u32 $0xD0000000, s2;
	s6 =	simm.s32 $0x108;
	_ =	swait.ge @!p0 [sflag:s8], $0x0  }
0x24: {  	s3 =	sadd.s32 $0x88, s3;
	s6 =	simm.s32 @!p1 $0x1082;
	[sflag:s4] =	ssyncset.s32 $0xFFFFF086  }
0x25: {  	[simem:s6], [sflag:s4] =	dma.local [hbm:s3], $0xF7A  }
0x26: {  	[smem:$0x3F8A] =	sst s1;
	(tag) =	ssettag s2;
	_ =	strace s9  }
0x27: {  	s1 =	sld [smem:$0x3F9A]  }
0x28: {  	s2 =	sld [smem:$0x3F9B]  }
0x29: {  	s4 =	sld [smem:$0x3F9D]  }
0x2a: {  	p0 =	seq.s32 s5, $0x0;
	s5 =	sld [smem:$0x3F9E]  }
0x2b: {  	s6 =	sld [smem:$0x3F9F]  }
0x2c: {  	s7 =	sld [smem:$0x3FA0]  }
0x2d: {  	s3 =	simm.s32 $0x108;
	s8 =	sld [smem:$0x3FA1]  }
0x2e: {  	s3 =	simm.s32 @!p0 $0x1082;
	s9 =	sld [smem:$0x3FA2]  }
0x2f: {  	lr =	sadd.s32 s0, s3;
	s0 =	sld [smem:$0x3F99]  }
0x30: {  	s3 =	sld [smem:$0x3F9C]  }
0x31: {  	[smem:$0x3FA5] =	sst s10  }
0x32: {  	s10 =	sld [smem:$0x3FA3];
	_ =	sdelay $0x3  }
0x33: {  	p0 =	seq.s32 s10, $0x1;
	s10 =	sld [smem:$0x3FA5];
	_ =	sdelay $0x3  }
0x34: {  	[smem:$0x3FA5] =	sst s10  }
0x35: {  	s10 =	sld [smem:$0x3FA4];
	_ =	sdelay $0x3  }
0x36: {  	p1 =	seq.s32 s10, $0x1;
	s10 =	sld [smem:$0x3FA5];
	_ =	sdelay $0x3  }
0x37: {  	[smem:$0x3FA5] =	sst s10  }
0x38: {  	s10 =	sld [smem:$0x3FA6]  }
0x39: {  	_ = 	snop;
	(pc) =	sbr.ind lr, $3  }
0x3a: {  	_ = 	snop  }
0x3b: {  	_ = 	snop  }
0x3c: {  	p2 =	seq.s32 s10, $0x1;
	s10 =	sld [smem:$0x3FA5]  }
0x3d: {  	_ =	shalt  }
0x3e: {  	_ =	shalt  }
0x3f: {  	_ =	shalt  }
0x40: {  	_ =	shalt  }
0x41: {  	_ =	shalt  }
0x42: {  	_ =	shalt  }
0x43: {  	_ =	shalt  }
0x44: {  	_ =	shalt  }
0x45: {  	_ =	shalt  }
0x46: {  	_ =	shalt  }
0x47: {  	_ =	shalt  }
0x48: {  	_ =	shalt  }
0x49: {  	_ =	shalt  }
0x4a: {  	_ =	shalt  }
0x4b: {  	_ =	shalt  }
0x4c: {  	_ =	shalt  }
0x4d: {  	_ =	shalt  }
0x4e: {  	_ =	shalt  }
0x4f: {  	_ =	shalt  }
0x50: {  	_ =	shalt  }
0x51: {  	_ =	shalt  }
0x52: {  	_ =	shalt  }
0x53: {  	_ =	shalt  }
0x54: {  	_ =	shalt  }
0x55: {  	_ =	shalt  }
0x56: {  	_ =	shalt  }
0x57: {  	_ =	shalt  }
0x58: {  	_ =	shalt  }
0x59: {  	_ =	shalt  }
0x5a: {  	_ =	shalt  }
0x5b: {  	_ =	shalt  }
0x5c: {  	_ =	shalt  }
0x5d: {  	_ =	shalt  }
0x5e: {  	_ =	shalt  }
0x5f: {  	_ =	shalt  }
0x60: {  	_ =	shalt  }
0x61: {  	_ =	shalt  }
0x62: {  	_ =	shalt  }
0x63: {  	_ =	shalt  }
0x64: {  	_ =	shalt  }
0x65: {  	_ =	shalt  }
0x66: {  	_ =	shalt  }
0x67: {  	_ =	shalt  }
0x68: {  	_ =	shalt  }
0x69: {  	_ =	shalt  }
0x6a: {  	_ =	shalt  }
0x6b: {  	_ =	shalt  }
0x6c: {  	_ =	shalt  }
0x6d: {  	_ =	shalt  }
0x6e: {  	_ =	shalt  }
0x6f: {  	_ =	shalt  }
0x70: {  	_ =	shalt  }
0x71: {  	_ =	shalt  }
0x72: {  	_ =	shalt  }
0x73: {  	_ =	shalt  }
0x74: {  	_ =	shalt  }
0x75: {  	_ =	shalt  }
0x76: {  	_ =	shalt  }
0x77: {  	_ =	shalt  }
0x78: {  	_ =	shalt  }
0x79: {  	_ =	shalt  }
0x7a: {  	_ =	shalt  }
0x7b: {  	_ =	shalt  }
0x7c: {  	_ =	shalt  }
0x7d: {  	_ =	shalt  }
0x7e: {  	_ =	shalt  }
0x7f: {  	_ =	shalt  }
0x80: {  	_ =	shalt  }
0x81: {  	_ =	shalt  }
0x82: {  	_ =	shalt  }
0x83: {  	_ =	shalt  }
0x84: {  	_ =	shalt  }
0x85: {  	_ =	shalt  }
0x86: {  	_ =	shalt  }
0x87: {  	_ =	shalt  }
.Lfunc_end0:
.L_simem_size_0:
called_computation.1_lowered:
.L_overlay_start_0:
0x88: {  	s2 =	sld [smem:$0x3FD9]  }
0x89: {  	s3 =	sld [smem:$0x3FFE];
	_ =	sdelay $0x1  }
0x8a: {  	s1 =	srdreg.scid  }
0x8b: {  	s0 =	sand.u32 $0x1, s1  }
0x8c: {  	s17 =	sshll.u32 s0, $0xA;
	s2 =	sadd.s32 s3, s2  }
0x8d: {  	s2 =	sadd.s32 s2, s17  }
0x8e: {  	[smem:$0x3FB1] =	sst s2  }
0x8f: {  	_ = 	snop  }
0x90: {  	s2 =	sld [smem:$0x3FD0];
	(tm) =	ssettm $0x1  }
0x91: {  	s18 =	sld [smem:$0x3FFB];
	_ =	sdelay $0x3  }
0x92: {  	_ =	strace s18  }
0x93: {  	s3 =	sld [smem:$0x3FFC];
	_ =	sdelay $0x3  }
0x94: {  	_ =	strace s3  }
0x95: {  	s3 =	sld [smem:$0x3FFD];
	_ =	sdelay $0x3  }
0x96: {  	_ =	strace s3  }
0x97: {  	_ =	strace $0x8FFFFFFF  }
0x98: {  	s19 =	sld [smem:$0x3FDB];
	_ =	sdelay $0x1  }
0x99: {  	s4 =	simm.s32 $_scs_section_size  }
0x9a: {  	s5 =	simm.s32 $_size__tile_overlayer_lowered;
	s6 =	simm.s32 $_tile_overlayer_lowered  }
0x9b: {  	s22 =	simm.s32 $0x1BFF;
	s21 =	sshll.u32 s6, $0x1;
	s3 =	sadd.s32 s4, s19  }
0x9c: {  	s7 =	simm.s32 $0x0;
	s20 =	sshll.u32 s5, $0x1;
	s5 =	sadd.s32 s21, s3  }
0x9d: {  	[timem:s7], [sflag:s22] =	dma.local [hbm:s5], s20  }
0x9e: {  	_ =	swait.ge [sflag:s22], s20  }
0x9f: {  	s4 =	ssub.s32 $0x0, s20;
	[sflag:s22] =	ssyncset.done $0x0  }
0xa0: {  	[sflag:s22] =	ssyncadd.s32 s4;
	_ =	sdelay $0x1  }
0xa1: {  	s23 =	simm.s32 $0x1B8B  }
0xa2: {  	_ =	swait.ge [sflag:s23], $0x1  }
0xa3: {  	[sflag:s23] =	ssyncset.done $0x0  }
0xa4: {  	s25 =	simm.s32 $0x1B8E;
	s24 =	sld [smem:$0x3FFE];
	[sflag:s23] =	ssyncadd.s32 $0xFFFFFFFF  }
0xa5: {  	s26 =	simm.s32 $execute0_lowered;
	[smem:$0x3FD2] =	sst s25  }
0xa6: {  	s5 =	sshll.u32 s26, $0x1;
	_ =	strace $0x80000046;
	[dreg:$0x1] =	wrdreg $0xFFFFFFFF  }
0xa7: {  	s28 =	simm.s32 $_size_execute0_lowered;
	s3 =	sadd.s32 s3, s5;
	[dreg:$0x0] =	wrdreg $0x0  }
0xa8: {  	s5 =	sshll.u32 s28, $0x1;
	[dreg:$0x2] =	wrdreg s3  }
0xa9: {  	[dreg:$0x3] =	wrdreg s5  }
0xaa: {  	[dreg:$0x4] =	wrdreg $0xC0  }
0xab: {  	_ =	task [dreg:s7], $0x5FFFF  }
0xac: {  	[dreg:$0x1] =	wrdreg $0xFFFFFFFF  }
0xad: {  	[dreg:$0x0] =	wrdreg $0x60  }
0xae: {  	[dreg:$0x2] =	wrdreg s24  }
0xaf: {  	[dreg:$0x3] =	wrdreg s2  }
0xb0: {  	[dreg:$0x4] =	wrdreg $0xA  }
0xb1: {  	_ =	task.clear_ibuf [dreg:s7], $0x5FFFF;
	_ =	strace $0x90000046  }
0xb2: {  	s29 =	simm.s32 $0xA;
	_ =	strace $0x80000048  }
0xb3: {  	_ =	swait.ge [sflag:s29], $0x1  }
0xb4: {  	[sflag:s29] =	ssyncadd.s32 $0xFFFFFFFF  }
0xb5: {  	_ =	strace $0x90000048  }
0xb6: {  	_ =	sfence  }
0xb7: {  	s30 =	sld [smem:$0x0];
	_ =	sdelay $0x2  }
0xb8: {  	s31 =	sshll.u32 s1, $0xD;
	s1 =	sshrl.u32 s1, $0x2  }
0xb9: {  	s3 =	sand.u32 $0x4000, s31;
	s1 =	sadd.s32 s1, s30  }
0xba: {  	s0 =	sor.u32 s3, s0;
	s1 =	sshll.u32 s1, $0x11  }
0xbb: {  	s0 =	sor.u32 s1, s0  }
0xbc: {  	s0 =	sadd.s32 $0x8F2B, s0  }
0xbd: {  	[sflag:s0] =	ssyncadd.remote.s32 $0x1  }
0xbe: {  	_ =	sfence.sel $0xFFFF  }
0xbf: {  	[dreg:$0x0] =	wrdreg $0xFFFFFFFF;
	(pc) =	sbr.abs _section_cstart, $3  }
0xc0: {  	[dreg:$0x1] =	wrdreg $0xFFFFFFFF  }
0xc1: {  	_ =	task.clear_ibuf [dreg:s7], $0x2FFFF;
	_ =	strace $0x9FFFFFFF  }
0xc2: {  	(tm) =	ssettm $0x7FFFFFFF  }
0xc3: {  	_ =	shalt  }
tec
execute0_lowered:
.L_overlay_start_1:
0x0: {  	(tag) =	ssettag $0x1  }
0x1: {  	s0 =	rddreg [dreg:$0x0]  }
0x2: {  	s1 =	rddreg [dreg:$0x1]  }
0x3: {  	s3 =	simm.s32 $0x0;
	s2 =	srdreg.scid;
	s5 =	stileid.u32  }
0x4: {  	s28 =	simm.s32 $0x80;
	s29 =	simm.s32 $0x40;
	s30 =	simm.s32 $0x100  }
0x5: {  	s31 =	simm.s32 $0x2100;
	s14 =	simm.s32 $0x8200;
	s15 =	simm.s32 $0xA200  }
0x6: {  	[smem:$0x7FF] =	sst s3;
	s4 =	sadd.s32 $0x5EE00, s0;
	s2 =	sand.u32 $0x1, s2  }
0x7: {  	s7 =	sshll.u32 s5, $0x1;
	s5 =	sadd.s32 $0x86E00, s0;
	s6 =	sadd.s32 $0x36E00, s0  }
0x8: {  	s8 =	sadd.s32 $0xD6E00, s0;
	s9 =	sadd.s32 $0x5C6E00, s0;
	s11 =	sor.u32 s2, s7  }
0x9: {  	s10 =	sadd.s32 $0xAB6E00, s0;
	s16 =	ssub.s32 $0x2, s2;
	s12 =	smul.u32 $0x2780, s11  }
0xa: {  	_ =	strace $0x80000047;
	s2 =	sshrl.u32 s16, $0x1;
	s11 =	smul.u32 $0x13C000, s11  }
0xb: {  	s7 =	sadd.s32 $0x2D000, s0;
	s0 =	ssub.s32 s16, s2;
	s13 =	sshrl.u32 s12, $0x3  }
0xc: {  	s20 =	sshrl.u32 s11, $0x3;
	s16 =	sadd.s32 $0x80, s12;
	s0 =	smax.u32 s0, $0x1  }
0xd: {  	s17 =	sadd.s32 s1, s13;
	s18 =	sor.u32 $0x8, s13;
	[dreg:$0xd] =	wrdreg s0  }
0xe: {  	s13 =	sadd.s32 s7, s13;
	s21 =	sadd.s32 $0x27000, s20;
	[dreg:$0x3] =	wrdreg s17  }
0xf: {  	s24 =	sadd.s32 $0x27400, s20;
	[dreg:$0x4] =	wrdreg s13;
	s19 =	sadd.s32 s1, s18  }
0x10: {  	s2 =	sadd.s32 s7, s18;
	s17 =	sor.u32 $0x40, s12;
	[dreg:$0x5] =	wrdreg s19  }
0x11: {  	s18 =	sadd.s32 $0xC0, s12;
	s22 =	sadd.s32 s8, s21;
	[dreg:$0x6] =	wrdreg s2  }
0x12: {  	s23 =	sadd.s32 s9, s21;
	s25 =	sadd.s32 s8, s24;
	[dreg:$0x7] =	wrdreg s22  }
0x13: {  	s26 =	sadd.s32 s9, s24;
	s12 =	simm.s32 $0x8100;
	[dreg:$0x8] =	wrdreg s23  }
0x14: {  	s13 =	simm.s32 $0x8180;
	s2 =	sadd.s32 s10, s21;
	[dreg:$0xa] =	wrdreg s25  }
0x15: {  	[dreg:$0xb] =	wrdreg s26;
	s26 =	simm.s32 $0x3;
	s21 =	simm.s32 $0x1  }
0x16: {  	s22 =	simm.s32 $0x10200;
	[dreg:$0x9] =	wrdreg s2;
	s2 =	sadd.s32 s10, s24  }
0x17: {  	s23 =	simm.s32 $0x2;
	[dreg:$0xc] =	wrdreg s2;
	s2 =	simm.s32 $0x0  }
.LBB2_1:
0x18: {  	[dreg:$0xe] =	wrdreg s2  }
0x19: {  	s0 =	rddreg [dreg:$0x3]  }
0x1a: {  	[tilespmem:s3], [sflag:$0x3] =	stream.linear.gather [hbm4b:s0+s3], $0x40, $0x38;
	[tilespmem:$0x12200] =	vst v63  }
0x1b: {  	_ =	swait.ge [sflag:s26], $0x40  }
0x1c: {  	[sflag:s26] =	ssyncset.done $0x0  }
0x1d: {  	s24 =	rddreg [dreg:$0x4];
	[sflag:s26] =	ssyncadd.s32 $0xFFFFFFC0  }
0x1e: {  	[tilespmem:s28], [sflag:$0x3] =	stream.linear.gather [hbm4b:s24+s3], $0x40, $0x38;
	[tilespmem:$0x12200] =	vst v63  }
0x1f: {  	_ =	swait.ge [sflag:s26], $0x40  }
0x20: {  	[sflag:s26] =	ssyncset.done $0x0  }
0x21: {  	[sflag:s26] =	ssyncadd.s32 $0xFFFFFFC0  }
0x22: {  	[tilespmem:s30], [sflag:$0x1] =	stream.indirect.gather [hbm4b:s4+s29], $0x80, s3, s29, $0xb8;
	[tilespmem:$0x12200] =	vst v63  }
0x23: {  	_ = 	snop  }
0x24: {  	[tilespmem:s31], [sflag:$0x1] =	stream.indirect.gather [hbm4b:s5+s29], $0x80, s28, s29, $0xb8;
	[tilespmem:$0x12200] =	vst v63  }
0x25: {  	s25 =	simm.s32 $0x4100  }
0x26: {  	[tilespmem:s25], [sflag:$0x1] =	stream.indirect.gather [hbm4b:s6+s29], $0x80, s3, s29, $0xb8;
	[tilespmem:$0x12200] =	vst v63  }
0x27: {  	s2 =	simm.s32 $0x6100  }
0x28: {  	[tilespmem:s2], [sflag:$0x1] =	stream.indirect.gather [hbm4b:s6+s29], $0x80, s28, s29, $0xb8;
	[tilespmem:$0x12200] =	vst v63  }
0x29: {  	s19 =	rddreg [dreg:$0x5]  }
0x2a: {  	[tilespmem:s12], [sflag:$0x3] =	stream.linear.gather [hbm4b:s19+s3], $0x40, $0x38;
	[tilespmem:$0x12200] =	vst v63  }
0x2b: {  	_ =	swait.ge [sflag:s26], $0x40  }
0x2c: {  	[sflag:s26] =	ssyncset.done $0x0  }
0x2d: {  	s20 =	rddreg [dreg:$0x6];
	[sflag:s26] =	ssyncadd.s32 $0xFFFFFFC0  }
0x2e: {  	[tilespmem:s13], [sflag:$0x3] =	stream.linear.gather [hbm4b:s20+s3], $0x40, $0x38;
	[tilespmem:$0x12200] =	vst v63  }
0x2f: {  	_ =	swait.ge [sflag:s26], $0x40  }
0x30: {  	[sflag:s26] =	ssyncset.done $0x0  }
0x31: {  	[sflag:s26] =	ssyncadd.s32 $0xFFFFFFC0  }
0x32: {  	[tilespmem:s14], [sflag:$0x2] =	stream.indirect.gather [hbm4b:s4+s29], $0x80, s12, s29, $0xb8;
	[tilespmem:$0x12200] =	vst v63  }
0x33: {  	_ = 	snop  }
0x34: {  	[tilespmem:s15], [sflag:$0x2] =	stream.indirect.gather [hbm4b:s5+s29], $0x80, s13, s29, $0xb8;
	[tilespmem:$0x12200] =	vst v63  }
0x35: {  	s24 =	simm.s32 $0xC200  }
0x36: {  	[tilespmem:s24], [sflag:$0x2] =	stream.indirect.gather [hbm4b:s6+s29], $0x80, s12, s29, $0xb8;
	[tilespmem:$0x12200] =	vst v63  }
0x37: {  	s25 =	simm.s32 $0xE200  }
0x38: {  	[tilespmem:s25], [sflag:$0x2] =	stream.indirect.gather [hbm4b:s6+s29], $0x80, s13, s29, $0xb8;
	[tilespmem:$0x12200] =	vst v63  }
0x39: {  	s25 =	simm.s32 $0x0  }
.LBB2_2:
0x3a: {  	_ =	swait.ge [sflag:s21], $0x2000  }
0x3b: {  	[sflag:s21] =	ssyncset.done $0x0  }
0x3c: {  	[sflag:s21] =	ssyncadd.s32 $0xFFFFE000  }
0x3d: {  	_ =	swait.ge [sflag:s21], $0x2000  }
0x3e: {  	[sflag:s21] =	ssyncset.done $0x0  }
0x3f: {  	[sflag:s21] =	ssyncadd.s32 $0xFFFFE000  }
0x40: {  	_ =	swait.ge [sflag:s21], $0x2000  }
0x41: {  	[sflag:s21] =	ssyncset.done $0x0  }
0x42: {  	s0 =	sshll.u32 s25, $0xE;
	[sflag:s21] =	ssyncadd.s32 $0xFFFFE000  }
0x43: {  	s0 =	sadd.s32 s11, s0;
	_ =	swait.ge [sflag:s21], $0x2000  }
0x44: {  	s0 =	sshrl.u32 s0, $0x3;
	[sflag:s21] =	ssyncset.done $0x0  }
0x45: {  	s19 =	simm.s32 $0x0;
	s2 =	sadd.s32 s8, s0;
	[sflag:s21] =	ssyncadd.s32 $0xFFFFE000  }
0x46: {  	[hbm4b:s2+s19] =	stream.linear.scatter [tilespmem:s30], [sflag:$0x3], $0x2000, $0x38;
	[tilespmem:$0x12200] =	vst v63  }
0x47: {  	_ =	swait.ge [sflag:s26], $0x2000  }
0x48: {  	[sflag:s26] =	ssyncset.done $0x0  }
0x49: {  	s24 =	sadd.s32 s9, s0;
	[sflag:s26] =	ssyncadd.s32 $0xFFFFE000  }
0x4a: {  	[hbm4b:s24+s19] =	stream.linear.scatter [tilespmem:s31], [sflag:$0x3], $0x2000, $0x38;
	[tilespmem:$0x12200] =	vst v63  }
0x4b: {  	_ =	swait.ge [sflag:s26], $0x2000  }
0x4c: {  	[sflag:s26] =	ssyncset.done $0x0  }
0x4d: {  	s24 =	simm.s32 $0x0;
	[sflag:s26] =	ssyncadd.s32 $0xFFFFE000  }
0x4e: {  	v0 =	vld [tilespmem:s24+$0x6100]  }
0x4f: {  	s2 =	simm.s32 $0x200;
	v1 =	vld [tilespmem:s24+$0x4100]  }
.LBB2_3:
0x50: {  	_ = 	snop  }
0x51: {  	p0 =	sne.s32 s2, $0x7E00  }
.Ltmp0:
0x52: {  	_ = 	snop;
	(pc) =	sbr.rel @p0 .LBB2_3-.Ltmp0, $4  }
0x53: {  	_ = 	snop  }
0x54: {  	s19 =	sshra.s32 s2, $0x2;
	v2 =	vsub.f32 v0, v1  }
0x55: {  	v0 =	vld [tilespmem:s19+$0x6100]  }
0x56: {  	s2 =	sadd.s32 $0x200, s2;
	v1 =	vld [tilespmem:s19+$0x4100];
	[tilespmem:s24+$0x10200] =	vst v2;
	s24 =	smov.u32 s19  }
0x57: {  	_ =	sdelay $0x3  }
0x58: {  	v0 =	vsub.f32 v0, v1;
	_ =	sdelay $0x1  }
0x59: {  	s0 =	sadd.s32 s10, s0;
	s2 =	simm.s32 $0x0;
	[tilespmem:s24+$0x10200] =	vst v0;
	s24 =	sshll.u32 s25, $0x7  }
0x5a: {  	[hbm4b:s0+s2] =	stream.linear.scatter [tilespmem:s22], [sflag:$0x3], $0x2000, $0x38;
	[tilespmem:$0x12200] =	vst v63  }
0x5b: {  	s20 =	sadd.s32 s24, s16;
	_ =	swait.ge [sflag:s26], $0x2000  }
0x5c: {  	s0 =	sshrl.u32 s20, $0x3;
	[sflag:s26] =	ssyncset.done $0x0  }
0x5d: {  	s19 =	sadd.s32 s1, s0;
	[sflag:s26] =	ssyncadd.s32 $0xFFFFE000  }
0x5e: {  	[tilespmem:s2], [sflag:$0x3] =	stream.linear.gather [hbm4b:s19+s2], $0x40, $0x38;
	[tilespmem:$0x12200] =	vst v63  }
0x5f: {  	_ =	swait.ge [sflag:s26], $0x40  }
0x60: {  	[sflag:s26] =	ssyncset.done $0x0  }
0x61: {  	s0 =	sadd.s32 s7, s0;
	[sflag:s26] =	ssyncadd.s32 $0xFFFFFFC0  }
0x62: {  	[tilespmem:s28], [sflag:$0x3] =	stream.linear.gather [hbm4b:s0+s2], $0x40, $0x38;
	[tilespmem:$0x12200] =	vst v63  }
0x63: {  	_ =	swait.ge [sflag:s26], $0x40  }
0x64: {  	[sflag:s26] =	ssyncset.done $0x0  }
0x65: {  	[sflag:s26] =	ssyncadd.s32 $0xFFFFFFC0  }
0x66: {  	[tilespmem:s30], [sflag:$0x1] =	stream.indirect.gather [hbm4b:s4+s29], $0x80, s2, s29, $0xb8;
	[tilespmem:$0x12200] =	vst v63  }
0x67: {  	_ = 	snop  }
0x68: {  	[tilespmem:s31], [sflag:$0x1] =	stream.indirect.gather [hbm4b:s5+s29], $0x80, s28, s29, $0xb8;
	[tilespmem:$0x12200] =	vst v63  }
0x69: {  	s19 =	simm.s32 $0x4100  }
0x6a: {  	[tilespmem:s19], [sflag:$0x1] =	stream.indirect.gather [hbm4b:s6+s29], $0x80, s2, s29, $0xb8;
	[tilespmem:$0x12200] =	vst v63  }
0x6b: {  	s20 =	simm.s32 $0x6100  }
0x6c: {  	[tilespmem:s20], [sflag:$0x1] =	stream.indirect.gather [hbm4b:s6+s29], $0x80, s28, s29, $0xb8;
	[tilespmem:$0x12200] =	vst v63  }
0x6d: {  	_ =	swait.ge [sflag:s23], $0x2000  }
0x6e: {  	[sflag:s23] =	ssyncset.done $0x0  }
0x6f: {  	[sflag:s23] =	ssyncadd.s32 $0xFFFFE000  }
0x70: {  	_ =	swait.ge [sflag:s23], $0x2000  }
0x71: {  	[sflag:s23] =	ssyncset.done $0x0  }
0x72: {  	[sflag:s23] =	ssyncadd.s32 $0xFFFFE000  }
0x73: {  	_ =	swait.ge [sflag:s23], $0x2000  }
0x74: {  	[sflag:s23] =	ssyncset.done $0x0  }
0x75: {  	[sflag:s23] =	ssyncadd.s32 $0xFFFFE000  }
0x76: {  	s19 =	sadd.s32 s24, s17;
	_ =	swait.ge [sflag:s23], $0x2000  }
0x77: {  	s0 =	sshll.u32 s19, $0x4;
	[sflag:s23] =	ssyncset.done $0x0  }
0x78: {  	s20 =	sadd.s32 s8, s0;
	[sflag:s23] =	ssyncadd.s32 $0xFFFFE000  }
0x79: {  	[hbm4b:s20+s2] =	stream.linear.scatter [tilespmem:s14], [sflag:$0x3], $0x2000, $0x38;
	[tilespmem:$0x12200] =	vst v63  }
0x7a: {  	_ =	swait.ge [sflag:s26], $0x2000  }
0x7b: {  	[sflag:s26] =	ssyncset.done $0x0  }
0x7c: {  	s20 =	sadd.s32 s9, s0;
	[sflag:s26] =	ssyncadd.s32 $0xFFFFE000  }
0x7d: {  	[hbm4b:s20+s2] =	stream.linear.scatter [tilespmem:s15], [sflag:$0x3], $0x2000, $0x38;
	[tilespmem:$0x12200] =	vst v63  }
0x7e: {  	_ =	swait.ge [sflag:s26], $0x2000  }
0x7f: {  	[sflag:s26] =	ssyncset.done $0x0  }
0x80: {  	s2 =	simm.s32 $0x0;
	[sflag:s26] =	ssyncadd.s32 $0xFFFFE000  }
0x81: {  	v0 =	vld [tilespmem:s2+$0xE200]  }
0x82: {  	s19 =	simm.s32 $0x200;
	v1 =	vld [tilespmem:s2+$0xC200]  }
.LBB2_5:
0x83: {  	_ = 	snop  }
0x84: {  	p0 =	sne.s32 s19, $0x7E00  }
.Ltmp1:
0x85: {  	_ = 	snop;
	(pc) =	sbr.rel @p0 .LBB2_5-.Ltmp1, $4  }
0x86: {  	_ = 	snop  }
0x87: {  	s20 =	sshra.s32 s19, $0x2;
	v2 =	vsub.f32 v0, v1  }
0x88: {  	v0 =	vld [tilespmem:s20+$0xE200]  }
0x89: {  	s19 =	sadd.s32 $0x200, s19;
	v1 =	vld [tilespmem:s20+$0xC200];
	[tilespmem:s2+$0x10200] =	vst v2;
	s2 =	smov.u32 s20  }
0x8a: {  	_ =	sdelay $0x3  }
0x8b: {  	v0 =	vsub.f32 v0, v1;
	_ =	sdelay $0x1  }
0x8c: {  	s0 =	sadd.s32 s10, s0;
	[tilespmem:s2+$0x10200] =	vst v0  }
0x8d: {  	[hbm4b:s0+s3] =	stream.linear.scatter [tilespmem:s22], [sflag:$0x3], $0x2000, $0x38;
	[tilespmem:$0x12200] =	vst v63  }
0x8e: {  	s2 =	sadd.s32 s24, s18;
	_ =	swait.ge [sflag:s26], $0x2000  }
0x8f: {  	s0 =	sshrl.u32 s2, $0x3;
	[sflag:s26] =	ssyncset.done $0x0  }
0x90: {  	s19 =	sadd.s32 s1, s0;
	[sflag:s26] =	ssyncadd.s32 $0xFFFFE000  }
0x91: {  	[tilespmem:s12], [sflag:$0x3] =	stream.linear.gather [hbm4b:s19+s3], $0x40, $0x38;
	[tilespmem:$0x12200] =	vst v63  }
0x92: {  	_ =	swait.ge [sflag:s26], $0x40  }
0x93: {  	[sflag:s26] =	ssyncset.done $0x0  }
0x94: {  	s0 =	sadd.s32 s7, s0;
	[sflag:s26] =	ssyncadd.s32 $0xFFFFFFC0  }
0x95: {  	[tilespmem:s13], [sflag:$0x3] =	stream.linear.gather [hbm4b:s0+s3], $0x40, $0x38;
	[tilespmem:$0x12200] =	vst v63  }
0x96: {  	_ =	swait.ge [sflag:s26], $0x40  }
0x97: {  	[sflag:s26] =	ssyncset.done $0x0  }
0x98: {  	s25 =	sadd.s32 $0x1, s25;
	[sflag:s26] =	ssyncadd.s32 $0xFFFFFFC0  }
0x99: {  	[tilespmem:s14], [sflag:$0x2] =	stream.indirect.gather [hbm4b:s4+s29], $0x80, s12, s29, $0xb8;
	[tilespmem:$0x12200] =	vst v63  }
0x9a: {  	p0 =	sne.s32 s25, $0x4E  }
0x9b: {  	[tilespmem:s15], [sflag:$0x2] =	stream.indirect.gather [hbm4b:s5+s29], $0x80, s13, s29, $0xb8;
	[tilespmem:$0x12200] =	vst v63  }
.Ltmp2:
0x9c: {  	_ = 	snop;
	(pc) =	sbr.rel @p0 .LBB2_2-.Ltmp2, $4  }
0x9d: {  	s20 =	simm.s32 $0xC200  }
0x9e: {  	[tilespmem:s20], [sflag:$0x2] =	stream.indirect.gather [hbm4b:s6+s29], $0x80, s12, s29, $0xb8;
	[tilespmem:$0x12200] =	vst v63  }
0x9f: {  	s24 =	simm.s32 $0xE200  }
0xa0: {  	[tilespmem:s24], [sflag:$0x2] =	stream.indirect.gather [hbm4b:s6+s29], $0x80, s13, s29, $0xb8;
	[tilespmem:$0x12200] =	vst v63  }
0xa1: {  	_ =	swait.ge [sflag:s21], $0x2000  }
0xa2: {  	[sflag:s21] =	ssyncset.done $0x0  }
0xa3: {  	[sflag:s21] =	ssyncadd.s32 $0xFFFFE000  }
0xa4: {  	_ =	swait.ge [sflag:s21], $0x2000  }
0xa5: {  	[sflag:s21] =	ssyncset.done $0x0  }
0xa6: {  	[sflag:s21] =	ssyncadd.s32 $0xFFFFE000  }
0xa7: {  	_ =	swait.ge [sflag:s21], $0x2000  }
0xa8: {  	[sflag:s21] =	ssyncset.done $0x0  }
0xa9: {  	[sflag:s21] =	ssyncadd.s32 $0xFFFFE000  }
0xaa: {  	_ =	swait.ge [sflag:s21], $0x2000  }
0xab: {  	[sflag:s21] =	ssyncset.done $0x0  }
0xac: {  	s0 =	simm.s32 $0x0;
	s2 =	rddreg [dreg:$0x7];
	[sflag:s21] =	ssyncadd.s32 $0xFFFFE000  }
0xad: {  	[hbm4b:s2+s0] =	stream.linear.scatter [tilespmem:s30], [sflag:$0x3], $0x2000, $0x38;
	[tilespmem:$0x12200] =	vst v63  }
0xae: {  	_ =	swait.ge [sflag:s26], $0x2000  }
0xaf: {  	[sflag:s26] =	ssyncset.done $0x0  }
0xb0: {  	s25 =	rddreg [dreg:$0x8];
	[sflag:s26] =	ssyncadd.s32 $0xFFFFE000  }
0xb1: {  	[hbm4b:s25+s0] =	stream.linear.scatter [tilespmem:s31], [sflag:$0x3], $0x2000, $0x38;
	[tilespmem:$0x12200] =	vst v63  }
0xb2: {  	_ =	swait.ge [sflag:s26], $0x2000  }
0xb3: {  	[sflag:s26] =	ssyncset.done $0x0  }
0xb4: {  	s0 =	simm.s32 $0x0;
	[sflag:s26] =	ssyncadd.s32 $0xFFFFE000  }
0xb5: {  	v0 =	vld [tilespmem:s0+$0x6100]  }
0xb6: {  	s2 =	simm.s32 $0x200;
	v1 =	vld [tilespmem:s0+$0x4100]  }
.LBB2_8:
0xb7: {  	_ = 	snop  }
0xb8: {  	p0 =	sne.s32 s2, $0x7E00  }
.Ltmp3:
0xb9: {  	_ = 	snop;
	(pc) =	sbr.rel @p0 .LBB2_8-.Ltmp3, $4  }
0xba: {  	_ = 	snop  }
0xbb: {  	s19 =	sshra.s32 s2, $0x2;
	v2 =	vsub.f32 v0, v1  }
0xbc: {  	v0 =	vld [tilespmem:s19+$0x6100]  }
0xbd: {  	s2 =	sadd.s32 $0x200, s2;
	v1 =	vld [tilespmem:s19+$0x4100];
	[tilespmem:s0+$0x10200] =	vst v2;
	s0 =	smov.u32 s19  }
0xbe: {  	_ =	sdelay $0x3  }
0xbf: {  	v0 =	vsub.f32 v0, v1;
	_ =	sdelay $0x1  }
0xc0: {  	s20 =	simm.s32 $0x0;
	s2 =	rddreg [dreg:$0x9];
	[tilespmem:s0+$0x10200] =	vst v0  }
0xc1: {  	[hbm4b:s2+s20] =	stream.linear.scatter [tilespmem:s22], [sflag:$0x3], $0x2000, $0x38;
	[tilespmem:$0x12200] =	vst v63  }
0xc2: {  	_ =	swait.ge [sflag:s26], $0x2000  }
0xc3: {  	[sflag:s26] =	ssyncset.done $0x0  }
0xc4: {  	[sflag:s26] =	ssyncadd.s32 $0xFFFFE000  }
0xc5: {  	_ =	swait.ge [sflag:s23], $0x2000  }
0xc6: {  	[sflag:s23] =	ssyncset.done $0x0  }
0xc7: {  	[sflag:s23] =	ssyncadd.s32 $0xFFFFE000  }
0xc8: {  	_ =	swait.ge [sflag:s23], $0x2000  }
0xc9: {  	[sflag:s23] =	ssyncset.done $0x0  }
0xca: {  	[sflag:s23] =	ssyncadd.s32 $0xFFFFE000  }
0xcb: {  	_ =	swait.ge [sflag:s23], $0x2000  }
0xcc: {  	[sflag:s23] =	ssyncset.done $0x0  }
0xcd: {  	[sflag:s23] =	ssyncadd.s32 $0xFFFFE000  }
0xce: {  	_ =	swait.ge [sflag:s23], $0x2000  }
0xcf: {  	[sflag:s23] =	ssyncset.done $0x0  }
0xd0: {  	s24 =	rddreg [dreg:$0xa];
	[sflag:s23] =	ssyncadd.s32 $0xFFFFE000  }
0xd1: {  	[hbm4b:s24+s20] =	stream.linear.scatter [tilespmem:s14], [sflag:$0x3], $0x2000, $0x38;
	[tilespmem:$0x12200] =	vst v63  }
0xd2: {  	_ =	swait.ge [sflag:s26], $0x2000  }
0xd3: {  	[sflag:s26] =	ssyncset.done $0x0  }
0xd4: {  	s25 =	rddreg [dreg:$0xb];
	[sflag:s26] =	ssyncadd.s32 $0xFFFFE000  }
0xd5: {  	[hbm4b:s25+s20] =	stream.linear.scatter [tilespmem:s15], [sflag:$0x3], $0x2000, $0x38;
	[tilespmem:$0x12200] =	vst v63  }
0xd6: {  	_ =	swait.ge [sflag:s26], $0x2000  }
0xd7: {  	[sflag:s26] =	ssyncset.done $0x0  }
0xd8: {  	s0 =	simm.s32 $0x0;
	[sflag:s26] =	ssyncadd.s32 $0xFFFFE000  }
0xd9: {  	v0 =	vld [tilespmem:s0+$0xE200]  }
0xda: {  	s2 =	simm.s32 $0x200;
	v1 =	vld [tilespmem:s0+$0xC200]  }
.LBB2_10:
0xdb: {  	_ = 	snop  }
0xdc: {  	p0 =	sne.s32 s2, $0x7E00  }
.Ltmp4:
0xdd: {  	_ = 	snop;
	(pc) =	sbr.rel @p0 .LBB2_10-.Ltmp4, $4  }
0xde: {  	_ = 	snop  }
0xdf: {  	s19 =	sshra.s32 s2, $0x2;
	v2 =	vsub.f32 v0, v1  }
0xe0: {  	v0 =	vld [tilespmem:s19+$0xE200]  }
0xe1: {  	s2 =	sadd.s32 $0x200, s2;
	v1 =	vld [tilespmem:s19+$0xC200];
	[tilespmem:s0+$0x10200] =	vst v2;
	s0 =	smov.u32 s19  }
0xe2: {  	_ =	sdelay $0x3  }
0xe3: {  	v0 =	vsub.f32 v0, v1;
	_ =	sdelay $0x1  }
0xe4: {  	s24 =	rddreg [dreg:$0xc];
	[tilespmem:s0+$0x10200] =	vst v0  }
0xe5: {  	[hbm4b:s24+s3] =	stream.linear.scatter [tilespmem:s22], [sflag:$0x3], $0x2000, $0x38;
	[tilespmem:$0x12200] =	vst v63  }
0xe6: {  	_ =	swait.ge [sflag:s26], $0x2000  }
0xe7: {  	s2 =	rddreg [dreg:$0xe]  }
0xe8: {  	s25 =	rddreg [dreg:$0xd];
	s2 =	sadd.s32 $0x1, s2  }
0xe9: {  	p0 =	sne.s32 s2, s25  }
.Ltmp5:
0xea: {  	_ = 	snop;
	(pc) =	sbr.rel @p0 .LBB2_1-.Ltmp5, $3  }
0xeb: {  	_ =	sdelay $0x1  }
0xec: {  	[sflag:s26] =	ssyncset.done $0x0  }
0xed: {  	[sflag:s26] =	ssyncadd.s32 $0xFFFFE000  }
0xee: {  	_ =	sfence.sel $0x180000  }
0xef: {  	[bflag:$0x0] =	sbarrier.arrive $0xFFFF  }
0xf0: {  	_ =	strace $0x90000047  }
0xf1: {  	s0 =	stileid.u32;
	[bflag:$0x2] =	sbarrier.arrive $0xFFFF  }
0xf2: {  	p0 =	sne.s32 s0, $0x0;
	s0 =	rddreg [dreg:$0x2]  }
0xf3: {  	s0 =	sadd.s32 @!p0 $0x100000, s0  }
0xf4: {  	[sflag:s0] =	ssyncadd.tile.s32 @!p0 $0x1;
	_ =	shalt  }
.Lfunc_end2:
_tile_overlayer_lowered:
.L_overlay_start_2:
0xf5: {  	(tag) =	ssettag $0x2  }
0xf6: {  	s0 =	rddreg [dreg:$0x0];
	s2 =	stileid.u32  }
0xf7: {  	s1 =	rddreg [dreg:$0x1];
	p0 =	sne.s32 s2, $0x0  }
0xf8: {  	s3 =	rddreg [dreg:$0x2];
	[bflag:$0x3] =	sbarrier.arrive $0xFFFF;
	s2 =	simm.s32 @!p0 $0x1C03  }
0xf9: {  	[timem:s3], [sflag:s2] =	dma.local @!p0 [hbm:s0], s1  }
0xfa: {  	s0 =	simm.s32 @!p0 $0x3  }
0xfb: {  	_ =	swait.ge @!p0 [sflag:s0], s1  }
0xfc: {  	s1 =	ssub.s32 @!p0 $0x0, s1;
	[sflag:s0] =	ssyncset.done @!p0 $0x0  }
0xfd: {  	[sflag:s0] =	ssyncadd.s32 @!p0 s1  }
0xfe: {  	[bflag:$0x3] =	sbarrier.arrive $0xFFFF  }
0xff: {  	_ =	shalt  }

// kernel: kernel.15.cloned.1.call-start
scs
__scs_entry_jumppad:
0x0: {  	(pc) =	sbr.rel $0x88, $3  }
0x1: {  	(tag) =	ssettag $0x0;
	lr =	simm.s32 $0x1  }
0x2: {  	[smem:$0x3F8A] =	sst lr;
	_ =	strace $0xD0000000  }
0x3: {  	_ = 	snop  }
0x4: {  	_ = 	snop  }
0x5: {  	_ = 	snop  }
0x6: {  	_ = 	snop  }
0x7: {  	_ = 	snop  }
__scs_overlays_trampoline_lowered:
0x8: {  	[smem:$0x3F99] =	sst s0  }
0x9: {  	[smem:$0x3F9A] =	sst s1  }
0xa: {  	[smem:$0x3F9B] =	sst s2  }
0xb: {  	[smem:$0x3F9C] =	sst s3  }
0xc: {  	[smem:$0x3F9D] =	sst s4  }
0xd: {  	[smem:$0x3F9E] =	sst s5  }
0xe: {  	[smem:$0x3F9F] =	sst s6  }
0xf: {  	[smem:$0x3FA0] =	sst s7  }
0x10: {  	[smem:$0x3FA1] =	sst s8  }
0x11: {  	[smem:$0x3FA2] =	sst s9;
	s0 =	simm.s32 @!p0 $0x0  }
0x12: {  	s1 =	sld [smem:$0x3F88];
	s0 =	simm.s32 @p0 $0x1  }
0x13: {  	[smem:$0x3FA3] =	sst s0;
	s0 =	simm.s32 @!p1 $0x0  }
0x14: {  	s2 =	sld [smem:$0x3F87];
	s0 =	simm.s32 @p1 $0x1  }
0x15: {  	[smem:$0x3FA4] =	sst s0;
	s0 =	simm.s32 @!p2 $0x0  }
0x16: {  	s3 =	sld [smem:$0x3FDB];
	s0 =	simm.s32 @p2 $0x1  }
0x17: {  	s4 =	simm.s32 $0x1BF5;
	[smem:$0x3FA6] =	sst s0  }
0x18: {  	s0 =	sld [smem:$0x3F89];
	_ =	swait.ge [sflag:s4], $0x0  }
0x19: {  	s7 =	sld [smem:$0x3F8A]  }
0x1a: {  	s8 =	sadd.s32 $0xFFFFE003, lr  }
0x1b: {  	s9 =	sadd.s32 $0xFFFFFEF7, lr;
	s5 =	simm.s32 $0xFFFFFFFF;
	p2 =	slt.u32 s8, $0xFFFFF086  }
0x1c: {  	p1 =	slt.u32 s9, $0xF7A;
	s5 =	simm.s32 @!p2 $0x0  }
0x1d: {  	s5 =	simm.s32 @p1 $0x1;
	p0 =	seq.s32 s7, s2  }
0x1e: {  	s7 =	smul.u32 @!p0 $0xF7A, s2;
	p2 =	seq.s32 @!p0 s5, $0x0  }
0x1f: {  	s9 =	smul.u32 $0xF7A, s1;
	s8 =	simm.s32 @!p0 $0x1BF5;
	p2 =	por !p2, p0  }
0x20: {  	[sflag:s8] =	ssyncset.s32 @!p0 $0xFFFFF086;
	s6 =	sadd.s32 @!p0 s3, s7;
	s7 =	simm.s32 @!p0 $0x108  }
0x21: {  	s3 =	sadd.s32 s3, s9;
	s6 =	sadd.s32 @!p0 $0x88, s6;
	s7 =	simm.s32 @p2 $0x1082  }
0x22: {  	[simem:s7], [sflag:s8] =	dma.local @!p0 [hbm:s6], $0xF7A  }
0x23: {  	s9 =	sor.u32 $0xD0000000, s2;
	s6 =	simm.s32 $0x108;
	_ =	swait.ge @!p0 [sflag:s8], $0x0  }
0x24: {  	s3 =	sadd.s32 $0x88, s3;
	s6 =	simm.s32 @!p1 $0x1082;
	[sflag:s4] =	ssyncset.s32 $0xFFFFF086  }
0x25: {  	[simem:s6], [sflag:s4] =	dma.local [hbm:s3], $0xF7A  }
0x26: {  	[smem:$0x3F8A] =	sst s1;
	(tag) =	ssettag s2;
	_ =	strace s9  }
0x27: {  	s1 =	sld [smem:$0x3F9A]  }
0x28: {  	s2 =	sld [smem:$0x3F9B]  }
0x29: {  	s4 =	sld [smem:$0x3F9D]  }
0x2a: {  	p0 =	seq.s32 s5, $0x0;
	s5 =	sld [smem:$0x3F9E]  }
0x2b: {  	s6 =	sld [smem:$0x3F9F]  }
0x2c: {  	s7 =	sld [smem:$0x3FA0]  }
0x2d: {  	s3 =	simm.s32 $0x108;
	s8 =	sld [smem:$0x3FA1]  }
0x2e: {  	s3 =	simm.s32 @!p0 $0x1082;
	s9 =	sld [smem:$0x3FA2]  }
0x2f: {  	lr =	sadd.s32 s0, s3;
	s0 =	sld [smem:$0x3F99]  }
0x30: {  	s3 =	sld [smem:$0x3F9C]  }
0x31: {  	[smem:$0x3FA5] =	sst s10  }
0x32: {  	s10 =	sld [smem:$0x3FA3];
	_ =	sdelay $0x3  }
0x33: {  	p0 =	seq.s32 s10, $0x1;
	s10 =	sld [smem:$0x3FA5];
	_ =	sdelay $0x3  }
0x34: {  	[smem:$0x3FA5] =	sst s10  }
0x35: {  	s10 =	sld [smem:$0x3FA4];
	_ =	sdelay $0x3  }
0x36: {  	p1 =	seq.s32 s10, $0x1;
	s10 =	sld [smem:$0x3FA5];
	_ =	sdelay $0x3  }
0x37: {  	[smem:$0x3FA5] =	sst s10  }
0x38: {  	s10 =	sld [smem:$0x3FA6]  }
0x39: {  	_ = 	snop;
	(pc) =	sbr.ind lr, $3  }
0x3a: {  	_ = 	snop  }
0x3b: {  	_ = 	snop  }
0x3c: {  	p2 =	seq.s32 s10, $0x1;
	s10 =	sld [smem:$0x3FA5]  }
0x3d: {  	_ =	shalt  }
0x3e: {  	_ =	shalt  }
0x3f: {  	_ =	shalt  }
0x40: {  	_ =	shalt  }
0x41: {  	_ =	shalt  }
0x42: {  	_ =	shalt  }
0x43: {  	_ =	shalt  }
0x44: {  	_ =	shalt  }
0x45: {  	_ =	shalt  }
0x46: {  	_ =	shalt  }
0x47: {  	_ =	shalt  }
0x48: {  	_ =	shalt  }
0x49: {  	_ =	shalt  }
0x4a: {  	_ =	shalt  }
0x4b: {  	_ =	shalt  }
0x4c: {  	_ =	shalt  }
0x4d: {  	_ =	shalt  }
0x4e: {  	_ =	shalt  }
0x4f: {  	_ =	shalt  }
0x50: {  	_ =	shalt  }
0x51: {  	_ =	shalt  }
0x52: {  	_ =	shalt  }
0x53: {  	_ =	shalt  }
0x54: {  	_ =	shalt  }
0x55: {  	_ =	shalt  }
0x56: {  	_ =	shalt  }
0x57: {  	_ =	shalt  }
0x58: {  	_ =	shalt  }
0x59: {  	_ =	shalt  }
0x5a: {  	_ =	shalt  }
0x5b: {  	_ =	shalt  }
0x5c: {  	_ =	shalt  }
0x5d: {  	_ =	shalt  }
0x5e: {  	_ =	shalt  }
0x5f: {  	_ =	shalt  }
0x60: {  	_ =	shalt  }
0x61: {  	_ =	shalt  }
0x62: {  	_ =	shalt  }
0x63: {  	_ =	shalt  }
0x64: {  	_ =	shalt  }
0x65: {  	_ =	shalt  }
0x66: {  	_ =	shalt  }
0x67: {  	_ =	shalt  }
0x68: {  	_ =	shalt  }
0x69: {  	_ =	shalt  }
0x6a: {  	_ =	shalt  }
0x6b: {  	_ =	shalt  }
0x6c: {  	_ =	shalt  }
0x6d: {  	_ =	shalt  }
0x6e: {  	_ =	shalt  }
0x6f: {  	_ =	shalt  }
0x70: {  	_ =	shalt  }
0x71: {  	_ =	shalt  }
0x72: {  	_ =	shalt  }
0x73: {  	_ =	shalt  }
0x74: {  	_ =	shalt  }
0x75: {  	_ =	shalt  }
0x76: {  	_ =	shalt  }
0x77: {  	_ =	shalt  }
0x78: {  	_ =	shalt  }
0x79: {  	_ =	shalt  }
0x7a: {  	_ =	shalt  }
0x7b: {  	_ =	shalt  }
0x7c: {  	_ =	shalt  }
0x7d: {  	_ =	shalt  }
0x7e: {  	_ =	shalt  }
0x7f: {  	_ =	shalt  }
0x80: {  	_ =	shalt  }
0x81: {  	_ =	shalt  }
0x82: {  	_ =	shalt  }
0x83: {  	_ =	shalt  }
0x84: {  	_ =	shalt  }
0x85: {  	_ =	shalt  }
0x86: {  	_ =	shalt  }
0x87: {  	_ =	shalt  }
.Lfunc_end0:
.L_simem_size_0:
called_computation.2_lowered:
.L_overlay_start_0:
0x88: {  	s2 =	sld [smem:$0x3FD9]  }
0x89: {  	s3 =	sld [smem:$0x3FFE];
	_ =	sdelay $0x1  }
0x8a: {  	s1 =	srdreg.scid  }
0x8b: {  	s0 =	sand.u32 $0x1, s1  }
0x8c: {  	s17 =	sshll.u32 s0, $0xA;
	s2 =	sadd.s32 s3, s2  }
0x8d: {  	s2 =	sadd.s32 s2, s17  }
0x8e: {  	[smem:$0x3FB1] =	sst s2  }
0x8f: {  	_ = 	snop  }
0x90: {  	s18 =	sld [smem:$0x3FD0];
	(tm) =	ssettm $0x1  }
0x91: {  	s19 =	sld [smem:$0x3FFB];
	_ =	sdelay $0x3  }
0x92: {  	_ =	strace s19  }
0x93: {  	s2 =	sld [smem:$0x3FFC];
	_ =	sdelay $0x3  }
0x94: {  	_ =	strace s2  }
0x95: {  	s2 =	sld [smem:$0x3FFD];
	_ =	sdelay $0x3  }
0x96: {  	_ =	strace s2  }
0x97: {  	_ =	strace $0x8FFFFFFF  }
0x98: {  	s20 =	sld [smem:$0x3FDB];
	_ =	sdelay $0x1  }
0x99: {  	s4 =	simm.s32 $_scs_section_size  }
0x9a: {  	s5 =	simm.s32 $_size__tile_overlayer_lowered;
	s6 =	simm.s32 $_tile_overlayer_lowered  }
0x9b: {  	s7 =	simm.s32 $0x1BFF;
	s21 =	sshll.u32 s6, $0x1;
	s4 =	sadd.s32 s4, s20  }
0x9c: {  	s22 =	simm.s32 $0x0;
	s5 =	sshll.u32 s5, $0x1;
	s6 =	sadd.s32 s21, s4  }
0x9d: {  	[timem:s22], [sflag:s7] =	dma.local [hbm:s6], s5  }
0x9e: {  	_ =	swait.ge [sflag:s7], s5  }
0x9f: {  	s5 =	ssub.s32 $0x0, s5;
	[sflag:s7] =	ssyncset.done $0x0  }
0xa0: {  	[sflag:s7] =	ssyncadd.s32 s5;
	_ =	sdelay $0x1  }
0xa1: {  	s23 =	simm.s32 $0x1B8B  }
0xa2: {  	_ =	swait.ge [sflag:s23], $0x1  }
0xa3: {  	[sflag:s23] =	ssyncset.done $0x0  }
0xa4: {  	[sflag:s23] =	ssyncadd.s32 $0xFFFFFFFF  }
0xa5: {  	s5 =	sld [smem:$0x0]  }
0xa6: {  	s6 =	sand.u32 $0xFFFFFFFE, s1  }
0xa7: {  	p0 =	sne.s32 s1, s6  }
0xa8: {  	s6 =	sshll.u32 @p0 s6, $0xE  }
0xa9: {  	s6 =	sadd.s32 @p0 $0x11B8D, s6;
	s7 =	sshll.u32 @p0 s5, $0x11  }
0xaa: {  	s6 =	sor.u32 @p0 s7, s6  }
0xab: {  	[sflag:s6] =	ssyncadd.remote.s32 @p0 $0x1;
	_ =	sdelay $0x1  }
0xac: {  	s6 =	simm.s32 @p0 $0x1B8D  }
0xad: {  	_ =	swait.eq @p0 [sflag:s6], $0x1  }
0xae: {  	[sflag:s6] =	ssyncadd.s32 @p0 $0xFFFFFFFF  }
0xaf: {  	s7 =	sshll.u32 @!p0 s1, $0xE  }
0xb0: {  	s7 =	sor.u32 @!p0 $0x4000, s7;
	s6 =	simm.s32 @!p0 $0x1B8D  }
0xb1: {  	s5 =	sshll.u32 @!p0 s5, $0x11;
	s7 =	sadd.s32 @!p0 $0x11B8D, s7;
	_ =	swait.eq @!p0 [sflag:s6], $0x1  }
0xb2: {  	s5 =	sor.u32 @!p0 s5, s7;
	[sflag:s6] =	ssyncadd.s32 @!p0 $0xFFFFFFFF  }
0xb3: {  	s25 =	simm.s32 $0x1B8E;
	s24 =	sld [smem:$0x3FFE];
	[sflag:s5] =	ssyncadd.remote.s32 @!p0 $0x1  }
0xb4: {  	s26 =	simm.s32 $execute0_lowered;
	[smem:$0x3FD2] =	sst s25  }
0xb5: {  	s6 =	sshll.u32 s26, $0x1;
	_ =	strace $0x8000004C;
	[dreg:$0x1] =	wrdreg $0xFFFFFFFF  }
0xb6: {  	s28 =	simm.s32 $_size_execute0_lowered;
	s4 =	sadd.s32 s4, s6;
	[dreg:$0x0] =	wrdreg $0x0  }
0xb7: {  	s6 =	sshll.u32 s28, $0x1;
	[dreg:$0x2] =	wrdreg s4  }
0xb8: {  	[dreg:$0x3] =	wrdreg s6  }
0xb9: {  	[dreg:$0x4] =	wrdreg $0xC0  }
0xba: {  	_ =	task [dreg:s22], $0x5FFFF  }
0xbb: {  	[dreg:$0x1] =	wrdreg $0xFFFFFFFF  }
0xbc: {  	[dreg:$0x0] =	wrdreg $0x60  }
0xbd: {  	[dreg:$0x2] =	wrdreg s24  }
0xbe: {  	[dreg:$0x3] =	wrdreg s18  }
0xbf: {  	[dreg:$0x4] =	wrdreg $0x61000  }
0xc0: {  	[dreg:$0x5] =	wrdreg $0xA  }
0xc1: {  	_ =	task.clear_ibuf [dreg:s22], $0x6FFFF;
	_ =	strace $0x9000004C  }
0xc2: {  	s29 =	simm.s32 $0xA;
	_ =	strace $0x8000004E  }
0xc3: {  	_ =	swait.ge [sflag:s29], $0x1  }
0xc4: {  	[sflag:s29] =	ssyncadd.s32 $0xFFFFFFFF  }
0xc5: {  	_ =	strace $0x9000004E  }
0xc6: {  	_ =	sfence  }
0xc7: {  	s30 =	sld [smem:$0x0];
	_ =	sdelay $0x2  }
0xc8: {  	s31 =	sshll.u32 s1, $0xD;
	s1 =	sshrl.u32 s1, $0x2  }
0xc9: {  	s4 =	sand.u32 $0x4000, s31;
	s1 =	sadd.s32 s1, s30  }
0xca: {  	s0 =	sor.u32 s4, s0;
	s1 =	sshll.u32 s1, $0x11  }
0xcb: {  	s0 =	sor.u32 s1, s0  }
0xcc: {  	s0 =	sadd.s32 $0x8F2B, s0  }
0xcd: {  	[sflag:s0] =	ssyncadd.remote.s32 $0x1  }
0xce: {  	_ =	sfence.sel $0xFFFF  }
0xcf: {  	[dreg:$0x0] =	wrdreg $0xFFFFFFFF;
	(pc) =	sbr.abs _section_cstart, $3  }
0xd0: {  	[dreg:$0x1] =	wrdreg $0xFFFFFFFF  }
0xd1: {  	_ =	task.clear_ibuf [dreg:s22], $0x2FFFF;
	_ =	strace $0x9FFFFFFF  }
0xd2: {  	(tm) =	ssettm $0x7FFFFFFF  }
0xd3: {  	_ =	shalt  }
tec
execute0_lowered:
.L_overlay_start_1:
0x0: {  	(tag) =	ssettag $0x1  }
0x1: {  	s0 =	rddreg [dreg:$0x0]  }
0x2: {  	s2 =	rddreg [dreg:$0x1]  }
0x3: {  	s3 =	rddreg [dreg:$0x2]  }
0x4: {  	s1 =	srdreg.scid;
	s12 =	stileid.u32;
	s4 =	simm.s32 $0x0  }
0x5: {  	s28 =	simm.s32 $0x80;
	s29 =	simm.s32 $0x2080;
	s11 =	smul.u32 $0x50000, s12  }
0x6: {  	s30 =	simm.s32 $0x2100;
	s31 =	simm.s32 $0x1;
	s21 =	smul.u32 $0x4F000, s12  }
0x7: {  	s1 =	sand.u32 $0x1, s1;
	s5 =	sshll.u32 s12, $0x1;
	s23 =	smul.u32 $0x4F00, s12  }
0x8: {  	s9 =	sadd.s32 $0xFF7600, s0;
	s6 =	smul.u32 $0x28000, s1;
	s5 =	sor.u32 s1, s5  }
0x9: {  	[smem:$0x7FF] =	sst s4;
	s13 =	sadd.s32 $0xFA7200, s0;
	s8 =	smul.u32 $0x2780, s5  }
0xa: {  	_ =	strace $0x8000004D;
	s7 =	ssub.s32 $0x2, s1;
	s5 =	smul.u32 $0x27800, s5  }
0xb: {  	s10 =	sshrl.u32 s7, $0x1;
	s24 =	sshrl.u32 s11, $0x2;
	s11 =	smul.u32 $0x2800, s12  }
0xc: {  	s0 =	sadd.s32 s6, s0;
	s6 =	sadd.s32 s24, s3;
	s24 =	smul.u32 $0x2780, s1  }
0xd: {  	[dreg:$0x4] =	wrdreg s13;
	s7 =	ssub.s32 s7, s10;
	s1 =	smul.u32 $0x27800, s1  }
0xe: {  	s25 =	sshrl.u32 s8, $0x3;
	s8 =	sor.u32 $0x40, s8;
	s5 =	sadd.s32 s9, s5  }
0xf: {  	s0 =	sadd.s32 $0x2D000, s0;
	s7 =	smax.u32 s7, $0x1;
	s22 =	sadd.s32 $0x2000, s6  }
0x10: {  	s13 =	sadd.s32 $0x4000, s6;
	s14 =	sadd.s32 $0x6000, s6;
	s15 =	sadd.s32 $0x8000, s6  }
0x11: {  	s16 =	sadd.s32 $0xA000, s6;
	s17 =	sadd.s32 $0xC000, s6;
	s18 =	sadd.s32 $0xE000, s6  }
0x12: {  	s19 =	sadd.s32 $0x10000, s6;
	s20 =	sadd.s32 $0x12000, s6;
	[dreg:$0x6] =	wrdreg s5  }
0x13: {  	s10 =	sadd.s32 s2, s25;
	s26 =	sshrl.u32 s8, $0x3;
	[dreg:$0x9] =	wrdreg s7  }
0x14: {  	s8 =	sshll.u32 s8, $0x4;
	[dreg:$0xa] =	wrdreg s22;
	s7 =	sadd.s32 s21, s9  }
0x15: {  	[dreg:$0x5] =	wrdreg s10;
	s5 =	sadd.s32 s2, s26;
	s10 =	sadd.s32 s9, s8  }
0x16: {  	s8 =	sadd.s32 s24, s23;
	s1 =	sadd.s32 s1, s7;
	[dreg:$0x7] =	wrdreg s5  }
0x17: {  	s24 =	sadd.s32 s11, s0;
	s0 =	simm.s32 $0x40;
	[dreg:$0x8] =	wrdreg s10  }
0x18: {  	s25 =	sadd.s32 $0xC0, s8;
	s10 =	sadd.s32 $0xC00, s1;
	s23 =	sadd.s32 $0x80, s8  }
0x19: {  	s1 =	simm.s32 $0x2;
	s5 =	simm.s32 $0x0;
	s26 =	sshrl.u32 s25, $0x3  }
0x1a: {  	s25 =	simm.s32 $0x4100;
	s22 =	sadd.s32 s26, s2;
	s26 =	simm.s32 $0x3  }
.LBB2_1:
0x1b: {  	s7 =	rddreg [dreg:$0x4]  }
0x1c: {  	[tilespmem:s25], [sflag:$0x3] =	stream.linear.gather [hbm4b:s7+s4], $0x2000, $0x38;
	[tilespmem:$0x1A100] =	vst v63  }
0x1d: {  	_ =	swait.ge [sflag:s26], $0x2000  }
0x1e: {  	[sflag:s26] =	ssyncset.done $0x0  }
0x1f: {  	[sflag:s26] =	ssyncadd.s32 $0xFFFFE000  }
0x20: {  	[spmem:s6] =	stream.linear.scatter [tilespmem:s25], [sflag:$0x3], $0x2000, $0x38;
	[tilespmem:$0x1A100] =	vst v63  }
0x21: {  	_ =	swait.ge [sflag:s26], $0x2000  }
0x22: {  	[sflag:s26] =	ssyncset.done $0x0  }
0x23: {  	s11 =	rddreg [dreg:$0xa];
	[sflag:s26] =	ssyncadd.s32 $0xFFFFE000  }
0x24: {  	[spmem:s11] =	stream.linear.scatter [tilespmem:s25], [sflag:$0x3], $0x2000, $0x38;
	[tilespmem:$0x1A100] =	vst v63  }
0x25: {  	_ =	swait.ge [sflag:s26], $0x2000  }
0x26: {  	[sflag:s26] =	ssyncset.done $0x0  }
0x27: {  	[sflag:s26] =	ssyncadd.s32 $0xFFFFE000  }
0x28: {  	[spmem:s13] =	stream.linear.scatter [tilespmem:s25], [sflag:$0x3], $0x2000, $0x38;
	[tilespmem:$0x1A100] =	vst v63  }
0x29: {  	_ =	swait.ge [sflag:s26], $0x2000  }
0x2a: {  	[sflag:s26] =	ssyncset.done $0x0  }
0x2b: {  	[sflag:s26] =	ssyncadd.s32 $0xFFFFE000  }
0x2c: {  	[spmem:s14] =	stream.linear.scatter [tilespmem:s25], [sflag:$0x3], $0x2000, $0x38;
	[tilespmem:$0x1A100] =	vst v63  }
0x2d: {  	_ =	swait.ge [sflag:s26], $0x2000  }
0x2e: {  	[sflag:s26] =	ssyncset.done $0x0  }
0x2f: {  	[sflag:s26] =	ssyncadd.s32 $0xFFFFE000  }
0x30: {  	[spmem:s15] =	stream.linear.scatter [tilespmem:s25], [sflag:$0x3], $0x2000, $0x38;
	[tilespmem:$0x1A100] =	vst v63  }
0x31: {  	_ =	swait.ge [sflag:s26], $0x2000  }
0x32: {  	[sflag:s26] =	ssyncset.done $0x0  }
0x33: {  	[sflag:s26] =	ssyncadd.s32 $0xFFFFE000  }
0x34: {  	[spmem:s16] =	stream.linear.scatter [tilespmem:s25], [sflag:$0x3], $0x2000, $0x38;
	[tilespmem:$0x1A100] =	vst v63  }
0x35: {  	_ =	swait.ge [sflag:s26], $0x2000  }
0x36: {  	[sflag:s26] =	ssyncset.done $0x0  }
0x37: {  	[sflag:s26] =	ssyncadd.s32 $0xFFFFE000  }
0x38: {  	[spmem:s17] =	stream.linear.scatter [tilespmem:s25], [sflag:$0x3], $0x2000, $0x38;
	[tilespmem:$0x1A100] =	vst v63  }
0x39: {  	_ =	swait.ge [sflag:s26], $0x2000  }
0x3a: {  	[sflag:s26] =	ssyncset.done $0x0  }
0x3b: {  	[sflag:s26] =	ssyncadd.s32 $0xFFFFE000  }
0x3c: {  	[spmem:s18] =	stream.linear.scatter [tilespmem:s25], [sflag:$0x3], $0x2000, $0x38;
	[tilespmem:$0x1A100] =	vst v63  }
0x3d: {  	_ =	swait.ge [sflag:s26], $0x2000  }
0x3e: {  	[sflag:s26] =	ssyncset.done $0x0  }
0x3f: {  	[sflag:s26] =	ssyncadd.s32 $0xFFFFE000  }
0x40: {  	[spmem:s19] =	stream.linear.scatter [tilespmem:s25], [sflag:$0x3], $0x2000, $0x38;
	[tilespmem:$0x1A100] =	vst v63  }
0x41: {  	_ =	swait.ge [sflag:s26], $0x2000  }
0x42: {  	[sflag:s26] =	ssyncset.done $0x0  }
0x43: {  	[sflag:s26] =	ssyncadd.s32 $0xFFFFE000  }
0x44: {  	[spmem:s20] =	stream.linear.scatter [tilespmem:s25], [sflag:$0x3], $0x2000, $0x38;
	[tilespmem:$0x1A100] =	vst v63  }
0x45: {  	_ =	swait.ge [sflag:s26], $0x2000  }
0x46: {  	[sflag:s26] =	ssyncset.done $0x0  }
0x47: {  	[sflag:s26] =	ssyncadd.s32 $0xFFFFE000  }
0x48: {  	[bflag:$0x0] =	sbarrier.arrive $0xFFFF  }
0x49: {  	s12 =	rddreg [dreg:$0x5]  }
0x4a: {  	[tilespmem:s4], [sflag:$0x3] =	stream.linear.gather [hbm4b:s12+s4], $0x40, $0x38;
	[tilespmem:$0x1A100] =	vst v63  }
0x4b: {  	_ =	swait.ge [sflag:s26], $0x40  }
0x4c: {  	[sflag:s26] =	ssyncset.done $0x0  }
0x4d: {  	s21 =	rddreg [dreg:$0x6];
	[sflag:s26] =	ssyncadd.s32 $0xFFFFFFC0  }
0x4e: {  	[tilespmem:s28], [sflag:$0x1] =	stream.linear.gather [hbm4b:s21+s4], $0x2000, $0x38;
	[tilespmem:$0x1A100] =	vst v63  }
0x4f: {  	s8 =	rddreg [dreg:$0x7]  }
0x50: {  	[tilespmem:s29], [sflag:$0x3] =	stream.linear.gather [hbm4b:s8+s4], $0x40, $0x38;
	[tilespmem:$0x1A100] =	vst v63  }
0x51: {  	_ =	swait.ge [sflag:s26], $0x40  }
0x52: {  	[sflag:s26] =	ssyncset.done $0x0  }
0x53: {  	s9 =	rddreg [dreg:$0x8];
	[sflag:s26] =	ssyncadd.s32 $0xFFFFFFC0  }
0x54: {  	[tilespmem:s30], [sflag:$0x2] =	stream.linear.gather [hbm4b:s9+s4], $0x2000, $0x38;
	[tilespmem:$0x1A100] =	vst v63  }
0x55: {  	_ =	swait.ge [sflag:s31], $0x2000  }
0x56: {  	[sflag:s31] =	ssyncset.done $0x0  }
0x57: {  	[sflag:s31] =	ssyncadd.s32 $0xFFFFE000  }
0x58: {  	[spmem:s3] =	stream.indirect.scatter.add.f32 [tilespmem:s28], [sflag:$0x3], $0x80, s4, s0, $0xb8;
	[tilespmem:$0x1A100] =	vst v63  }
0x59: {  	_ =	swait.ge [sflag:s26], $0x2000  }
0x5a: {  	s11 =	sshrl.u32 s23, $0x3;
	[sflag:s26] =	ssyncset.done $0x0  }
0x5b: {  	s7 =	sadd.s32 s2, s11;
	[sflag:s26] =	ssyncadd.s32 $0xFFFFE000  }
0x5c: {  	[tilespmem:s4], [sflag:$0x3] =	stream.linear.gather [hbm4b:s7+s4], $0x40, $0x38;
	[tilespmem:$0x1A100] =	vst v63  }
0x5d: {  	_ =	swait.ge [sflag:s26], $0x40  }
0x5e: {  	[sflag:s26] =	ssyncset.done $0x0  }
0x5f: {  	s12 =	sadd.s32 $0xFFFFFC00, s10;
	[sflag:s26] =	ssyncadd.s32 $0xFFFFFFC0  }
0x60: {  	[tilespmem:s28], [sflag:$0x1] =	stream.linear.gather [hbm4b:s12+s4], $0x2000, $0x38;
	[tilespmem:$0x1A100] =	vst v63  }
0x61: {  	_ =	swait.ge [sflag:s1], $0x2000  }
0x62: {  	[sflag:s1] =	ssyncset.done $0x0  }
0x63: {  	[sflag:s1] =	ssyncadd.s32 $0xFFFFE000  }
0x64: {  	[spmem:s3] =	stream.indirect.scatter.add.f32 [tilespmem:s30], [sflag:$0x3], $0x80, s29, s0, $0xb8;
	[tilespmem:$0x1A100] =	vst v63  }
0x65: {  	_ =	swait.ge [sflag:s26], $0x2000  }
0x66: {  	[sflag:s26] =	ssyncset.done $0x0  }
0x67: {  	s21 =	sadd.s32 $0x0, s22;
	[sflag:s26] =	ssyncadd.s32 $0xFFFFE000  }
0x68: {  	[tilespmem:s29], [sflag:$0x3] =	stream.linear.gather [hbm4b:s21+s4], $0x40, $0x38;
	[tilespmem:$0x1A100] =	vst v63  }
0x69: {  	_ =	swait.ge [sflag:s26], $0x40  }
0x6a: {  	s8 =	sadd.s32 $0x800, s10;
	s9 =	sadd.s32 $0x80, s23;
	[sflag:s26] =	ssyncset.done $0x0  }
0x6b: {  	s7 =	simm.s32 $0x10;
	s21 =	smov.u32 s10;
	[sflag:s26] =	ssyncadd.s32 $0xFFFFFFC0  }
.LBB2_2:
0x6c: {  	[tilespmem:s30], [sflag:$0x2] =	stream.linear.gather [hbm4b:s21+s4], $0x2000, $0x38;
	[tilespmem:$0x1A100] =	vst v63  }
0x6d: {  	s11 =	smov.u32 s7;
	s21 =	smov.u32 s8  }
0x6e: {  	p0 =	sne.s32 s7, $0x4D0;
	s7 =	sadd.s32 $0x10, s7;
	_ =	swait.ge [sflag:s31], $0x2000  }
0x6f: {  	[sflag:s31] =	ssyncset.done $0x0  }
0x70: {  	[sflag:s31] =	ssyncadd.s32 $0xFFFFE000  }
0x71: {  	[spmem:s3] =	stream.indirect.scatter.add.f32 [tilespmem:s28], [sflag:$0x3], $0x80, s4, s0, $0xb8;
	[tilespmem:$0x1A100] =	vst v63  }
0x72: {  	_ =	swait.ge [sflag:s26], $0x2000  }
0x73: {  	s12 =	sshrl.u32 s9, $0x3;
	[sflag:s26] =	ssyncset.done $0x0  }
0x74: {  	s12 =	sadd.s32 s2, s12;
	[sflag:s26] =	ssyncadd.s32 $0xFFFFE000  }
0x75: {  	[tilespmem:s4], [sflag:$0x3] =	stream.linear.gather [hbm4b:s12+s4], $0x40, $0x38;
	[tilespmem:$0x1A100] =	vst v63  }
0x76: {  	_ =	swait.ge [sflag:s26], $0x40  }
0x77: {  	[sflag:s26] =	ssyncset.done $0x0  }
0x78: {  	s12 =	sadd.s32 $0xFFFFFC00, s8;
	[sflag:s26] =	ssyncadd.s32 $0xFFFFFFC0  }
0x79: {  	[tilespmem:s28], [sflag:$0x1] =	stream.linear.gather [hbm4b:s12+s4], $0x2000, $0x38;
	[tilespmem:$0x1A100] =	vst v63  }
0x7a: {  	_ =	swait.ge [sflag:s1], $0x2000  }
0x7b: {  	[sflag:s1] =	ssyncset.done $0x0  }
0x7c: {  	[sflag:s1] =	ssyncadd.s32 $0xFFFFE000  }
0x7d: {  	[spmem:s3] =	stream.indirect.scatter.add.f32 [tilespmem:s30], [sflag:$0x3], $0x80, s29, s0, $0xb8;
	[tilespmem:$0x1A100] =	vst v63  }
0x7e: {  	_ =	swait.ge [sflag:s26], $0x2000  }
0x7f: {  	[sflag:s26] =	ssyncset.done $0x0  }
.Ltmp0:
0x80: {  	s11 =	sadd.s32 s11, s22;
	[sflag:s26] =	ssyncadd.s32 $0xFFFFE000;
	(pc) =	sbr.rel @p0 .LBB2_2-.Ltmp0, $4  }
0x81: {  	[tilespmem:s29], [sflag:$0x3] =	stream.linear.gather [hbm4b:s11+s4], $0x40, $0x38;
	[tilespmem:$0x1A100] =	vst v63  }
0x82: {  	_ =	swait.ge [sflag:s26], $0x40  }
0x83: {  	[sflag:s26] =	ssyncset.done $0x0  }
0x84: {  	s9 =	sadd.s32 $0x80, s9;
	s8 =	sadd.s32 $0x800, s8;
	[sflag:s26] =	ssyncadd.s32 $0xFFFFFFC0  }
0x85: {  	[tilespmem:s30], [sflag:$0x2] =	stream.linear.gather [hbm4b:s21+s4], $0x2000, $0x38;
	[tilespmem:$0x1A100] =	vst v63  }
0x86: {  	_ =	swait.ge [sflag:s31], $0x2000  }
0x87: {  	[sflag:s31] =	ssyncset.done $0x0  }
0x88: {  	[sflag:s31] =	ssyncadd.s32 $0xFFFFE000  }
0x89: {  	[spmem:s3] =	stream.indirect.scatter.add.f32 [tilespmem:s28], [sflag:$0x3], $0x80, s4, s0, $0xb8;
	[tilespmem:$0x1A100] =	vst v63  }
0x8a: {  	_ =	swait.ge [sflag:s26], $0x2000  }
0x8b: {  	[sflag:s26] =	ssyncset.done $0x0  }
0x8c: {  	[sflag:s26] =	ssyncadd.s32 $0xFFFFE000  }
0x8d: {  	_ =	swait.ge [sflag:s1], $0x2000  }
0x8e: {  	[sflag:s1] =	ssyncset.done $0x0  }
0x8f: {  	[sflag:s1] =	ssyncadd.s32 $0xFFFFE000  }
0x90: {  	[spmem:s3] =	stream.indirect.scatter.add.f32 [tilespmem:s30], [sflag:$0x3], $0x80, s29, s0, $0xb8;
	[tilespmem:$0x1A100] =	vst v63  }
0x91: {  	_ =	swait.ge [sflag:s26], $0x2000  }
0x92: {  	s7 =	stileid.u32;
	[sflag:s26] =	ssyncset.done $0x0  }
0x93: {  	s7 =	sshll.u32 s7, $0x6;
	[sflag:s26] =	ssyncadd.s32 $0xFFFFE000  }
0x94: {  	s8 =	sshrl.u32 s6, $0x3;
	s7 =	sor.u32 $0x1C03, s7;
	[bflag:$0x0] =	sbarrier.arrive $0xFFFF  }
0x95: {  	[hbm:s24], [sflag:s7] =	dma.local [spmem:s8], $0x2800  }
0x96: {  	_ =	swait.ge [sflag:s26], $0x2800  }
0x97: {  	s5 =	sadd.s32 $0x1, s5;
	s21 =	rddreg [dreg:$0x9]  }
0x98: {  	p0 =	sne.s32 s5, s21  }
.Ltmp1:
0x99: {  	_ = 	snop;
	(pc) =	sbr.rel @p0 .LBB2_1-.Ltmp1, $3  }
0x9a: {  	_ =	sdelay $0x1  }
0x9b: {  	[sflag:s26] =	ssyncset.done $0x0  }
0x9c: {  	[sflag:s26] =	ssyncadd.s32 $0xFFFFD800  }
0x9d: {  	_ =	sfence.sel $0x180000  }
0x9e: {  	[bflag:$0x0] =	sbarrier.arrive $0xFFFF  }
0x9f: {  	_ =	strace $0x9000004D  }
0xa0: {  	s0 =	stileid.u32;
	[bflag:$0x2] =	sbarrier.arrive $0xFFFF  }
0xa1: {  	p0 =	sne.s32 s0, $0x0;
	s0 =	rddreg [dreg:$0x3]  }
0xa2: {  	s0 =	sadd.s32 @!p0 $0x100000, s0  }
0xa3: {  	[sflag:s0] =	ssyncadd.tile.s32 @!p0 $0x1;
	_ =	shalt  }
.Lfunc_end2:
_tile_overlayer_lowered:
.L_overlay_start_2:
0xa4: {  	(tag) =	ssettag $0x2  }
0xa5: {  	s0 =	rddreg [dreg:$0x0];
	s2 =	stileid.u32  }
0xa6: {  	s1 =	rddreg [dreg:$0x1];
	p0 =	sne.s32 s2, $0x0  }
0xa7: {  	s3 =	rddreg [dreg:$0x2];
	[bflag:$0x3] =	sbarrier.arrive $0xFFFF;
	s2 =	simm.s32 @!p0 $0x1C03  }
0xa8: {  	[timem:s3], [sflag:s2] =	dma.local @!p0 [hbm:s0], s1  }
0xa9: {  	s0 =	simm.s32 @!p0 $0x3  }
0xaa: {  	_ =	swait.ge @!p0 [sflag:s0], s1  }
0xab: {  	s1 =	ssub.s32 @!p0 $0x0, s1;
	[sflag:s0] =	ssyncset.done @!p0 $0x0  }
0xac: {  	[sflag:s0] =	ssyncadd.s32 @!p0 s1  }
0xad: {  	[bflag:$0x3] =	sbarrier.arrive $0xFFFF  }
0xae: {  	_ =	shalt  }

// kernel: kernel.9.cloned.1.call-start
scs
__scs_entry_jumppad:
0x0: {  	(pc) =	sbr.rel $0x88, $3  }
0x1: {  	(tag) =	ssettag $0x0;
	lr =	simm.s32 $0x1  }
0x2: {  	[smem:$0x3F8A] =	sst lr;
	_ =	strace $0xD0000000  }
0x3: {  	_ = 	snop  }
0x4: {  	_ = 	snop  }
0x5: {  	_ = 	snop  }
0x6: {  	_ = 	snop  }
0x7: {  	_ = 	snop  }
__scs_overlays_trampoline_lowered:
0x8: {  	[smem:$0x3F99] =	sst s0  }
0x9: {  	[smem:$0x3F9A] =	sst s1  }
0xa: {  	[smem:$0x3F9B] =	sst s2  }
0xb: {  	[smem:$0x3F9C] =	sst s3  }
0xc: {  	[smem:$0x3F9D] =	sst s4  }
0xd: {  	[smem:$0x3F9E] =	sst s5  }
0xe: {  	[smem:$0x3F9F] =	sst s6  }
0xf: {  	[smem:$0x3FA0] =	sst s7  }
0x10: {  	[smem:$0x3FA1] =	sst s8  }
0x11: {  	[smem:$0x3FA2] =	sst s9;
	s0 =	simm.s32 @!p0 $0x0  }
0x12: {  	s1 =	sld [smem:$0x3F88];
	s0 =	simm.s32 @p0 $0x1  }
0x13: {  	[smem:$0x3FA3] =	sst s0;
	s0 =	simm.s32 @!p1 $0x0  }
0x14: {  	s2 =	sld [smem:$0x3F87];
	s0 =	simm.s32 @p1 $0x1  }
0x15: {  	[smem:$0x3FA4] =	sst s0;
	s0 =	simm.s32 @!p2 $0x0  }
0x16: {  	s3 =	sld [smem:$0x3FDB];
	s0 =	simm.s32 @p2 $0x1  }
0x17: {  	s4 =	simm.s32 $0x1BF5;
	[smem:$0x3FA6] =	sst s0  }
0x18: {  	s0 =	sld [smem:$0x3F89];
	_ =	swait.ge [sflag:s4], $0x0  }
0x19: {  	s7 =	sld [smem:$0x3F8A]  }
0x1a: {  	s8 =	sadd.s32 $0xFFFFE003, lr  }
0x1b: {  	s9 =	sadd.s32 $0xFFFFFEF7, lr;
	s5 =	simm.s32 $0xFFFFFFFF;
	p2 =	slt.u32 s8, $0xFFFFF086  }
0x1c: {  	p1 =	slt.u32 s9, $0xF7A;
	s5 =	simm.s32 @!p2 $0x0  }
0x1d: {  	s5 =	simm.s32 @p1 $0x1;
	p0 =	seq.s32 s7, s2  }
0x1e: {  	s7 =	smul.u32 @!p0 $0xF7A, s2;
	p2 =	seq.s32 @!p0 s5, $0x0  }
0x1f: {  	s9 =	smul.u32 $0xF7A, s1;
	s8 =	simm.s32 @!p0 $0x1BF5;
	p2 =	por !p2, p0  }
0x20: {  	[sflag:s8] =	ssyncset.s32 @!p0 $0xFFFFF086;
	s6 =	sadd.s32 @!p0 s3, s7;
	s7 =	simm.s32 @!p0 $0x108  }
0x21: {  	s3 =	sadd.s32 s3, s9;
	s6 =	sadd.s32 @!p0 $0x88, s6;
	s7 =	simm.s32 @p2 $0x1082  }
0x22: {  	[simem:s7], [sflag:s8] =	dma.local @!p0 [hbm:s6], $0xF7A  }
0x23: {  	s9 =	sor.u32 $0xD0000000, s2;
	s6 =	simm.s32 $0x108;
	_ =	swait.ge @!p0 [sflag:s8], $0x0  }
0x24: {  	s3 =	sadd.s32 $0x88, s3;
	s6 =	simm.s32 @!p1 $0x1082;
	[sflag:s4] =	ssyncset.s32 $0xFFFFF086  }
0x25: {  	[simem:s6], [sflag:s4] =	dma.local [hbm:s3], $0xF7A  }
0x26: {  	[smem:$0x3F8A] =	sst s1;
	(tag) =	ssettag s2;
	_ =	strace s9  }
0x27: {  	s1 =	sld [smem:$0x3F9A]  }
0x28: {  	s2 =	sld [smem:$0x3F9B]  }
0x29: {  	s4 =	sld [smem:$0x3F9D]  }
0x2a: {  	p0 =	seq.s32 s5, $0x0;
	s5 =	sld [smem:$0x3F9E]  }
0x2b: {  	s6 =	sld [smem:$0x3F9F]  }
0x2c: {  	s7 =	sld [smem:$0x3FA0]  }
0x2d: {  	s3 =	simm.s32 $0x108;
	s8 =	sld [smem:$0x3FA1]  }
0x2e: {  	s3 =	simm.s32 @!p0 $0x1082;
	s9 =	sld [smem:$0x3FA2]  }
0x2f: {  	lr =	sadd.s32 s0, s3;
	s0 =	sld [smem:$0x3F99]  }
0x30: {  	s3 =	sld [smem:$0x3F9C]  }
0x31: {  	[smem:$0x3FA5] =	sst s10  }
0x32: {  	s10 =	sld [smem:$0x3FA3];
	_ =	sdelay $0x3  }
0x33: {  	p0 =	seq.s32 s10, $0x1;
	s10 =	sld [smem:$0x3FA5];
	_ =	sdelay $0x3  }
0x34: {  	[smem:$0x3FA5] =	sst s10  }
0x35: {  	s10 =	sld [smem:$0x3FA4];
	_ =	sdelay $0x3  }
0x36: {  	p1 =	seq.s32 s10, $0x1;
	s10 =	sld [smem:$0x3FA5];
	_ =	sdelay $0x3  }
0x37: {  	[smem:$0x3FA5] =	sst s10  }
0x38: {  	s10 =	sld [smem:$0x3FA6]  }
0x39: {  	_ = 	snop;
	(pc) =	sbr.ind lr, $3  }
0x3a: {  	_ = 	snop  }
0x3b: {  	_ = 	snop  }
0x3c: {  	p2 =	seq.s32 s10, $0x1;
	s10 =	sld [smem:$0x3FA5]  }
0x3d: {  	_ =	shalt  }
0x3e: {  	_ =	shalt  }
0x3f: {  	_ =	shalt  }
0x40: {  	_ =	shalt  }
0x41: {  	_ =	shalt  }
0x42: {  	_ =	shalt  }
0x43: {  	_ =	shalt  }
0x44: {  	_ =	shalt  }
0x45: {  	_ =	shalt  }
0x46: {  	_ =	shalt  }
0x47: {  	_ =	shalt  }
0x48: {  	_ =	shalt  }
0x49: {  	_ =	shalt  }
0x4a: {  	_ =	shalt  }
0x4b: {  	_ =	shalt  }
0x4c: {  	_ =	shalt  }
0x4d: {  	_ =	shalt  }
0x4e: {  	_ =	shalt  }
0x4f: {  	_ =	shalt  }
0x50: {  	_ =	shalt  }
0x51: {  	_ =	shalt  }
0x52: {  	_ =	shalt  }
0x53: {  	_ =	shalt  }
0x54: {  	_ =	shalt  }
0x55: {  	_ =	shalt  }
0x56: {  	_ =	shalt  }
0x57: {  	_ =	shalt  }
0x58: {  	_ =	shalt  }
0x59: {  	_ =	shalt  }
0x5a: {  	_ =	shalt  }
0x5b: {  	_ =	shalt  }
0x5c: {  	_ =	shalt  }
0x5d: {  	_ =	shalt  }
0x5e: {  	_ =	shalt  }
0x5f: {  	_ =	shalt  }
0x60: {  	_ =	shalt  }
0x61: {  	_ =	shalt  }
0x62: {  	_ =	shalt  }
0x63: {  	_ =	shalt  }
0x64: {  	_ =	shalt  }
0x65: {  	_ =	shalt  }
0x66: {  	_ =	shalt  }
0x67: {  	_ =	shalt  }
0x68: {  	_ =	shalt  }
0x69: {  	_ =	shalt  }
0x6a: {  	_ =	shalt  }
0x6b: {  	_ =	shalt  }
0x6c: {  	_ =	shalt  }
0x6d: {  	_ =	shalt  }
0x6e: {  	_ =	shalt  }
0x6f: {  	_ =	shalt  }
0x70: {  	_ =	shalt  }
0x71: {  	_ =	shalt  }
0x72: {  	_ =	shalt  }
0x73: {  	_ =	shalt  }
0x74: {  	_ =	shalt  }
0x75: {  	_ =	shalt  }
0x76: {  	_ =	shalt  }
0x77: {  	_ =	shalt  }
0x78: {  	_ =	shalt  }
0x79: {  	_ =	shalt  }
0x7a: {  	_ =	shalt  }
0x7b: {  	_ =	shalt  }
0x7c: {  	_ =	shalt  }
0x7d: {  	_ =	shalt  }
0x7e: {  	_ =	shalt  }
0x7f: {  	_ =	shalt  }
0x80: {  	_ =	shalt  }
0x81: {  	_ =	shalt  }
0x82: {  	_ =	shalt  }
0x83: {  	_ =	shalt  }
0x84: {  	_ =	shalt  }
0x85: {  	_ =	shalt  }
0x86: {  	_ =	shalt  }
0x87: {  	_ =	shalt  }
.Lfunc_end0:
.L_simem_size_0:
called_computation_lowered:
.L_overlay_start_0:
0x88: {  	s2 =	sld [smem:$0x3FD9]  }
0x89: {  	s3 =	sld [smem:$0x3FFE];
	_ =	sdelay $0x1  }
0x8a: {  	s1 =	srdreg.scid  }
0x8b: {  	s0 =	sand.u32 $0x1, s1  }
0x8c: {  	s17 =	sshll.u32 s0, $0xA;
	s2 =	sadd.s32 s3, s2  }
0x8d: {  	s2 =	sadd.s32 s2, s17  }
0x8e: {  	[smem:$0x3FB1] =	sst s2  }
0x8f: {  	_ = 	snop  }
0x90: {  	s18 =	sld [smem:$0x3FD0];
	(tm) =	ssettm $0x1  }
0x91: {  	s19 =	sld [smem:$0x3FFB];
	_ =	sdelay $0x3  }
0x92: {  	_ =	strace s19  }
0x93: {  	s2 =	sld [smem:$0x3FFC];
	_ =	sdelay $0x3  }
0x94: {  	_ =	strace s2  }
0x95: {  	s2 =	sld [smem:$0x3FFD];
	_ =	sdelay $0x3  }
0x96: {  	_ =	strace s2  }
0x97: {  	_ =	strace $0x8FFFFFFF  }
0x98: {  	s20 =	sld [smem:$0x3FDB];
	_ =	sdelay $0x1  }
0x99: {  	s4 =	simm.s32 $_scs_section_size  }
0x9a: {  	s5 =	simm.s32 $_size__tile_overlayer_lowered;
	s6 =	simm.s32 $_tile_overlayer_lowered  }
0x9b: {  	s7 =	simm.s32 $0x1BFF;
	s21 =	sshll.u32 s6, $0x1;
	s4 =	sadd.s32 s4, s20  }
0x9c: {  	s22 =	simm.s32 $0x0;
	s5 =	sshll.u32 s5, $0x1;
	s6 =	sadd.s32 s21, s4  }
0x9d: {  	[timem:s22], [sflag:s7] =	dma.local [hbm:s6], s5  }
0x9e: {  	_ =	swait.ge [sflag:s7], s5  }
0x9f: {  	s5 =	ssub.s32 $0x0, s5;
	[sflag:s7] =	ssyncset.done $0x0  }
0xa0: {  	[sflag:s7] =	ssyncadd.s32 s5;
	_ =	sdelay $0x1  }
0xa1: {  	s23 =	simm.s32 $0x1B8B  }
0xa2: {  	_ =	swait.ge [sflag:s23], $0x1  }
0xa3: {  	[sflag:s23] =	ssyncset.done $0x0  }
0xa4: {  	[sflag:s23] =	ssyncadd.s32 $0xFFFFFFFF  }
0xa5: {  	s5 =	sld [smem:$0x0]  }
0xa6: {  	s6 =	sand.u32 $0xFFFFFFFE, s1  }
0xa7: {  	p0 =	sne.s32 s1, s6  }
0xa8: {  	s6 =	sshll.u32 @p0 s6, $0xE  }
0xa9: {  	s6 =	sadd.s32 @p0 $0x11B8D, s6;
	s7 =	sshll.u32 @p0 s5, $0x11  }
0xaa: {  	s6 =	sor.u32 @p0 s7, s6  }
0xab: {  	[sflag:s6] =	ssyncadd.remote.s32 @p0 $0x1;
	_ =	sdelay $0x1  }
0xac: {  	s6 =	simm.s32 @p0 $0x1B8D  }
0xad: {  	_ =	swait.eq @p0 [sflag:s6], $0x1  }
0xae: {  	[sflag:s6] =	ssyncadd.s32 @p0 $0xFFFFFFFF  }
0xaf: {  	s7 =	sshll.u32 @!p0 s1, $0xE  }
0xb0: {  	s7 =	sor.u32 @!p0 $0x4000, s7;
	s6 =	simm.s32 @!p0 $0x1B8D  }
0xb1: {  	s5 =	sshll.u32 @!p0 s5, $0x11;
	s7 =	sadd.s32 @!p0 $0x11B8D, s7;
	_ =	swait.eq @!p0 [sflag:s6], $0x1  }
0xb2: {  	s5 =	sor.u32 @!p0 s5, s7;
	[sflag:s6] =	ssyncadd.s32 @!p0 $0xFFFFFFFF  }
0xb3: {  	s25 =	simm.s32 $0x1B8E;
	s24 =	sld [smem:$0x3FFE];
	[sflag:s5] =	ssyncadd.remote.s32 @!p0 $0x1  }
0xb4: {  	s26 =	simm.s32 $execute0_lowered;
	[smem:$0x3FD2] =	sst s25  }
0xb5: {  	s6 =	sshll.u32 s26, $0x1;
	_ =	strace $0x80000049;
	[dreg:$0x1] =	wrdreg $0xFFFFFFFF  }
0xb6: {  	s28 =	simm.s32 $_size_execute0_lowered;
	s4 =	sadd.s32 s4, s6;
	[dreg:$0x0] =	wrdreg $0x0  }
0xb7: {  	s6 =	sshll.u32 s28, $0x1;
	[dreg:$0x2] =	wrdreg s4  }
0xb8: {  	[dreg:$0x3] =	wrdreg s6  }
0xb9: {  	[dreg:$0x4] =	wrdreg $0xC0  }
0xba: {  	_ =	task [dreg:s22], $0x5FFFF  }
0xbb: {  	[dreg:$0x1] =	wrdreg $0xFFFFFFFF  }
0xbc: {  	[dreg:$0x0] =	wrdreg $0x60  }
0xbd: {  	[dreg:$0x2] =	wrdreg s18  }
0xbe: {  	[dreg:$0x3] =	wrdreg s24  }
0xbf: {  	[dreg:$0x4] =	wrdreg $0x40800  }
0xc0: {  	[dreg:$0x5] =	wrdreg $0x9  }
0xc1: {  	_ =	task.clear_ibuf [dreg:s22], $0x6FFFF;
	_ =	strace $0x90000049  }
0xc2: {  	s29 =	simm.s32 $0x9;
	_ =	strace $0x8000004B  }
0xc3: {  	_ =	swait.ge [sflag:s29], $0x1  }
0xc4: {  	[sflag:s29] =	ssyncadd.s32 $0xFFFFFFFF  }
0xc5: {  	_ =	strace $0x9000004B  }
0xc6: {  	_ =	sfence  }
0xc7: {  	s30 =	sld [smem:$0x0];
	_ =	sdelay $0x2  }
0xc8: {  	s31 =	sshll.u32 s1, $0xD;
	s1 =	sshrl.u32 s1, $0x2  }
0xc9: {  	s4 =	sand.u32 $0x4000, s31;
	s1 =	sadd.s32 s1, s30  }
0xca: {  	s0 =	sor.u32 s4, s0;
	s1 =	sshll.u32 s1, $0x11  }
0xcb: {  	s0 =	sor.u32 s1, s0  }
0xcc: {  	s0 =	sadd.s32 $0x8F2B, s0  }
0xcd: {  	[sflag:s0] =	ssyncadd.remote.s32 $0x1  }
0xce: {  	_ =	sfence.sel $0xFFFF  }
0xcf: {  	[dreg:$0x0] =	wrdreg $0xFFFFFFFF;
	(pc) =	sbr.abs _section_cstart, $3  }
0xd0: {  	[dreg:$0x1] =	wrdreg $0xFFFFFFFF  }
0xd1: {  	_ =	task.clear_ibuf [dreg:s22], $0x2FFFF;
	_ =	strace $0x9FFFFFFF  }
0xd2: {  	(tm) =	ssettm $0x7FFFFFFF  }
0xd3: {  	_ =	shalt  }
tec
execute0_lowered:
.L_overlay_start_1:
0x0: {  	(tag) =	ssettag $0x1  }
0x1: {  	s17 =	rddreg [dreg:$0x0]  }
0x2: {  	s6 =	rddreg [dreg:$0x1]  }
0x3: {  	s1 =	rddreg [dreg:$0x2];
	s3 =	srdreg.scid  }
0x4: {  	s0 =	rddreg [dreg:$0x3];
	s2 =	simm.s32 $0x0;
	s8 =	sand.u32 $0x1, s3  }
0x5: {  	s19 =	simm.s32 $0x1;
	s3 =	stileid.u32;
	s7 =	smul.u32 $0x28000, s8  }
0x6: {  	s20 =	simm.s32 $0x2080;
	s21 =	simm.s32 $0x40;
	s9 =	smul.u32 $0x50000, s3  }
0x7: {  	s25 =	simm.s32 $0x0;
	s4 =	sadd.s32 $0xFA6E00, s6;
	s22 =	smul.u32 $0x2800, s3  }
0x8: {  	[smem:$0x7FF] =	sst s2;
	s5 =	sadd.s32 $0xFA7200, s6;
	s13 =	smul.u32 $0x4F00, s3  }
0x9: {  	_ =	strace $0x8000004A;
	s30 =	ssub.s32 $0x2, s8;
	s14 =	smul.u32 $0x2780, s8  }
0xa: {  	s31 =	sshll.u32 s3, $0x6;
	s10 =	sshrl.u32 s30, $0x1;
	s7 =	sadd.s32 s7, s6  }
0xb: {  	s9 =	sshrl.u32 s9, $0x2;
	s10 =	ssub.s32 s30, s10;
	s15 =	sadd.s32 s14, s13  }
0xc: {  	s6 =	sadd.s32 s9, s1;
	s23 =	sadd.s32 $0xFA7600, s7;
	s7 =	smax.u32 s10, $0x1  }
0xd: {  	s18 =	sshrl.u32 s15, $0x3;
	s8 =	sadd.s32 $0x2000, s6;
	s9 =	sadd.s32 $0x4000, s6  }
0xe: {  	s10 =	sadd.s32 $0x6000, s6;
	s11 =	sadd.s32 $0x8000, s6;
	s12 =	sadd.s32 $0xA000, s6  }
0xf: {  	s13 =	sadd.s32 $0xC000, s6;
	s14 =	sadd.s32 $0xE000, s6;
	s15 =	sadd.s32 $0x10000, s6  }
0x10: {  	s16 =	sadd.s32 $0x12000, s6;
	s17 =	sadd.s32 s18, s17;
	s18 =	simm.s32 $0x80  }
0x11: {  	s22 =	sadd.s32 s22, s23;
	s23 =	sor.u32 $0x1C01, s31;
	s24 =	sshrl.u32 s6, $0x3  }
.LBB2_1:
0x12: {  	[tilespmem:s18], [sflag:$0x1] =	stream.linear.gather [hbm4b:s4+s2], $0x2000, $0x38;
	[tilespmem:$0x18080] =	vst v63  }
0x13: {  	_ =	swait.ge [sflag:s19], $0x2000  }
0x14: {  	[sflag:s19] =	ssyncset.done $0x0  }
0x15: {  	[sflag:s19] =	ssyncadd.s32 $0xFFFFE000  }
0x16: {  	[tilespmem:s20], [sflag:$0x1] =	stream.linear.gather [hbm4b:s5+s2], $0x2000, $0x38;
	[tilespmem:$0x18080] =	vst v63  }
0x17: {  	_ =	swait.ge [sflag:s19], $0x2000  }
0x18: {  	[sflag:s19] =	ssyncset.done $0x0  }
0x19: {  	[sflag:s19] =	ssyncadd.s32 $0xFFFFE000  }
0x1a: {  	[spmem:s6] =	stream.linear.scatter [tilespmem:s20], [sflag:$0x1], $0x2000, $0x38;
	[tilespmem:$0x18080] =	vst v63  }
0x1b: {  	_ =	swait.ge [sflag:s19], $0x2000  }
0x1c: {  	[sflag:s19] =	ssyncset.done $0x0  }
0x1d: {  	[sflag:s19] =	ssyncadd.s32 $0xFFFFE000  }
0x1e: {  	[spmem:s8] =	stream.linear.scatter [tilespmem:s20], [sflag:$0x1], $0x2000, $0x38;
	[tilespmem:$0x18080] =	vst v63  }
0x1f: {  	_ =	swait.ge [sflag:s19], $0x2000  }
0x20: {  	[sflag:s19] =	ssyncset.done $0x0  }
0x21: {  	[sflag:s19] =	ssyncadd.s32 $0xFFFFE000  }
0x22: {  	[spmem:s9] =	stream.linear.scatter [tilespmem:s20], [sflag:$0x1], $0x2000, $0x38;
	[tilespmem:$0x18080] =	vst v63  }
0x23: {  	_ =	swait.ge [sflag:s19], $0x2000  }
0x24: {  	[sflag:s19] =	ssyncset.done $0x0  }
0x25: {  	[sflag:s19] =	ssyncadd.s32 $0xFFFFE000  }
0x26: {  	[spmem:s10] =	stream.linear.scatter [tilespmem:s20], [sflag:$0x1], $0x2000, $0x38;
	[tilespmem:$0x18080] =	vst v63  }
0x27: {  	_ =	swait.ge [sflag:s19], $0x2000  }
0x28: {  	[sflag:s19] =	ssyncset.done $0x0  }
0x29: {  	[sflag:s19] =	ssyncadd.s32 $0xFFFFE000  }
0x2a: {  	[spmem:s11] =	stream.linear.scatter [tilespmem:s20], [sflag:$0x1], $0x2000, $0x38;
	[tilespmem:$0x18080] =	vst v63  }
0x2b: {  	_ =	swait.ge [sflag:s19], $0x2000  }
0x2c: {  	[sflag:s19] =	ssyncset.done $0x0  }
0x2d: {  	[sflag:s19] =	ssyncadd.s32 $0xFFFFE000  }
0x2e: {  	[spmem:s12] =	stream.linear.scatter [tilespmem:s20], [sflag:$0x1], $0x2000, $0x38;
	[tilespmem:$0x18080] =	vst v63  }
0x2f: {  	_ =	swait.ge [sflag:s19], $0x2000  }
0x30: {  	[sflag:s19] =	ssyncset.done $0x0  }
0x31: {  	[sflag:s19] =	ssyncadd.s32 $0xFFFFE000  }
0x32: {  	[spmem:s13] =	stream.linear.scatter [tilespmem:s20], [sflag:$0x1], $0x2000, $0x38;
	[tilespmem:$0x18080] =	vst v63  }
0x33: {  	_ =	swait.ge [sflag:s19], $0x2000  }
0x34: {  	[sflag:s19] =	ssyncset.done $0x0  }
0x35: {  	[sflag:s19] =	ssyncadd.s32 $0xFFFFE000  }
0x36: {  	[spmem:s14] =	stream.linear.scatter [tilespmem:s20], [sflag:$0x1], $0x2000, $0x38;
	[tilespmem:$0x18080] =	vst v63  }
0x37: {  	_ =	swait.ge [sflag:s19], $0x2000  }
0x38: {  	[sflag:s19] =	ssyncset.done $0x0  }
0x39: {  	[sflag:s19] =	ssyncadd.s32 $0xFFFFE000  }
0x3a: {  	[spmem:s15] =	stream.linear.scatter [tilespmem:s20], [sflag:$0x1], $0x2000, $0x38;
	[tilespmem:$0x18080] =	vst v63  }
0x3b: {  	_ =	swait.ge [sflag:s19], $0x2000  }
0x3c: {  	[sflag:s19] =	ssyncset.done $0x0  }
0x3d: {  	[sflag:s19] =	ssyncadd.s32 $0xFFFFE000  }
0x3e: {  	[spmem:s16] =	stream.linear.scatter [tilespmem:s20], [sflag:$0x1], $0x2000, $0x38;
	[tilespmem:$0x18080] =	vst v63  }
0x3f: {  	_ =	swait.ge [sflag:s19], $0x2000  }
0x40: {  	[sflag:s19] =	ssyncset.done $0x0  }
0x41: {  	[sflag:s19] =	ssyncadd.s32 $0xFFFFE000  }
0x42: {  	s26 =	sadd.s32 $0x0, s17;
	[bflag:$0x0] =	sbarrier.arrive $0xFFFF  }
0x43: {  	[tilespmem:s2], [sflag:$0x1] =	stream.linear.gather [hbm4b:s26+s2], $0x40, $0x38;
	[tilespmem:$0x18080] =	vst v63  }
0x44: {  	_ =	swait.ge [sflag:s19], $0x40  }
0x45: {  	[sflag:s19] =	ssyncset.done $0x0  }
0x46: {  	[sflag:s19] =	ssyncadd.s32 $0xFFFFFFC0  }
0x47: {  	[spmem:s1] =	stream.indirect.scatter.add.f32 [tilespmem:s18], [sflag:$0x1], $0x80, s2, s21, $0xb8;
	[tilespmem:$0x18080] =	vst v63  }
0x48: {  	_ =	swait.ge [sflag:s19], $0x2000  }
0x49: {  	s28 =	simm.s32 $0x10;
	s26 =	simm.s32 $0x8;
	[sflag:s19] =	ssyncset.done $0x0  }
.LBB2_2:
0x4a: {  	s29 =	sadd.s32 s26, s17  }
0x4b: {  	[sflag:s19] =	ssyncadd.s32 $0xFFFFE000;
	s26 =	smov.u32 s28;
	s30 =	sadd.s32 $0x8, s28  }
0x4c: {  	[tilespmem:s2], [sflag:$0x1] =	stream.linear.gather [hbm4b:s29+s2], $0x40, $0x38;
	[tilespmem:$0x18080] =	vst v63  }
0x4d: {  	p0 =	sne.s32 s28, $0x4E8;
	_ =	swait.ge [sflag:s19], $0x40  }
.Ltmp0:
0x4e: {  	[sflag:s19] =	ssyncset.done $0x0;
	(pc) =	sbr.rel @p0 .LBB2_2-.Ltmp0, $4  }
0x4f: {  	[sflag:s19] =	ssyncadd.s32 $0xFFFFFFC0  }
0x50: {  	[spmem:s1] =	stream.indirect.scatter.add.f32 [tilespmem:s18], [sflag:$0x1], $0x80, s2, s21, $0xb8;
	[tilespmem:$0x18080] =	vst v63  }
0x51: {  	_ =	swait.ge [sflag:s19], $0x2000  }
0x52: {  	s28 =	smov.u32 s30;
	[sflag:s19] =	ssyncset.done $0x0  }
0x53: {  	s26 =	sadd.s32 s26, s17;
	[sflag:s19] =	ssyncadd.s32 $0xFFFFE000  }
0x54: {  	[tilespmem:s2], [sflag:$0x1] =	stream.linear.gather [hbm4b:s26+s2], $0x40, $0x38;
	[tilespmem:$0x18080] =	vst v63  }
0x55: {  	_ =	swait.ge [sflag:s19], $0x40  }
0x56: {  	[sflag:s19] =	ssyncset.done $0x0  }
0x57: {  	[sflag:s19] =	ssyncadd.s32 $0xFFFFFFC0  }
0x58: {  	[spmem:s1] =	stream.indirect.scatter.add.f32 [tilespmem:s18], [sflag:$0x1], $0x80, s2, s21, $0xb8;
	[tilespmem:$0x18080] =	vst v63  }
0x59: {  	_ =	swait.ge [sflag:s19], $0x2000  }
0x5a: {  	s25 =	sadd.s32 $0x1, s25;
	[sflag:s19] =	ssyncset.done $0x0  }
0x5b: {  	p0 =	sne.s32 s25, s7;
	[sflag:s19] =	ssyncadd.s32 $0xFFFFE000  }
.Ltmp1:
0x5c: {  	[bflag:$0x0] =	sbarrier.arrive $0xFFFF;
	(pc) =	sbr.rel @p0 .LBB2_1-.Ltmp1, $4  }
0x5d: {  	[hbm:s22], [sflag:s23] =	dma.local [spmem:s24], $0x2800  }
0x5e: {  	_ =	swait.ge [sflag:s19], $0x2800  }
0x5f: {  	[sflag:s19] =	ssyncset.done $0x0  }
0x60: {  	[sflag:s19] =	ssyncadd.s32 $0xFFFFD800  }
0x61: {  	_ =	sfence.sel $0x180000  }
0x62: {  	[bflag:$0x0] =	sbarrier.arrive $0xFFFF  }
0x63: {  	p0 =	sne.s32 s3, $0x0;
	_ =	strace $0x9000004A  }
0x64: {  	s0 =	sadd.s32 @!p0 $0x100000, s0;
	[bflag:$0x2] =	sbarrier.arrive $0xFFFF  }
0x65: {  	[sflag:s0] =	ssyncadd.tile.s32 @!p0 $0x1;
	_ =	shalt  }
.Lfunc_end2:
_tile_overlayer_lowered:
.L_overlay_start_2:
0x66: {  	(tag) =	ssettag $0x2  }
0x67: {  	s0 =	rddreg [dreg:$0x0];
	s2 =	stileid.u32  }
0x68: {  	s1 =	rddreg [dreg:$0x1];
	p0 =	sne.s32 s2, $0x0  }
0x69: {  	s3 =	rddreg [dreg:$0x2];
	[bflag:$0x3] =	sbarrier.arrive $0xFFFF;
	s2 =	simm.s32 @!p0 $0x1C01  }
0x6a: {  	[timem:s3], [sflag:s2] =	dma.local @!p0 [hbm:s0], s1  }
0x6b: {  	s0 =	simm.s32 @!p0 $0x1  }
0x6c: {  	_ =	swait.ge @!p0 [sflag:s0], s1  }
0x6d: {  	s1 =	ssub.s32 @!p0 $0x0, s1;
	[sflag:s0] =	ssyncset.done @!p0 $0x0  }
0x6e: {  	[sflag:s0] =	ssyncadd.s32 @!p0 s1  }
0x6f: {  	[bflag:$0x3] =	sbarrier.arrive $0xFFFF  }
0x70: {  	_ =	shalt  }

</sc_bundles>
